<compile_context>
chip_gen: v7x
topology: tpu7x:2x2x1
jax: 0.10.2.dev20260603
libtpu: 0.0.44.dev20260713+nightly
codegen_flags: <defaults>
</compile_context>

<pallas_src>
import functools

import jax
import jax.numpy as jnp
from jax import lax
from jax.experimental import pallas as pl
from jax.experimental.pallas import tpu as pltpu
from jax.experimental.pallas import tpu_sc as plsc

N = 16384
C = 1000
NC = 2
NS = 16
NW = NC * NS
ROWS_PER_SUB = N // NW
BLK = 128
BLOCKS = ROWS_PER_SUB // BLK
LANE = 16


def _body(probT_hbm, tgt_hbm, rew_hbm, part_hbm,
          tgt_v, rew_v, val_v, acc_v,
          sem_s, sem_a, sem_b):
    wid = lax.axis_index("c") * NS + lax.axis_index("s")
    base = wid * ROWS_PER_SUB

    cp_t = pltpu.make_async_copy(
        tgt_hbm.at[pl.ds(base, ROWS_PER_SUB)], tgt_v, sem_s)
    cp_r = pltpu.make_async_copy(
        rew_hbm.at[pl.ds(base, ROWS_PER_SUB)], rew_v, sem_s)
    cp_t.start()
    cp_r.start()
    cp_t.wait()

    sems = (sem_a, sem_b)
    NBUF = len(sems)

    def fire(b):
        idx_ref = tgt_v.at[pl.ds(b * BLK, BLK)]
        cp = pltpu.make_async_copy(
            probT_hbm.at[idx_ref, pl.ds(base + b * BLK, BLK)],
            val_v.at[b % NBUF], sems[b % NBUF])
        cp.start()
        return cp

    iota = lax.iota(jnp.int32, LANE)
    cps = [fire(b) for b in range(min(NBUF, BLOCKS))]
    cp_r.wait()
    acc = jnp.zeros((LANE,), jnp.float32)
    for b in range(BLOCKS):
        cps[b].wait()

        def chunk(k, acc):
            def row2(i, d):
                d0, d1 = d
                r0 = val_v[b % NBUF, k * LANE + 2 * i, pl.ds(k * LANE, LANE)]
                r1 = val_v[b % NBUF, k * LANE + 2 * i + 1,
                           pl.ds(k * LANE, LANE)]
                d0 = jnp.where(iota == 2 * i, r0, d0)
                d1 = jnp.where(iota == 2 * i + 1, r1, d1)
                return (d0, d1)

            zero = jnp.zeros((LANE,), jnp.float32)
            d0, d1 = lax.fori_loop(0, LANE // 2, row2, (zero, zero))
            r = rew_v[pl.ds(b * BLK + k * LANE, LANE)]
            return acc + jnp.exp(d0 + d1) * r

        acc = lax.fori_loop(0, BLK // LANE, chunk, acc)
        if b + NBUF < BLOCKS:
            cps.append(fire(b + NBUF))
    acc_v[...] = acc
    pltpu.sync_copy(acc_v, part_hbm.at[wid])


def _tc_reduce(part_ref, out_ref):
    out_ref[0, 0] = jnp.sum(part_ref[...]) * (1.0 / N)


@jax.jit
def _ganloss_sc(probT, target, reward):
    mesh = plsc.VectorSubcoreMesh(core_axis_name="c", subcore_axis_name="s",
                                  num_cores=NC)
    k = functools.partial(
        pl.kernel,
        mesh=mesh,
        out_type=jax.ShapeDtypeStruct((NW, LANE), jnp.float32),
        scratch_types=[
            pltpu.VMEM((ROWS_PER_SUB,), jnp.int32),
            pltpu.VMEM((ROWS_PER_SUB,), jnp.float32),
            pltpu.VMEM((2, BLK, BLK), jnp.float32),
            pltpu.VMEM((LANE,), jnp.float32),
            pltpu.SemaphoreType.DMA,
            pltpu.SemaphoreType.DMA,
            pltpu.SemaphoreType.DMA,
        ],
    )(_body)
    part = k(probT, target, reward)
    out = pl.pallas_call(
        _tc_reduce,
        out_shape=jax.ShapeDtypeStruct((1, 1), jnp.float32),
        out_specs=pl.BlockSpec(memory_space=pltpu.SMEM),
    )(part)
    return out[0, 0]


def kernel(prob, target, reward):
    return _ganloss_sc(prob.T, target.astype(jnp.int32),
                       reward.astype(jnp.float32))

# --- scband reference (transcript-rebuilt; emitter-appended) ---
"""Pipeline reference for scband-ganloss-60129542144258 (READ-ONLY COPY).

The authoritative reference and input builder live on the scoring server;
editing this copy changes nothing except your own understanding.
"""

import jax, jax.numpy as jnp
import numpy as np


def setup_inputs(seed: int = 0) -> dict:
    key = jax.random.key(seed)
    k1, k2, k3 = jax.random.split(key, 3)
    N, C = 16384, 1000
    prob = jax.random.normal(k1, (N, C), dtype=jnp.float32)
    target = jax.random.randint(k2, (N,), 0, C, dtype=jnp.int64 if jax.config.jax_enable_x64 else jnp.int32)
    reward = jax.random.uniform(k3, (N,), dtype=jnp.float32)
    return {"prob": prob, "target": target, "reward": reward}


def reference(prob, target, reward):
    # Faithful translation of GANLoss.forward:
    #   one_hot = scatter(zeros(N,C), 1, target, 1) -> bool mask
    #   loss = masked_select(exp(prob), one_hot)  (one element per row, row-major order)
    #   loss = mean(loss * reward)
    N = target.shape[0]
    # masked_select with exactly one True per row (row-major) == per-row gather at target
    selected = jnp.take_along_axis(jnp.exp(prob), target.reshape(-1, 1).astype(jnp.int32), axis=1).reshape(N)
    loss = selected * reward
    loss = jnp.mean(loss)
    return loss

if __name__ == "__main__":
    import jax
    _d = setup_inputs()
    print(jax.jit(kernel)(*tuple(_d.values())))

</pallas_src>

<mosaic_0001>
#map = affine_map<(d0, d1) -> (0, 0)>
#map1 = affine_map<(d0, d1) -> (0)>
module attributes {stable_mosaic.version = 14 : i64} {
  func.func @_body(%arg0: i32, %arg1: i32, %arg2: memref<1000x16384xf32, #tpu.memory_space<hbm>>, %arg3: memref<16384xi32, #tpu.memory_space<hbm>>, %arg4: memref<16384xf32, #tpu.memory_space<hbm>>, %arg5: memref<32x16xf32, #tpu.memory_space<hbm>>, %arg6: memref<512xi32, #tpu.memory_space<vmem>>, %arg7: memref<512xf32, #tpu.memory_space<vmem>>, %arg8: memref<2x128x128xf32, #tpu.memory_space<vmem>>, %arg9: memref<16xf32, #tpu.memory_space<vmem>>, %arg10: memref<!tpu.dma_semaphore, #tpu.memory_space<semaphore_mem>>, %arg11: memref<!tpu.dma_semaphore, #tpu.memory_space<semaphore_mem>>, %arg12: memref<!tpu.dma_semaphore, #tpu.memory_space<semaphore_mem>>) attributes {dimension_semantics = [#tpu.dimension_semantics<core_parallel>, #tpu.dimension_semantics<subcore_parallel>], iteration_bounds = array<i64: 2, 16>, scalar_prefetch = 0 : i64, scratch_operands = 7 : i64, tpu.core_type = #tpu.core_type<sc_vector_subcore>, window_params = [{transform_indices = #map}, {transform_indices = #map1}, {transform_indices = #map1}, {transform_indices = #map}]} {
    %mul3A = arith.constant 16 : i32
    %mul3A_0 = arith.muli %arg0, %mul3A : i32
    %add3A = arith.addi %mul3A_0, %arg1 : i32
    %mul3A_1 = arith.constant 512 : i32
    %mul3A_2 = arith.muli %add3A, %mul3A_1 : i32
    %dma_start3A = tpu.memref_slice %arg3[%mul3A_2] : memref<16384xi32, #tpu.memory_space<hbm>> -> memref<512xi32, #tpu.memory_space<hbm>>
    %dma_start3A_3 = tpu.memref_slice %arg3[%mul3A_2] : memref<16384xi32, #tpu.memory_space<hbm>> -> memref<512xi32, #tpu.memory_space<hbm>>
    tpu.enqueue_dma source(%dma_start3A_3 : memref<512xi32, #tpu.memory_space<hbm>>) target(%arg6 : memref<512xi32, #tpu.memory_space<vmem>>) target_semaphore(%arg10 : memref<!tpu.dma_semaphore, #tpu.memory_space<semaphore_mem>>)
    %dma_start3A_4 = tpu.memref_slice %arg4[%mul3A_2] : memref<16384xf32, #tpu.memory_space<hbm>> -> memref<512xf32, #tpu.memory_space<hbm>>
    %dma_start3A_5 = tpu.memref_slice %arg4[%mul3A_2] : memref<16384xf32, #tpu.memory_space<hbm>> -> memref<512xf32, #tpu.memory_space<hbm>>
    tpu.enqueue_dma source(%dma_start3A_5 : memref<512xf32, #tpu.memory_space<hbm>>) target(%arg7 : memref<512xf32, #tpu.memory_space<vmem>>) target_semaphore(%arg10 : memref<!tpu.dma_semaphore, #tpu.memory_space<semaphore_mem>>)
    %dma_wait3A = tpu.memref_slice %arg3[%mul3A_2] : memref<16384xi32, #tpu.memory_space<hbm>> -> memref<512xi32, #tpu.memory_space<hbm>>
    %dma_wait3A_6 = tpu.memref_slice %arg3[%mul3A_2] : memref<16384xi32, #tpu.memory_space<hbm>> -> memref<512xi32, #tpu.memory_space<hbm>>
    tpu.wait_dma2 semaphore(%arg10 : memref<!tpu.dma_semaphore, #tpu.memory_space<semaphore_mem>>) src(%dma_wait3A_6 : memref<512xi32, #tpu.memory_space<hbm>>) dst(%arg6 : memref<512xi32, #tpu.memory_space<vmem>>)
    %iota3A = tpu.iota {dimensions = array<i32: 0>} : vector<16xi32>
    %add3A_7 = arith.constant 0 : i32
    %add3A_8 = arith.addi %mul3A_2, %add3A_7 : i32
    %dma_start3A_9 = arith.constant 0 : i32
    %dma_start3A_10 = arith.constant 0 : i32
    %dma_start3A_11 = arith.constant 0 : i32
    %dma_start3A_12 = tpu.memref_slice %arg8[%dma_start3A_9, %dma_start3A_10, %dma_start3A_11] : memref<2x128x128xf32, #tpu.memory_space<vmem>> -> memref<1x128x128xf32, #tpu.memory_space<vmem>>
    %dma_start3A_13 = tpu.memref_squeeze %dma_start3A_12 : memref<1x128x128xf32, #tpu.memory_space<vmem>> -> memref<128x128xf32, #tpu.memory_space<vmem>>
    %dma_start3A_14 = arith.constant 0 : i32
    %dma_start3A_15 = tpu.memref_slice %arg6[%dma_start3A_14] : memref<512xi32, #tpu.memory_space<vmem>> -> memref<128xi32, #tpu.memory_space<vmem>>
    %dma_start3A_16 = arith.constant 0 : i32
    %dma_start3A_17 = tpu.memref_slice %arg2[%dma_start3A_16, %add3A_8] : memref<1000x16384xf32, #tpu.memory_space<hbm>> -> memref<1000x128xf32, #tpu.memory_space<hbm>>
    tpu.enqueue_indirect_dma source(%dma_start3A_17 : memref<1000x128xf32, #tpu.memory_space<hbm>>) target(%dma_start3A_13 : memref<128x128xf32, #tpu.memory_space<vmem>>) offsets(%dma_start3A_15 : memref<128xi32, #tpu.memory_space<vmem>>) semaphore(%arg11 : memref<!tpu.dma_semaphore, #tpu.memory_space<semaphore_mem>>)
    %add3A_18 = arith.constant 128 : i32
    %add3A_19 = arith.addi %mul3A_2, %add3A_18 : i32
    %dma_start3A_20 = arith.constant 1 : i32
    %dma_start3A_21 = arith.constant 0 : i32
    %dma_start3A_22 = arith.constant 0 : i32
    %dma_start3A_23 = tpu.memref_slice %arg8[%dma_start3A_20, %dma_start3A_21, %dma_start3A_22] : memref<2x128x128xf32, #tpu.memory_space<vmem>> -> memref<1x128x128xf32, #tpu.memory_space<vmem>>
    %dma_start3A_24 = tpu.memref_squeeze %dma_start3A_23 : memref<1x128x128xf32, #tpu.memory_space<vmem>> -> memref<128x128xf32, #tpu.memory_space<vmem>>
    %dma_start3A_25 = arith.constant 128 : i32
    %dma_start3A_26 = tpu.memref_slice %arg6[%dma_start3A_25] : memref<512xi32, #tpu.memory_space<vmem>> -> memref<128xi32, #tpu.memory_space<vmem>>
    %dma_start3A_27 = arith.constant 0 : i32
    %dma_start3A_28 = tpu.memref_slice %arg2[%dma_start3A_27, %add3A_19] : memref<1000x16384xf32, #tpu.memory_space<hbm>> -> memref<1000x128xf32, #tpu.memory_space<hbm>>
    tpu.enqueue_indirect_dma source(%dma_start3A_28 : memref<1000x128xf32, #tpu.memory_space<hbm>>) target(%dma_start3A_24 : memref<128x128xf32, #tpu.memory_space<vmem>>) offsets(%dma_start3A_26 : memref<128xi32, #tpu.memory_space<vmem>>) semaphore(%arg12 : memref<!tpu.dma_semaphore, #tpu.memory_space<semaphore_mem>>)
    %dma_wait3A_29 = tpu.memref_slice %arg4[%mul3A_2] : memref<16384xf32, #tpu.memory_space<hbm>> -> memref<512xf32, #tpu.memory_space<hbm>>
    %dma_wait3A_30 = tpu.memref_slice %arg4[%mul3A_2] : memref<16384xf32, #tpu.memory_space<hbm>> -> memref<512xf32, #tpu.memory_space<hbm>>
    tpu.wait_dma2 semaphore(%arg10 : memref<!tpu.dma_semaphore, #tpu.memory_space<semaphore_mem>>) src(%dma_wait3A_30 : memref<512xf32, #tpu.memory_space<hbm>>) dst(%arg7 : memref<512xf32, #tpu.memory_space<vmem>>)
    %broadcast_in_dim3A = arith.constant 0.000000e+00 : f32
    %broadcast_in_dim3A_31 = vector.broadcast %broadcast_in_dim3A : f32 to vector<16xf32>
    %dma_wait3A_32 = arith.constant 0 : i32
    %dma_wait3A_33 = arith.constant 0 : i32
    %dma_wait3A_34 = arith.constant 0 : i32
    %dma_wait3A_35 = tpu.memref_slice %arg8[%dma_wait3A_32, %dma_wait3A_33, %dma_wait3A_34] : memref<2x128x128xf32, #tpu.memory_space<vmem>> -> memref<1x128x128xf32, #tpu.memory_space<vmem>>
    %dma_wait3A_36 = tpu.memref_squeeze %dma_wait3A_35 : memref<1x128x128xf32, #tpu.memory_space<vmem>> -> memref<128x128xf32, #tpu.memory_space<vmem>>
    %dma_wait3A_37 = arith.constant 0 : i32
    %dma_wait3A_38 = tpu.memref_slice %arg6[%dma_wait3A_37] : memref<512xi32, #tpu.memory_space<vmem>> -> memref<128xi32, #tpu.memory_space<vmem>>
    %dma_wait3A_39 = arith.constant 0 : i32
    %dma_wait3A_40 = tpu.memref_slice %arg2[%dma_wait3A_39, %add3A_8] : memref<1000x16384xf32, #tpu.memory_space<hbm>> -> memref<1000x128xf32, #tpu.memory_space<hbm>>
    tpu.wait_indirect_dma semaphore(%arg11 : memref<!tpu.dma_semaphore, #tpu.memory_space<semaphore_mem>>) src(%dma_wait3A_40 : memref<1000x128xf32, #tpu.memory_space<hbm>>) dst(%dma_wait3A_36 : memref<128x128xf32, #tpu.memory_space<vmem>>)
    %scan3A = arith.constant 0 : i32
    %scan3A_41 = arith.constant 8 : i32
    %scan3A_42 = arith.addi %scan3A, %scan3A_41 : i32
    %scan3A_43 = arith.constant 1 : i32
    %scan3A_44 = scf.for %scan3A_116 = %scan3A to %scan3A_42 step %scan3A_43 iter_args(%scan3A_117 = %broadcast_in_dim3A_31) -> (vector<16xf32>)  : i32 {
      %broadcast_in_dim3A_118 = arith.constant 0.000000e+00 : f32
      %broadcast_in_dim3A_119 = vector.broadcast %broadcast_in_dim3A_118 : f32 to vector<16xf32>
      %scan3A_120 = arith.constant 0 : i32
      %scan3A_121 = arith.constant 8 : i32
      %scan3A_122 = arith.addi %scan3A_120, %scan3A_121 : i32
      %scan3A_123 = arith.constant 1 : i32
      %scan3A_124:2 = scf.for %scan3A_135 = %scan3A_120 to %scan3A_122 step %scan3A_123 iter_args(%scan3A_136 = %broadcast_in_dim3A_119, %scan3A_137 = %broadcast_in_dim3A_119) -> (vector<16xf32>, vector<16xf32>)  : i32 {
        %mul3A_138 = arith.constant 16 : i32
        %mul3A_139 = arith.muli %scan3A_116, %mul3A_138 : i32
        %mul3A_140 = arith.constant 2 : i32
        %mul3A_141 = arith.muli %mul3A_140, %scan3A_135 : i32
        %add3A_142 = arith.addi %mul3A_139, %mul3A_141 : i32
        %mul3A_143 = arith.constant 16 : i32
        %mul3A_144 = arith.muli %scan3A_116, %mul3A_143 : i32
        %get3A_145 = arith.constant 0 : i32
        %get3A_146 = arith.index_cast %get3A_145 : i32 to index
        %get3A_147 = arith.index_cast %add3A_142 : i32 to index
        %get3A_148 = arith.index_cast %mul3A_144 : i32 to index
        %get3A_149 = tpu.vector_load %arg8[%get3A_146, %get3A_147, %get3A_148] {strides = array<i32>} : memref<2x128x128xf32, #tpu.memory_space<vmem>>, vector<1x1x16xf32>,
        %get3A_150 = vector.shape_cast %get3A_149 : vector<1x1x16xf32> to vector<16xf32>
        %mul3A_151 = arith.constant 16 : i32
        %mul3A_152 = arith.muli %scan3A_116, %mul3A_151 : i32
        %mul3A_153 = arith.constant 2 : i32
        %mul3A_154 = arith.muli %mul3A_153, %scan3A_135 : i32
        %add3A_155 = arith.addi %mul3A_152, %mul3A_154 : i32
        %add3A_156 = arith.constant 1 : i32
        %add3A_157 = arith.addi %add3A_155, %add3A_156 : i32
        %mul3A_158 = arith.constant 16 : i32
        %mul3A_159 = arith.muli %scan3A_116, %mul3A_158 : i32
        %get3A_160 = arith.constant 0 : i32
        %get3A_161 = arith.index_cast %get3A_160 : i32 to index
        %get3A_162 = arith.index_cast %add3A_157 : i32 to index
        %get3A_163 = arith.index_cast %mul3A_159 : i32 to index
        %get3A_164 = tpu.vector_load %arg8[%get3A_161, %get3A_162, %get3A_163] {strides = array<i32>} : memref<2x128x128xf32, #tpu.memory_space<vmem>>, vector<1x1x16xf32>,
        %get3A_165 = vector.shape_cast %get3A_164 : vector<1x1x16xf32> to vector<16xf32>
        %mul3A_166 = arith.constant 2 : i32
        %mul3A_167 = arith.muli %mul3A_166, %scan3A_135 : i32
        %eq3A = vector.broadcast %mul3A_167 : i32 to vector<16xi32>
        %eq3A_168 = arith.cmpi eq, %iota3A, %eq3A : vector<16xi32>
        %select_n3A = arith.select %eq3A_168, %get3A_150, %scan3A_136 : vector<16xi1>, vector<16xf32>
        %mul3A_169 = arith.constant 2 : i32
        %mul3A_170 = arith.muli %mul3A_169, %scan3A_135 : i32
        %add3A_171 = arith.constant 1 : i32
        %add3A_172 = arith.addi %mul3A_170, %add3A_171 : i32
        %eq3A_173 = vector.broadcast %add3A_172 : i32 to vector<16xi32>
        %eq3A_174 = arith.cmpi eq, %iota3A, %eq3A_173 : vector<16xi32>
        %select_n3A_175 = arith.select %eq3A_174, %get3A_165, %scan3A_137 : vector<16xi1>, vector<16xf32>
        scf.yield %select_n3A, %select_n3A_175 : vector<16xf32>, vector<16xf32>
      }
      %scan3A_125 = arith.constant 8 : i32
      %mul3A_126 = arith.constant 16 : i32
      %mul3A_127 = arith.muli %scan3A_116, %mul3A_126 : i32
      %add3A_128 = arith.constant 0 : i32
      %add3A_129 = arith.addi %add3A_128, %mul3A_127 : i32
      %get3A = arith.index_cast %add3A_129 : i32 to index
      %get3A_130 = tpu.vector_load %arg7[%get3A] {strides = array<i32>} : memref<512xf32, #tpu.memory_space<vmem>>, vector<16xf32>,
      %get3A_131 = vector.shape_cast %get3A_130 : vector<16xf32> to vector<16xf32>
      %add3A_132 = arith.addf %scan3A_124#0, %scan3A_124#1 : vector<16xf32>
      %exp3A = math.exp %add3A_132 : vector<16xf32>
      %mul3A_133 = arith.mulf %exp3A, %get3A_131 : vector<16xf32>
      %add3A_134 = arith.addf %scan3A_117, %mul3A_133 : vector<16xf32>
      scf.yield %add3A_134 : vector<16xf32>
    }
    %scan3A_45 = arith.constant 8 : i32
    %add3A_46 = arith.constant 256 : i32
    %add3A_47 = arith.addi %mul3A_2, %add3A_46 : i32
    %dma_start3A_48 = arith.constant 0 : i32
    %dma_start3A_49 = arith.constant 0 : i32
    %dma_start3A_50 = arith.constant 0 : i32
    %dma_start3A_51 = tpu.memref_slice %arg8[%dma_start3A_48, %dma_start3A_49, %dma_start3A_50] : memref<2x128x128xf32, #tpu.memory_space<vmem>> -> memref<1x128x128xf32, #tpu.memory_space<vmem>>
    %dma_start3A_52 = tpu.memref_squeeze %dma_start3A_51 : memref<1x128x128xf32, #tpu.memory_space<vmem>> -> memref<128x128xf32, #tpu.memory_space<vmem>>
    %dma_start3A_53 = arith.constant 256 : i32
    %dma_start3A_54 = tpu.memref_slice %arg6[%dma_start3A_53] : memref<512xi32, #tpu.memory_space<vmem>> -> memref<128xi32, #tpu.memory_space<vmem>>
    %dma_start3A_55 = arith.constant 0 : i32
    %dma_start3A_56 = tpu.memref_slice %arg2[%dma_start3A_55, %add3A_47] : memref<1000x16384xf32, #tpu.memory_space<hbm>> -> memref<1000x128xf32, #tpu.memory_space<hbm>>
    tpu.enqueue_indirect_dma source(%dma_start3A_56 : memref<1000x128xf32, #tpu.memory_space<hbm>>) target(%dma_start3A_52 : memref<128x128xf32, #tpu.memory_space<vmem>>) offsets(%dma_start3A_54 : memref<128xi32, #tpu.memory_space<vmem>>) semaphore(%arg11 : memref<!tpu.dma_semaphore, #tpu.memory_space<semaphore_mem>>)
    %dma_wait3A_57 = arith.constant 1 : i32
    %dma_wait3A_58 = arith.constant 0 : i32
    %dma_wait3A_59 = arith.constant 0 : i32
    %dma_wait3A_60 = tpu.memref_slice %arg8[%dma_wait3A_57, %dma_wait3A_58, %dma_wait3A_59] : memref<2x128x128xf32, #tpu.memory_space<vmem>> -> memref<1x128x128xf32, #tpu.memory_space<vmem>>
    %dma_wait3A_61 = tpu.memref_squeeze %dma_wait3A_60 : memref<1x128x128xf32, #tpu.memory_space<vmem>> -> memref<128x128xf32, #tpu.memory_space<vmem>>
    %dma_wait3A_62 = arith.constant 128 : i32
    %dma_wait3A_63 = tpu.memref_slice %arg6[%dma_wait3A_62] : memref<512xi32, #tpu.memory_space<vmem>> -> memref<128xi32, #tpu.memory_space<vmem>>
    %dma_wait3A_64 = arith.constant 0 : i32
    %dma_wait3A_65 = tpu.memref_slice %arg2[%dma_wait3A_64, %add3A_19] : memref<1000x16384xf32, #tpu.memory_space<hbm>> -> memref<1000x128xf32, #tpu.memory_space<hbm>>
    tpu.wait_indirect_dma semaphore(%arg12 : memref<!tpu.dma_semaphore, #tpu.memory_space<semaphore_mem>>) src(%dma_wait3A_65 : memref<1000x128xf32, #tpu.memory_space<hbm>>) dst(%dma_wait3A_61 : memref<128x128xf32, #tpu.memory_space<vmem>>)
    %scan3A_66 = arith.constant 0 : i32
    %scan3A_67 = arith.constant 8 : i32
    %scan3A_68 = arith.addi %scan3A_66, %scan3A_67 : i32
    %scan3A_69 = arith.constant 1 : i32
    %scan3A_70 = scf.for %scan3A_116 = %scan3A_66 to %scan3A_68 step %scan3A_69 iter_args(%scan3A_117 = %scan3A_44) -> (vector<16xf32>)  : i32 {
      %broadcast_in_dim3A_118 = arith.constant 0.000000e+00 : f32
      %broadcast_in_dim3A_119 = vector.broadcast %broadcast_in_dim3A_118 : f32 to vector<16xf32>
      %scan3A_120 = arith.constant 0 : i32
      %scan3A_121 = arith.constant 8 : i32
      %scan3A_122 = arith.addi %scan3A_120, %scan3A_121 : i32
      %scan3A_123 = arith.constant 1 : i32
      %scan3A_124:2 = scf.for %scan3A_135 = %scan3A_120 to %scan3A_122 step %scan3A_123 iter_args(%scan3A_136 = %broadcast_in_dim3A_119, %scan3A_137 = %broadcast_in_dim3A_119) -> (vector<16xf32>, vector<16xf32>)  : i32 {
        %mul3A_138 = arith.constant 16 : i32
        %mul3A_139 = arith.muli %scan3A_116, %mul3A_138 : i32
        %mul3A_140 = arith.constant 2 : i32
        %mul3A_141 = arith.muli %mul3A_140, %scan3A_135 : i32
        %add3A_142 = arith.addi %mul3A_139, %mul3A_141 : i32
        %mul3A_143 = arith.constant 16 : i32
        %mul3A_144 = arith.muli %scan3A_116, %mul3A_143 : i32
        %get3A_145 = arith.constant 1 : i32
        %get3A_146 = arith.index_cast %get3A_145 : i32 to index
        %get3A_147 = arith.index_cast %add3A_142 : i32 to index
        %get3A_148 = arith.index_cast %mul3A_144 : i32 to index
        %get3A_149 = tpu.vector_load %arg8[%get3A_146, %get3A_147, %get3A_148] {strides = array<i32>} : memref<2x128x128xf32, #tpu.memory_space<vmem>>, vector<1x1x16xf32>,
        %get3A_150 = vector.shape_cast %get3A_149 : vector<1x1x16xf32> to vector<16xf32>
        %mul3A_151 = arith.constant 16 : i32
        %mul3A_152 = arith.muli %scan3A_116, %mul3A_151 : i32
        %mul3A_153 = arith.constant 2 : i32
        %mul3A_154 = arith.muli %mul3A_153, %scan3A_135 : i32
        %add3A_155 = arith.addi %mul3A_152, %mul3A_154 : i32
        %add3A_156 = arith.constant 1 : i32
        %add3A_157 = arith.addi %add3A_155, %add3A_156 : i32
        %mul3A_158 = arith.constant 16 : i32
        %mul3A_159 = arith.muli %scan3A_116, %mul3A_158 : i32
        %get3A_160 = arith.constant 1 : i32
        %get3A_161 = arith.index_cast %get3A_160 : i32 to index
        %get3A_162 = arith.index_cast %add3A_157 : i32 to index
        %get3A_163 = arith.index_cast %mul3A_159 : i32 to index
        %get3A_164 = tpu.vector_load %arg8[%get3A_161, %get3A_162, %get3A_163] {strides = array<i32>} : memref<2x128x128xf32, #tpu.memory_space<vmem>>, vector<1x1x16xf32>,
        %get3A_165 = vector.shape_cast %get3A_164 : vector<1x1x16xf32> to vector<16xf32>
        %mul3A_166 = arith.constant 2 : i32
        %mul3A_167 = arith.muli %mul3A_166, %scan3A_135 : i32
        %eq3A = vector.broadcast %mul3A_167 : i32 to vector<16xi32>
        %eq3A_168 = arith.cmpi eq, %iota3A, %eq3A : vector<16xi32>
        %select_n3A = arith.select %eq3A_168, %get3A_150, %scan3A_136 : vector<16xi1>, vector<16xf32>
        %mul3A_169 = arith.constant 2 : i32
        %mul3A_170 = arith.muli %mul3A_169, %scan3A_135 : i32
        %add3A_171 = arith.constant 1 : i32
        %add3A_172 = arith.addi %mul3A_170, %add3A_171 : i32
        %eq3A_173 = vector.broadcast %add3A_172 : i32 to vector<16xi32>
        %eq3A_174 = arith.cmpi eq, %iota3A, %eq3A_173 : vector<16xi32>
        %select_n3A_175 = arith.select %eq3A_174, %get3A_165, %scan3A_137 : vector<16xi1>, vector<16xf32>
        scf.yield %select_n3A, %select_n3A_175 : vector<16xf32>, vector<16xf32>
      }
      %scan3A_125 = arith.constant 8 : i32
      %mul3A_126 = arith.constant 16 : i32
      %mul3A_127 = arith.muli %scan3A_116, %mul3A_126 : i32
      %add3A_128 = arith.constant 128 : i32
      %add3A_129 = arith.addi %add3A_128, %mul3A_127 : i32
      %get3A = arith.index_cast %add3A_129 : i32 to index
      %get3A_130 = tpu.vector_load %arg7[%get3A] {strides = array<i32>} : memref<512xf32, #tpu.memory_space<vmem>>, vector<16xf32>,
      %get3A_131 = vector.shape_cast %get3A_130 : vector<16xf32> to vector<16xf32>
      %add3A_132 = arith.addf %scan3A_124#0, %scan3A_124#1 : vector<16xf32>
      %exp3A = math.exp %add3A_132 : vector<16xf32>
      %mul3A_133 = arith.mulf %exp3A, %get3A_131 : vector<16xf32>
      %add3A_134 = arith.addf %scan3A_117, %mul3A_133 : vector<16xf32>
      scf.yield %add3A_134 : vector<16xf32>
    }
    %scan3A_71 = arith.constant 8 : i32
    %add3A_72 = arith.constant 384 : i32
    %add3A_73 = arith.addi %mul3A_2, %add3A_72 : i32
    %dma_start3A_74 = arith.constant 1 : i32
    %dma_start3A_75 = arith.constant 0 : i32
    %dma_start3A_76 = arith.constant 0 : i32
    %dma_start3A_77 = tpu.memref_slice %arg8[%dma_start3A_74, %dma_start3A_75, %dma_start3A_76] : memref<2x128x128xf32, #tpu.memory_space<vmem>> -> memref<1x128x128xf32, #tpu.memory_space<vmem>>
    %dma_start3A_78 = tpu.memref_squeeze %dma_start3A_77 : memref<1x128x128xf32, #tpu.memory_space<vmem>> -> memref<128x128xf32, #tpu.memory_space<vmem>>
    %dma_start3A_79 = arith.constant 384 : i32
    %dma_start3A_80 = tpu.memref_slice %arg6[%dma_start3A_79] : memref<512xi32, #tpu.memory_space<vmem>> -> memref<128xi32, #tpu.memory_space<vmem>>
    %dma_start3A_81 = arith.constant 0 : i32
    %dma_start3A_82 = tpu.memref_slice %arg2[%dma_start3A_81, %add3A_73] : memref<1000x16384xf32, #tpu.memory_space<hbm>> -> memref<1000x128xf32, #tpu.memory_space<hbm>>
    tpu.enqueue_indirect_dma source(%dma_start3A_82 : memref<1000x128xf32, #tpu.memory_space<hbm>>) target(%dma_start3A_78 : memref<128x128xf32, #tpu.memory_space<vmem>>) offsets(%dma_start3A_80 : memref<128xi32, #tpu.memory_space<vmem>>) semaphore(%arg12 : memref<!tpu.dma_semaphore, #tpu.memory_space<semaphore_mem>>)
    %dma_wait3A_83 = arith.constant 0 : i32
    %dma_wait3A_84 = arith.constant 0 : i32
    %dma_wait3A_85 = arith.constant 0 : i32
    %dma_wait3A_86 = tpu.memref_slice %arg8[%dma_wait3A_83, %dma_wait3A_84, %dma_wait3A_85] : memref<2x128x128xf32, #tpu.memory_space<vmem>> -> memref<1x128x128xf32, #tpu.memory_space<vmem>>
    %dma_wait3A_87 = tpu.memref_squeeze %dma_wait3A_86 : memref<1x128x128xf32, #tpu.memory_space<vmem>> -> memref<128x128xf32, #tpu.memory_space<vmem>>
    %dma_wait3A_88 = arith.constant 256 : i32
    %dma_wait3A_89 = tpu.memref_slice %arg6[%dma_wait3A_88] : memref<512xi32, #tpu.memory_space<vmem>> -> memref<128xi32, #tpu.memory_space<vmem>>
    %dma_wait3A_90 = arith.constant 0 : i32
    %dma_wait3A_91 = tpu.memref_slice %arg2[%dma_wait3A_90, %add3A_47] : memref<1000x16384xf32, #tpu.memory_space<hbm>> -> memref<1000x128xf32, #tpu.memory_space<hbm>>
    tpu.wait_indirect_dma semaphore(%arg11 : memref<!tpu.dma_semaphore, #tpu.memory_space<semaphore_mem>>) src(%dma_wait3A_91 : memref<1000x128xf32, #tpu.memory_space<hbm>>) dst(%dma_wait3A_87 : memref<128x128xf32, #tpu.memory_space<vmem>>)
    %scan3A_92 = arith.constant 0 : i32
    %scan3A_93 = arith.constant 8 : i32
    %scan3A_94 = arith.addi %scan3A_92, %scan3A_93 : i32
    %scan3A_95 = arith.constant 1 : i32
    %scan3A_96 = scf.for %scan3A_116 = %scan3A_92 to %scan3A_94 step %scan3A_95 iter_args(%scan3A_117 = %scan3A_70) -> (vector<16xf32>)  : i32 {
      %broadcast_in_dim3A_118 = arith.constant 0.000000e+00 : f32
      %broadcast_in_dim3A_119 = vector.broadcast %broadcast_in_dim3A_118 : f32 to vector<16xf32>
      %scan3A_120 = arith.constant 0 : i32
      %scan3A_121 = arith.constant 8 : i32
      %scan3A_122 = arith.addi %scan3A_120, %scan3A_121 : i32
      %scan3A_123 = arith.constant 1 : i32
      %scan3A_124:2 = scf.for %scan3A_135 = %scan3A_120 to %scan3A_122 step %scan3A_123 iter_args(%scan3A_136 = %broadcast_in_dim3A_119, %scan3A_137 = %broadcast_in_dim3A_119) -> (vector<16xf32>, vector<16xf32>)  : i32 {
        %mul3A_138 = arith.constant 16 : i32
        %mul3A_139 = arith.muli %scan3A_116, %mul3A_138 : i32
        %mul3A_140 = arith.constant 2 : i32
        %mul3A_141 = arith.muli %mul3A_140, %scan3A_135 : i32
        %add3A_142 = arith.addi %mul3A_139, %mul3A_141 : i32
        %mul3A_143 = arith.constant 16 : i32
        %mul3A_144 = arith.muli %scan3A_116, %mul3A_143 : i32
        %get3A_145 = arith.constant 0 : i32
        %get3A_146 = arith.index_cast %get3A_145 : i32 to index
        %get3A_147 = arith.index_cast %add3A_142 : i32 to index
        %get3A_148 = arith.index_cast %mul3A_144 : i32 to index
        %get3A_149 = tpu.vector_load %arg8[%get3A_146, %get3A_147, %get3A_148] {strides = array<i32>} : memref<2x128x128xf32, #tpu.memory_space<vmem>>, vector<1x1x16xf32>,
        %get3A_150 = vector.shape_cast %get3A_149 : vector<1x1x16xf32> to vector<16xf32>
        %mul3A_151 = arith.constant 16 : i32
        %mul3A_152 = arith.muli %scan3A_116, %mul3A_151 : i32
        %mul3A_153 = arith.constant 2 : i32
        %mul3A_154 = arith.muli %mul3A_153, %scan3A_135 : i32
        %add3A_155 = arith.addi %mul3A_152, %mul3A_154 : i32
        %add3A_156 = arith.constant 1 : i32
        %add3A_157 = arith.addi %add3A_155, %add3A_156 : i32
        %mul3A_158 = arith.constant 16 : i32
        %mul3A_159 = arith.muli %scan3A_116, %mul3A_158 : i32
        %get3A_160 = arith.constant 0 : i32
        %get3A_161 = arith.index_cast %get3A_160 : i32 to index
        %get3A_162 = arith.index_cast %add3A_157 : i32 to index
        %get3A_163 = arith.index_cast %mul3A_159 : i32 to index
        %get3A_164 = tpu.vector_load %arg8[%get3A_161, %get3A_162, %get3A_163] {strides = array<i32>} : memref<2x128x128xf32, #tpu.memory_space<vmem>>, vector<1x1x16xf32>,
        %get3A_165 = vector.shape_cast %get3A_164 : vector<1x1x16xf32> to vector<16xf32>
        %mul3A_166 = arith.constant 2 : i32
        %mul3A_167 = arith.muli %mul3A_166, %scan3A_135 : i32
        %eq3A = vector.broadcast %mul3A_167 : i32 to vector<16xi32>
        %eq3A_168 = arith.cmpi eq, %iota3A, %eq3A : vector<16xi32>
        %select_n3A = arith.select %eq3A_168, %get3A_150, %scan3A_136 : vector<16xi1>, vector<16xf32>
        %mul3A_169 = arith.constant 2 : i32
        %mul3A_170 = arith.muli %mul3A_169, %scan3A_135 : i32
        %add3A_171 = arith.constant 1 : i32
        %add3A_172 = arith.addi %mul3A_170, %add3A_171 : i32
        %eq3A_173 = vector.broadcast %add3A_172 : i32 to vector<16xi32>
        %eq3A_174 = arith.cmpi eq, %iota3A, %eq3A_173 : vector<16xi32>
        %select_n3A_175 = arith.select %eq3A_174, %get3A_165, %scan3A_137 : vector<16xi1>, vector<16xf32>
        scf.yield %select_n3A, %select_n3A_175 : vector<16xf32>, vector<16xf32>
      }
      %scan3A_125 = arith.constant 8 : i32
      %mul3A_126 = arith.constant 16 : i32
      %mul3A_127 = arith.muli %scan3A_116, %mul3A_126 : i32
      %add3A_128 = arith.constant 256 : i32
      %add3A_129 = arith.addi %add3A_128, %mul3A_127 : i32
      %get3A = arith.index_cast %add3A_129 : i32 to index
      %get3A_130 = tpu.vector_load %arg7[%get3A] {strides = array<i32>} : memref<512xf32, #tpu.memory_space<vmem>>, vector<16xf32>,
      %get3A_131 = vector.shape_cast %get3A_130 : vector<16xf32> to vector<16xf32>
      %add3A_132 = arith.addf %scan3A_124#0, %scan3A_124#1 : vector<16xf32>
      %exp3A = math.exp %add3A_132 : vector<16xf32>
      %mul3A_133 = arith.mulf %exp3A, %get3A_131 : vector<16xf32>
      %add3A_134 = arith.addf %scan3A_117, %mul3A_133 : vector<16xf32>
      scf.yield %add3A_134 : vector<16xf32>
    }
    %scan3A_97 = arith.constant 8 : i32
    %dma_wait3A_98 = arith.constant 1 : i32
    %dma_wait3A_99 = arith.constant 0 : i32
    %dma_wait3A_100 = arith.constant 0 : i32
    %dma_wait3A_101 = tpu.memref_slice %arg8[%dma_wait3A_98, %dma_wait3A_99, %dma_wait3A_100] : memref<2x128x128xf32, #tpu.memory_space<vmem>> -> memref<1x128x128xf32, #tpu.memory_space<vmem>>
    %dma_wait3A_102 = tpu.memref_squeeze %dma_wait3A_101 : memref<1x128x128xf32, #tpu.memory_space<vmem>> -> memref<128x128xf32, #tpu.memory_space<vmem>>
    %dma_wait3A_103 = arith.constant 384 : i32
    %dma_wait3A_104 = tpu.memref_slice %arg6[%dma_wait3A_103] : memref<512xi32, #tpu.memory_space<vmem>> -> memref<128xi32, #tpu.memory_space<vmem>>
    %dma_wait3A_105 = arith.constant 0 : i32
    %dma_wait3A_106 = tpu.memref_slice %arg2[%dma_wait3A_105, %add3A_73] : memref<1000x16384xf32, #tpu.memory_space<hbm>> -> memref<1000x128xf32, #tpu.memory_space<hbm>>
    tpu.wait_indirect_dma semaphore(%arg12 : memref<!tpu.dma_semaphore, #tpu.memory_space<semaphore_mem>>) src(%dma_wait3A_106 : memref<1000x128xf32, #tpu.memory_space<hbm>>) dst(%dma_wait3A_102 : memref<128x128xf32, #tpu.memory_space<vmem>>)
    %scan3A_107 = arith.constant 0 : i32
    %scan3A_108 = arith.constant 8 : i32
    %scan3A_109 = arith.addi %scan3A_107, %scan3A_108 : i32
    %scan3A_110 = arith.constant 1 : i32
    %scan3A_111 = scf.for %scan3A_116 = %scan3A_107 to %scan3A_109 step %scan3A_110 iter_args(%scan3A_117 = %scan3A_96) -> (vector<16xf32>)  : i32 {
      %broadcast_in_dim3A_118 = arith.constant 0.000000e+00 : f32
      %broadcast_in_dim3A_119 = vector.broadcast %broadcast_in_dim3A_118 : f32 to vector<16xf32>
      %scan3A_120 = arith.constant 0 : i32
      %scan3A_121 = arith.constant 8 : i32
      %scan3A_122 = arith.addi %scan3A_120, %scan3A_121 : i32
      %scan3A_123 = arith.constant 1 : i32
      %scan3A_124:2 = scf.for %scan3A_135 = %scan3A_120 to %scan3A_122 step %scan3A_123 iter_args(%scan3A_136 = %broadcast_in_dim3A_119, %scan3A_137 = %broadcast_in_dim3A_119) -> (vector<16xf32>, vector<16xf32>)  : i32 {
        %mul3A_138 = arith.constant 16 : i32
        %mul3A_139 = arith.muli %scan3A_116, %mul3A_138 : i32
        %mul3A_140 = arith.constant 2 : i32
        %mul3A_141 = arith.muli %mul3A_140, %scan3A_135 : i32
        %add3A_142 = arith.addi %mul3A_139, %mul3A_141 : i32
        %mul3A_143 = arith.constant 16 : i32
        %mul3A_144 = arith.muli %scan3A_116, %mul3A_143 : i32
        %get3A_145 = arith.constant 1 : i32
        %get3A_146 = arith.index_cast %get3A_145 : i32 to index
        %get3A_147 = arith.index_cast %add3A_142 : i32 to index
        %get3A_148 = arith.index_cast %mul3A_144 : i32 to index
        %get3A_149 = tpu.vector_load %arg8[%get3A_146, %get3A_147, %get3A_148] {strides = array<i32>} : memref<2x128x128xf32, #tpu.memory_space<vmem>>, vector<1x1x16xf32>,
        %get3A_150 = vector.shape_cast %get3A_149 : vector<1x1x16xf32> to vector<16xf32>
        %mul3A_151 = arith.constant 16 : i32
        %mul3A_152 = arith.muli %scan3A_116, %mul3A_151 : i32
        %mul3A_153 = arith.constant 2 : i32
        %mul3A_154 = arith.muli %mul3A_153, %scan3A_135 : i32
        %add3A_155 = arith.addi %mul3A_152, %mul3A_154 : i32
        %add3A_156 = arith.constant 1 : i32
        %add3A_157 = arith.addi %add3A_155, %add3A_156 : i32
        %mul3A_158 = arith.constant 16 : i32
        %mul3A_159 = arith.muli %scan3A_116, %mul3A_158 : i32
        %get3A_160 = arith.constant 1 : i32
        %get3A_161 = arith.index_cast %get3A_160 : i32 to index
        %get3A_162 = arith.index_cast %add3A_157 : i32 to index
        %get3A_163 = arith.index_cast %mul3A_159 : i32 to index
        %get3A_164 = tpu.vector_load %arg8[%get3A_161, %get3A_162, %get3A_163] {strides = array<i32>} : memref<2x128x128xf32, #tpu.memory_space<vmem>>, vector<1x1x16xf32>,
        %get3A_165 = vector.shape_cast %get3A_164 : vector<1x1x16xf32> to vector<16xf32>
        %mul3A_166 = arith.constant 2 : i32
        %mul3A_167 = arith.muli %mul3A_166, %scan3A_135 : i32
        %eq3A = vector.broadcast %mul3A_167 : i32 to vector<16xi32>
        %eq3A_168 = arith.cmpi eq, %iota3A, %eq3A : vector<16xi32>
        %select_n3A = arith.select %eq3A_168, %get3A_150, %scan3A_136 : vector<16xi1>, vector<16xf32>
        %mul3A_169 = arith.constant 2 : i32
        %mul3A_170 = arith.muli %mul3A_169, %scan3A_135 : i32
        %add3A_171 = arith.constant 1 : i32
        %add3A_172 = arith.addi %mul3A_170, %add3A_171 : i32
        %eq3A_173 = vector.broadcast %add3A_172 : i32 to vector<16xi32>
        %eq3A_174 = arith.cmpi eq, %iota3A, %eq3A_173 : vector<16xi32>
        %select_n3A_175 = arith.select %eq3A_174, %get3A_165, %scan3A_137 : vector<16xi1>, vector<16xf32>
        scf.yield %select_n3A, %select_n3A_175 : vector<16xf32>, vector<16xf32>
      }
      %scan3A_125 = arith.constant 8 : i32
      %mul3A_126 = arith.constant 16 : i32
      %mul3A_127 = arith.muli %scan3A_116, %mul3A_126 : i32
      %add3A_128 = arith.constant 384 : i32
      %add3A_129 = arith.addi %add3A_128, %mul3A_127 : i32
      %get3A = arith.index_cast %add3A_129 : i32 to index
      %get3A_130 = tpu.vector_load %arg7[%get3A] {strides = array<i32>} : memref<512xf32, #tpu.memory_space<vmem>>, vector<16xf32>,
      %get3A_131 = vector.shape_cast %get3A_130 : vector<16xf32> to vector<16xf32>
      %add3A_132 = arith.addf %scan3A_124#0, %scan3A_124#1 : vector<16xf32>
      %exp3A = math.exp %add3A_132 : vector<16xf32>
      %mul3A_133 = arith.mulf %exp3A, %get3A_131 : vector<16xf32>
      %add3A_134 = arith.addf %scan3A_117, %mul3A_133 : vector<16xf32>
      scf.yield %add3A_134 : vector<16xf32>
    }
    %scan3A_112 = arith.constant 8 : i32
    %swap3A = arith.constant 0 : index
    %swap3A_113 = tpu.vector_load %arg9[%swap3A] {strides = array<i32>} : memref<16xf32, #tpu.memory_space<vmem>>, vector<16xf32>,
    %swap3A_114 = vector.shape_cast %swap3A_113 : vector<16xf32> to vector<16xf32>
    %swap3A_115 = vector.shape_cast %scan3A_111 : vector<16xf32> to vector<16xf32>
    tpu.vector_store %arg9[%swap3A], %swap3A_115 {strides = array<i32>} : memref<16xf32, #tpu.memory_space<vmem>>, vector<16xf32>,
    "tpu.region"() ({
      %run_scoped3A = tpu.sem_alloc : memref<!tpu.dma_semaphore, #tpu.memory_space<semaphore_mem>>
      %dma_start3A_116 = arith.constant 0 : i32
      %dma_start3A_117 = tpu.memref_slice %arg5[%add3A, %dma_start3A_116] : memref<32x16xf32, #tpu.memory_space<hbm>> -> memref<1x16xf32, #tpu.memory_space<hbm>>
      %dma_start3A_118 = tpu.memref_squeeze %dma_start3A_117 : memref<1x16xf32, #tpu.memory_space<hbm>> -> memref<16xf32, #tpu.memory_space<hbm>>
      %dma_start3A_119 = arith.constant 0 : i32
      %dma_start3A_120 = tpu.memref_slice %arg5[%add3A, %dma_start3A_119] : memref<32x16xf32, #tpu.memory_space<hbm>> -> memref<1x16xf32, #tpu.memory_space<hbm>>
      %dma_start3A_121 = tpu.memref_squeeze %dma_start3A_120 : memref<1x16xf32, #tpu.memory_space<hbm>> -> memref<16xf32, #tpu.memory_space<hbm>>
      tpu.enqueue_dma source(%arg9 : memref<16xf32, #tpu.memory_space<vmem>>) target(%dma_start3A_121 : memref<16xf32, #tpu.memory_space<hbm>>) target_semaphore(%run_scoped3A : memref<!tpu.dma_semaphore, #tpu.memory_space<semaphore_mem>>)
      %dma_wait3A_122 = arith.constant 0 : i32
      %dma_wait3A_123 = tpu.memref_slice %arg5[%add3A, %dma_wait3A_122] : memref<32x16xf32, #tpu.memory_space<hbm>> -> memref<1x16xf32, #tpu.memory_space<hbm>>
      %dma_wait3A_124 = tpu.memref_squeeze %dma_wait3A_123 : memref<1x16xf32, #tpu.memory_space<hbm>> -> memref<16xf32, #tpu.memory_space<hbm>>
      %dma_wait3A_125 = arith.constant 0 : i32
      %dma_wait3A_126 = tpu.memref_slice %arg5[%add3A, %dma_wait3A_125] : memref<32x16xf32, #tpu.memory_space<hbm>> -> memref<1x16xf32, #tpu.memory_space<hbm>>
      %dma_wait3A_127 = tpu.memref_squeeze %dma_wait3A_126 : memref<1x16xf32, #tpu.memory_space<hbm>> -> memref<16xf32, #tpu.memory_space<hbm>>
      tpu.wait_dma2 semaphore(%run_scoped3A : memref<!tpu.dma_semaphore, #tpu.memory_space<semaphore_mem>>) src(%arg9 : memref<16xf32, #tpu.memory_space<vmem>>) dst(%dma_wait3A_127 : memref<16xf32, #tpu.memory_space<hbm>>)
      tpu.yield
    }) : () -> ()
    return
  }
}

module attributes {stable_mosaic.version = 14 : i64} {
  func.func @_tc_reduce(%arg0: memref<32x16xf32, #tpu.memory_space<vmem>>, %arg1: memref<1x1xf32, #tpu.memory_space<smem>>) attributes {dimension_semantics = [], scalar_prefetch = 0 : i64, scratch_operands = 0 : i64, tpu.core_type = #tpu.core_type<tc>} {
    %get3A = arith.constant 0 : index
    %get3A_0 = arith.constant 0 : index
    %get3A_1 = vector.load %arg0[%get3A, %get3A_0] : memref<32x16xf32, #tpu.memory_space<vmem>>, vector<32x16xf32>
    %reduce_sum3A = vector.shape_cast %get3A_1 : vector<32x16xf32> to vector<1x32x16xf32>
    %reduce_sum3A_2 = arith.constant dense<0.000000e+00> : vector<1xf32>
    %reduce_sum3A_3 = vector.multi_reduction <add>, %reduce_sum3A, %reduce_sum3A_2 [1, 2] : vector<1x32x16xf32> to vector<1xf32>
    %reduce_sum3A_4 = vector.shape_cast %reduce_sum3A_3 : vector<1xf32> to vector<1x1x1xf32>
    %reduce_sum3A_5 = vector.extract %reduce_sum3A_4[0, 0, 0] : f32 from vector<1x1x1xf32>
    %mul3A = arith.constant 6.10351563E-5 : f32
    %mul3A_6 = arith.mulf %reduce_sum3A_5, %mul3A : f32
    %swap3A = arith.constant 0 : index
    %swap3A_7 = arith.constant 0 : index
    %swap3A_8 = memref.load %arg1[%swap3A, %swap3A_7] : memref<1x1xf32, #tpu.memory_space<smem>>
    memref.store %mul3A_6, %arg1[%swap3A, %swap3A_7] : memref<1x1xf32, #tpu.memory_space<smem>>
    return
  }
}

</mosaic_0001>

<sc_bundles>
// kernel: _ganloss_sc.4.cloned.1.call-start
scs
__scs_entry_jumppad:
0x0: {  	(pc) =	sbr.rel $0x88, $3  }
0x1: {  	(tag) =	ssettag $0x0;
	lr =	simm.s32 $0x1  }
0x2: {  	[smem:$0x3F9E] =	sst lr;
	_ =	strace $0xD0000000  }
0x3: {  	_ = 	snop  }
0x4: {  	_ = 	snop  }
0x5: {  	_ = 	snop  }
0x6: {  	_ = 	snop  }
0x7: {  	_ = 	snop  }
__scs_overlays_trampoline_lowered:
0x8: {  	[smem:$0x3FAD] =	sst s0  }
0x9: {  	[smem:$0x3FAE] =	sst s1  }
0xa: {  	[smem:$0x3FAF] =	sst s2  }
0xb: {  	[smem:$0x3FB0] =	sst s3  }
0xc: {  	[smem:$0x3FB1] =	sst s4  }
0xd: {  	[smem:$0x3FB2] =	sst s5  }
0xe: {  	[smem:$0x3FB3] =	sst s6  }
0xf: {  	[smem:$0x3FB4] =	sst s7  }
0x10: {  	[smem:$0x3FB5] =	sst s8  }
0x11: {  	[smem:$0x3FB6] =	sst s9;
	s0 =	simm.s32 @!p0 $0x0  }
0x12: {  	s1 =	sld [smem:$0x3F9C];
	s0 =	simm.s32 @p0 $0x1  }
0x13: {  	[smem:$0x3FB7] =	sst s0;
	s0 =	simm.s32 @!p1 $0x0  }
0x14: {  	s2 =	sld [smem:$0x3F9B];
	s0 =	simm.s32 @p1 $0x1  }
0x15: {  	[smem:$0x3FB8] =	sst s0;
	s0 =	simm.s32 @!p2 $0x0  }
0x16: {  	s3 =	sld [smem:$0x3FDB];
	s0 =	simm.s32 @p2 $0x1  }
0x17: {  	s4 =	simm.s32 $0x1BF5;
	[smem:$0x3FBA] =	sst s0  }
0x18: {  	s0 =	sld [smem:$0x3F9D];
	_ =	swait.ge [sflag:s4], $0x0  }
0x19: {  	s7 =	sld [smem:$0x3F9E]  }
0x1a: {  	s8 =	sadd.s32 $0xFFFFE003, lr  }
0x1b: {  	s9 =	sadd.s32 $0xFFFFFEF7, lr;
	s5 =	simm.s32 $0xFFFFFFFF;
	p2 =	slt.u32 s8, $0xFFFFF086  }
0x1c: {  	p1 =	slt.u32 s9, $0xF7A;
	s5 =	simm.s32 @!p2 $0x0  }
0x1d: {  	s5 =	simm.s32 @p1 $0x1;
	p0 =	seq.s32 s7, s2  }
0x1e: {  	s7 =	smul.u32 @!p0 $0xF7A, s2;
	p2 =	seq.s32 @!p0 s5, $0x0  }
0x1f: {  	s9 =	smul.u32 $0xF7A, s1;
	s8 =	simm.s32 @!p0 $0x1BF5;
	p2 =	por !p2, p0  }
0x20: {  	[sflag:s8] =	ssyncset.s32 @!p0 $0xFFFFF086;
	s6 =	sadd.s32 @!p0 s3, s7;
	s7 =	simm.s32 @!p0 $0x108  }
0x21: {  	s3 =	sadd.s32 s3, s9;
	s6 =	sadd.s32 @!p0 $0x88, s6;
	s7 =	simm.s32 @p2 $0x1082  }
0x22: {  	[simem:s7], [sflag:s8] =	dma.local @!p0 [hbm:s6], $0xF7A  }
0x23: {  	s9 =	sor.u32 $0xD0000000, s2;
	s6 =	simm.s32 $0x108;
	_ =	swait.ge @!p0 [sflag:s8], $0x0  }
0x24: {  	s3 =	sadd.s32 $0x88, s3;
	s6 =	simm.s32 @!p1 $0x1082;
	[sflag:s4] =	ssyncset.s32 $0xFFFFF086  }
0x25: {  	[simem:s6], [sflag:s4] =	dma.local [hbm:s3], $0xF7A  }
0x26: {  	[smem:$0x3F9E] =	sst s1;
	(tag) =	ssettag s2;
	_ =	strace s9  }
0x27: {  	s1 =	sld [smem:$0x3FAE]  }
0x28: {  	s2 =	sld [smem:$0x3FAF]  }
0x29: {  	s4 =	sld [smem:$0x3FB1]  }
0x2a: {  	p0 =	seq.s32 s5, $0x0;
	s5 =	sld [smem:$0x3FB2]  }
0x2b: {  	s6 =	sld [smem:$0x3FB3]  }
0x2c: {  	s7 =	sld [smem:$0x3FB4]  }
0x2d: {  	s3 =	simm.s32 $0x108;
	s8 =	sld [smem:$0x3FB5]  }
0x2e: {  	s3 =	simm.s32 @!p0 $0x1082;
	s9 =	sld [smem:$0x3FB6]  }
0x2f: {  	lr =	sadd.s32 s0, s3;
	s0 =	sld [smem:$0x3FAD]  }
0x30: {  	s3 =	sld [smem:$0x3FB0]  }
0x31: {  	[smem:$0x3FB9] =	sst s10  }
0x32: {  	s10 =	sld [smem:$0x3FB7];
	_ =	sdelay $0x3  }
0x33: {  	p0 =	seq.s32 s10, $0x1;
	s10 =	sld [smem:$0x3FB9];
	_ =	sdelay $0x3  }
0x34: {  	[smem:$0x3FB9] =	sst s10  }
0x35: {  	s10 =	sld [smem:$0x3FB8];
	_ =	sdelay $0x3  }
0x36: {  	p1 =	seq.s32 s10, $0x1;
	s10 =	sld [smem:$0x3FB9];
	_ =	sdelay $0x3  }
0x37: {  	[smem:$0x3FB9] =	sst s10  }
0x38: {  	s10 =	sld [smem:$0x3FBA]  }
0x39: {  	_ = 	snop;
	(pc) =	sbr.ind lr, $3  }
0x3a: {  	_ = 	snop  }
0x3b: {  	_ = 	snop  }
0x3c: {  	p2 =	seq.s32 s10, $0x1;
	s10 =	sld [smem:$0x3FB9]  }
0x3d: {  	_ =	shalt  }
0x3e: {  	_ =	shalt  }
0x3f: {  	_ =	shalt  }
0x40: {  	_ =	shalt  }
0x41: {  	_ =	shalt  }
0x42: {  	_ =	shalt  }
0x43: {  	_ =	shalt  }
0x44: {  	_ =	shalt  }
0x45: {  	_ =	shalt  }
0x46: {  	_ =	shalt  }
0x47: {  	_ =	shalt  }
0x48: {  	_ =	shalt  }
0x49: {  	_ =	shalt  }
0x4a: {  	_ =	shalt  }
0x4b: {  	_ =	shalt  }
0x4c: {  	_ =	shalt  }
0x4d: {  	_ =	shalt  }
0x4e: {  	_ =	shalt  }
0x4f: {  	_ =	shalt  }
0x50: {  	_ =	shalt  }
0x51: {  	_ =	shalt  }
0x52: {  	_ =	shalt  }
0x53: {  	_ =	shalt  }
0x54: {  	_ =	shalt  }
0x55: {  	_ =	shalt  }
0x56: {  	_ =	shalt  }
0x57: {  	_ =	shalt  }
0x58: {  	_ =	shalt  }
0x59: {  	_ =	shalt  }
0x5a: {  	_ =	shalt  }
0x5b: {  	_ =	shalt  }
0x5c: {  	_ =	shalt  }
0x5d: {  	_ =	shalt  }
0x5e: {  	_ =	shalt  }
0x5f: {  	_ =	shalt  }
0x60: {  	_ =	shalt  }
0x61: {  	_ =	shalt  }
0x62: {  	_ =	shalt  }
0x63: {  	_ =	shalt  }
0x64: {  	_ =	shalt  }
0x65: {  	_ =	shalt  }
0x66: {  	_ =	shalt  }
0x67: {  	_ =	shalt  }
0x68: {  	_ =	shalt  }
0x69: {  	_ =	shalt  }
0x6a: {  	_ =	shalt  }
0x6b: {  	_ =	shalt  }
0x6c: {  	_ =	shalt  }
0x6d: {  	_ =	shalt  }
0x6e: {  	_ =	shalt  }
0x6f: {  	_ =	shalt  }
0x70: {  	_ =	shalt  }
0x71: {  	_ =	shalt  }
0x72: {  	_ =	shalt  }
0x73: {  	_ =	shalt  }
0x74: {  	_ =	shalt  }
0x75: {  	_ =	shalt  }
0x76: {  	_ =	shalt  }
0x77: {  	_ =	shalt  }
0x78: {  	_ =	shalt  }
0x79: {  	_ =	shalt  }
0x7a: {  	_ =	shalt  }
0x7b: {  	_ =	shalt  }
0x7c: {  	_ =	shalt  }
0x7d: {  	_ =	shalt  }
0x7e: {  	_ =	shalt  }
0x7f: {  	_ =	shalt  }
0x80: {  	_ =	shalt  }
0x81: {  	_ =	shalt  }
0x82: {  	_ =	shalt  }
0x83: {  	_ =	shalt  }
0x84: {  	_ =	shalt  }
0x85: {  	_ =	shalt  }
0x86: {  	_ =	shalt  }
0x87: {  	_ =	shalt  }
.Lfunc_end0:
.L_simem_size_0:
called_computation_lowered:
.L_overlay_start_0:
0x88: {  	s2 =	sld [smem:$0x3FD9]  }
0x89: {  	s3 =	sld [smem:$0x3FFE];
	_ =	sdelay $0x1  }
0x8a: {  	s1 =	srdreg.scid  }
0x8b: {  	s0 =	sand.u32 $0x1, s1  }
0x8c: {  	s17 =	sshll.u32 s0, $0xA;
	s2 =	sadd.s32 s3, s2  }
0x8d: {  	s2 =	sadd.s32 s2, s17  }
0x8e: {  	[smem:$0x3FC5] =	sst s2  }
0x8f: {  	_ = 	snop  }
0x90: {  	s2 =	sld [smem:$0x3FC9]  }
0x91: {  	s18 =	sld [smem:$0x3FC8]  }
0x92: {  	s4 =	sld [smem:$0x3FC7];
	(tm) =	ssettm $0x1  }
0x93: {  	s5 =	sld [smem:$0x3FFB];
	_ =	sdelay $0x3  }
0x94: {  	_ =	strace s5  }
0x95: {  	s5 =	sld [smem:$0x3FFC];
	_ =	sdelay $0x3  }
0x96: {  	_ =	strace s5  }
0x97: {  	s5 =	sld [smem:$0x3FFD];
	_ =	sdelay $0x3  }
0x98: {  	_ =	strace s5  }
0x99: {  	_ =	strace $0x8FFFFFFF  }
0x9a: {  	s19 =	sld [smem:$0x3FDB];
	_ =	sdelay $0x1  }
0x9b: {  	s6 =	simm.s32 $_scs_section_size  }
0x9c: {  	s7 =	simm.s32 $_size__tile_overlayer_lowered;
	s8 =	simm.s32 $_tile_overlayer_lowered  }
0x9d: {  	s22 =	simm.s32 $0x1BFF;
	s21 =	sshll.u32 s8, $0x1;
	s5 =	sadd.s32 s6, s19  }
0x9e: {  	s9 =	simm.s32 $0x0;
	s20 =	sshll.u32 s7, $0x1;
	s7 =	sadd.s32 s21, s5  }
0x9f: {  	[timem:s9], [sflag:s22] =	dma.local [hbm:s7], s20  }
0xa0: {  	_ =	swait.ge [sflag:s22], s20  }
0xa1: {  	s6 =	ssub.s32 $0x0, s20;
	[sflag:s22] =	ssyncset.done $0x0  }
0xa2: {  	[sflag:s22] =	ssyncadd.s32 s6;
	_ =	sdelay $0x1  }
0xa3: {  	s23 =	simm.s32 $0x1B8B  }
0xa4: {  	_ =	swait.ge [sflag:s23], $0x1  }
0xa5: {  	[sflag:s23] =	ssyncset.done $0x0  }
0xa6: {  	s25 =	simm.s32 $0x1B8E;
	s24 =	sld [smem:$0x3FFE];
	[sflag:s23] =	ssyncadd.s32 $0xFFFFFFFF  }
0xa7: {  	s26 =	simm.s32 $execute0_lowered;
	[smem:$0x3FD2] =	sst s25  }
0xa8: {  	s7 =	sshll.u32 s26, $0x1;
	_ =	strace $0x80000046;
	[dreg:$0x1] =	wrdreg $0xFFFFFFFF  }
0xa9: {  	s28 =	simm.s32 $_size_execute0_lowered;
	s5 =	sadd.s32 s5, s7;
	[dreg:$0x0] =	wrdreg $0x0  }
0xaa: {  	s7 =	sshll.u32 s28, $0x1;
	[dreg:$0x2] =	wrdreg s5  }
0xab: {  	[dreg:$0x3] =	wrdreg s7  }
0xac: {  	[dreg:$0x4] =	wrdreg $0xC0  }
0xad: {  	_ =	task [dreg:s9], $0x5FFFF  }
0xae: {  	[dreg:$0x1] =	wrdreg $0xFFFFFFFF  }
0xaf: {  	[dreg:$0x0] =	wrdreg $0x60  }
0xb0: {  	[dreg:$0x2] =	wrdreg s2  }
0xb1: {  	[dreg:$0x3] =	wrdreg s18  }
0xb2: {  	[dreg:$0x4] =	wrdreg s4  }
0xb3: {  	[dreg:$0x5] =	wrdreg s24  }
0xb4: {  	[dreg:$0x6] =	wrdreg $0x9  }
0xb5: {  	_ =	task.clear_ibuf [dreg:s9], $0x7FFFF;
	_ =	strace $0x90000046  }
0xb6: {  	s29 =	simm.s32 $0x9;
	_ =	strace $0x80000048  }
0xb7: {  	_ =	swait.ge [sflag:s29], $0x1  }
0xb8: {  	[sflag:s29] =	ssyncadd.s32 $0xFFFFFFFF  }
0xb9: {  	_ =	strace $0x90000048  }
0xba: {  	_ =	sfence  }
0xbb: {  	s30 =	sld [smem:$0x0];
	_ =	sdelay $0x2  }
0xbc: {  	s31 =	sshll.u32 s1, $0xD;
	s1 =	sshrl.u32 s1, $0x2  }
0xbd: {  	s3 =	sand.u32 $0x4000, s31;
	s1 =	sadd.s32 s1, s30  }
0xbe: {  	s0 =	sor.u32 s3, s0;
	s1 =	sshll.u32 s1, $0x11  }
0xbf: {  	s0 =	sor.u32 s1, s0  }
0xc0: {  	s0 =	sadd.s32 $0x8F2B, s0  }
0xc1: {  	[sflag:s0] =	ssyncadd.remote.s32 $0x1  }
0xc2: {  	_ =	sfence.sel $0xFFFF  }
0xc3: {  	[dreg:$0x0] =	wrdreg $0xFFFFFFFF;
	(pc) =	sbr.abs _section_cstart, $3  }
0xc4: {  	[dreg:$0x1] =	wrdreg $0xFFFFFFFF  }
0xc5: {  	_ =	task.clear_ibuf [dreg:s9], $0x2FFFF;
	_ =	strace $0x9FFFFFFF  }
0xc6: {  	(tm) =	ssettm $0x7FFFFFFF  }
0xc7: {  	_ =	shalt  }
tec
execute0_lowered:
.L_overlay_start_1:
0x0: {  	(tag) =	ssettag $0x1  }
0x1: {  	s0 =	rddreg [dreg:$0x0]  }
0x2: {  	s1 =	rddreg [dreg:$0x1]  }
0x3: {  	s3 =	rddreg [dreg:$0x2]  }
0x4: {  	s4 =	rddreg [dreg:$0x3]  }
0x5: {  	s2 =	simm.s32 $0x0;
	s5 =	srdreg.scid;
	s11 =	stileid.u32  }
0x6: {  	s12 =	simm.s32 $0x1;
	s13 =	simm.s32 $0x7D80;
	s14 =	simm.s32 $0x7F00  }
0x7: {  	s15 =	simm.s32 $0x8280;
	s16 =	simm.s32 $0x8200;
	s17 =	simm.s32 $0x8100  }
0x8: {  	s18 =	simm.s32 $0x8080;
	s19 =	simm.s32 $0x7F80;
	s20 =	simm.s32 $0x8000  }
0x9: {  	s21 =	simm.s32 $0x7E80;
	s22 =	simm.s32 $0x7E00;
	s23 =	simm.s32 $0x2  }
0xa: {  	s24 =	simm.s32 $0x3;
	[smem:$0x7FF] =	sst s2;
	s5 =	sand.u32 $0x1, s5  }
0xb: {  	s6 =	sshll.u32 s11, $0x4;
	_ =	strace $0x80000047;
	s7 =	ssub.s32 $0x2, s5  }
0xc: {  	s6 =	sand.u32 $0x70, s6;
	s5 =	sshll.u32 s5, $0x4;
	s8 =	sshrl.u32 s7, $0x1  }
0xd: {  	s9 =	sadd.s32 s6, s4;
	s25 =	sor.u32 s11, s5;
	s11 =	simm.s32 $0x400  }
0xe: {  	s10 =	ssub.s32 s7, s8;
	s5 =	sshll.u32 s25, $0x6;
	s26 =	sshll.u32 s25, $0x9  }
0xf: {  	v0 =	vlaneseq.u32;
	s28 =	sshll.u32 s25, $0x4;
	s25 =	simm.s32 $0x4;
	s1 =	sadd.s32 s1, s5  }
0x10: {  	v1 =	vimm.s32 $0x7;
	v2 =	vimm.s32 $0x0;
	vm0 =	vmmov $0x1;
	s4 =	sadd.s32 s0, s26;
	s29 =	sand.u32 $0x180, s28;
	s30 =	sadd.s32 s3, s5  }
0x11: {  	v4 =	vimm.s32 $0x1;
	v5 =	vimm.s32 $0x2;
	v6 =	vimm.s32 $0x3;
	s31 =	smax.u32 s10, $0x1;
	s3 =	simm.s32 $0x8300;
	s5 =	simm.s32 $0x8180  }
0x12: {  	v7 =	vimm.s32 $0x4;
	v8 =	vimm.s32 $0x5;
	v9 =	vimm.s32 $0x6;
	s10 =	simm.s32 $0x480;
	s26 =	simm.s32 $0x0;
	[dreg:$0x5] =	wrdreg s1  }
0x13: {  	v10 =	vimm.s32 $0x8;
	v11 =	vimm.s32 $0x9;
	v12 =	vimm.s32 $0xA;
	[dreg:$0x6] =	wrdreg s30;
	s6 =	sadd.s32 $0x80, s4;
	s0 =	sadd.s32 s29, s9  }
0x14: {  	v13 =	vimm.s32 $0xB;
	v14 =	vimm.s32 $0xC;
	v15 =	vimm.s32 $0xD;
	s7 =	sadd.s32 $0x100, s4;
	[dreg:$0x8] =	wrdreg s31;
	s0 =	sadd.s32 $0x600, s0  }
0x15: {  	v16 =	vimm.s32 $0xE;
	v17 =	vimm.s32 $0xF;
	v3 =	vmul.u32 $0x8, v0;
	s8 =	sadd.s32 $0x180, s4;
	s9 =	simm.s32 $0x8380;
	[dreg:$0x7] =	wrdreg s0  }
.LBB2_1:
0x16: {  	s0 =	rddreg [dreg:$0x5]  }
0x17: {  	[tilespmem:s2], [sflag:$0x1] =	stream.linear.gather [hbm4b:s0+s2], $0x200, $0x38;
	[tilespmem:$0x8480] =	vst v63  }
0x18: {  	s30 =	rddreg [dreg:$0x6];
	s1 =	simm.s32 $0x200  }
0x19: {  	[tilespmem:s1], [sflag:$0x1] =	stream.linear.gather [hbm4b:s30+s2], $0x200, $0x38;
	[tilespmem:$0x8480] =	vst v63  }
0x1a: {  	_ =	swait.ge [sflag:s12], $0x200  }
0x1b: {  	[sflag:s12] =	ssyncset.done $0x0  }
0x1c: {  	[sflag:s12] =	ssyncadd.s32 $0xFFFFFE00  }
0x1d: {  	v18 =	vld [tilespmem:$0x0];
	_ =	sdelay $0x4  }
0x1e: {  	v19 =	vshll.u32 v18, $0x7  }
0x1f: {  	v18 =	vand.u32 $0x7, v18;
	v19 =	vand.u32 $0xFFFFFC00, v19  }
0x20: {  	v18 =	vor.u32 v18, v19  }
0x21: {  	v19 =	vperm.xlane v18, v2;
	_ =	sdelay $0x1  }
0x22: {  	v20 =	vperm.xlane v18, v4;
	v19 =	vadd.s32 v3, v19;
	_ =	sdelay $0x1  }
0x23: {  	v21 =	vperm.xlane v18, v5;
	v20 =	vadd.s32 v3, v20;
	_ =	sdelay $0x1  }
0x24: {  	v22 =	vperm.xlane v18, v6;
	v21 =	vadd.s32 v3, v21  }
0x25: {  	[tilespmem:s11], [sflag:$0x2] =	stream.indirect_vreg.gather [hbm4b:s4+s2], $0x80, v19, vm0, $0xb8;
	[tilespmem:$0x8480] =	vst v63  }
0x26: {  	v34 =	vperm.xlane v18, v7;
	v19 =	vadd.s32 v3, v22  }
0x27: {  	[tilespmem:s10], [sflag:$0x2] =	stream.indirect_vreg.gather [hbm4b:s4+s2], $0x80, v20, vm0, $0xb8;
	[tilespmem:$0x8480] =	vst v63  }
0x28: {  	s31 =	simm.s32 $0x500;
	v35 =	vperm.xlane v18, v8;
	v20 =	vadd.s32 v3, v34  }
0x29: {  	[tilespmem:s31], [sflag:$0x2] =	stream.indirect_vreg.gather [hbm4b:s4+s2], $0x80, v21, vm0, $0xb8;
	[tilespmem:$0x8480] =	vst v63  }
0x2a: {  	s1 =	simm.s32 $0x580;
	v37 =	vperm.xlane v18, v9;
	v36 =	vadd.s32 v3, v35  }
0x2b: {  	[tilespmem:s1], [sflag:$0x2] =	stream.indirect_vreg.gather [hbm4b:s4+s2], $0x80, v19, vm0, $0xb8;
	[tilespmem:$0x8480] =	vst v63  }
0x2c: {  	s30 =	simm.s32 $0x600;
	v38 =	vperm.xlane v18, v1;
	v19 =	vadd.s32 v3, v37  }
0x2d: {  	[tilespmem:s30], [sflag:$0x2] =	stream.indirect_vreg.gather [hbm4b:s4+s2], $0x80, v20, vm0, $0xb8;
	[tilespmem:$0x8480] =	vst v63  }
0x2e: {  	v39 =	vperm.xlane v18, v10;
	s31 =	simm.s32 $0x680;
	v20 =	vadd.s32 v3, v38  }
0x2f: {  	[tilespmem:s31], [sflag:$0x2] =	stream.indirect_vreg.gather [hbm4b:s4+s2], $0x80, v36, vm0, $0xb8;
	[tilespmem:$0x8480] =	vst v63  }
0x30: {  	v41 =	vperm.xlane v18, v11;
	v40 =	vadd.s32 v3, v39;
	s1 =	simm.s32 $0x700  }
0x31: {  	[tilespmem:s1], [sflag:$0x2] =	stream.indirect_vreg.gather [hbm4b:s4+s2], $0x80, v19, vm0, $0xb8;
	[tilespmem:$0x8480] =	vst v63  }
0x32: {  	v42 =	vperm.xlane v18, v12;
	s30 =	simm.s32 $0x780;
	v19 =	vadd.s32 v3, v41  }
0x33: {  	[tilespmem:s30], [sflag:$0x2] =	stream.indirect_vreg.gather [hbm4b:s4+s2], $0x80, v20, vm0, $0xb8;
	[tilespmem:$0x8480] =	vst v63  }
0x34: {  	v43 =	vperm.xlane v18, v13;
	s31 =	simm.s32 $0x800;
	v20 =	vadd.s32 v3, v42  }
0x35: {  	[tilespmem:s31], [sflag:$0x2] =	stream.indirect_vreg.gather [hbm4b:s4+s2], $0x80, v40, vm0, $0xb8;
	[tilespmem:$0x8480] =	vst v63  }
0x36: {  	v45 =	vperm.xlane v18, v14;
	v44 =	vadd.s32 v3, v43;
	s1 =	simm.s32 $0x880  }
0x37: {  	[tilespmem:s1], [sflag:$0x2] =	stream.indirect_vreg.gather [hbm4b:s4+s2], $0x80, v19, vm0, $0xb8;
	[tilespmem:$0x8480] =	vst v63  }
0x38: {  	v46 =	vperm.xlane v18, v15;
	s30 =	simm.s32 $0x900;
	v19 =	vadd.s32 v3, v45  }
0x39: {  	[tilespmem:s30], [sflag:$0x2] =	stream.indirect_vreg.gather [hbm4b:s4+s2], $0x80, v20, vm0, $0xb8;
	[tilespmem:$0x8480] =	vst v63  }
0x3a: {  	v47 =	vperm.xlane v18, v16;
	s31 =	simm.s32 $0x980;
	v20 =	vadd.s32 v3, v46  }
0x3b: {  	[tilespmem:s31], [sflag:$0x2] =	stream.indirect_vreg.gather [hbm4b:s4+s2], $0x80, v44, vm0, $0xb8;
	[tilespmem:$0x8480] =	vst v63  }
0x3c: {  	v18 =	vperm.xlane v18, v17;
	v48 =	vadd.s32 v3, v47;
	s1 =	simm.s32 $0xA00  }
0x3d: {  	[tilespmem:s1], [sflag:$0x2] =	stream.indirect_vreg.gather [hbm4b:s4+s2], $0x80, v19, vm0, $0xb8;
	[tilespmem:$0x8480] =	vst v63  }
0x3e: {  	v18 =	vadd.s32 v3, v18;
	s30 =	simm.s32 $0xA80  }
0x3f: {  	[tilespmem:s30], [sflag:$0x2] =	stream.indirect_vreg.gather [hbm4b:s4+s2], $0x80, v20, vm0, $0xb8;
	[tilespmem:$0x8480] =	vst v63  }
0x40: {  	s31 =	simm.s32 $0xB00  }
0x41: {  	[tilespmem:s31], [sflag:$0x2] =	stream.indirect_vreg.gather [hbm4b:s4+s2], $0x80, v48, vm0, $0xb8;
	[tilespmem:$0x8480] =	vst v63  }
0x42: {  	s1 =	simm.s32 $0xB80  }
0x43: {  	[tilespmem:s1], [sflag:$0x2] =	stream.indirect_vreg.gather [hbm4b:s4+s2], $0x80, v18, vm0, $0xb8;
	[tilespmem:$0x8480] =	vst v63  }
0x44: {  	v18 =	vld [tilespmem:$0x10];
	_ =	sdelay $0x4  }
0x45: {  	v19 =	vshll.u32 v18, $0x7  }
0x46: {  	v18 =	vand.u32 $0x7, v18;
	v19 =	vand.u32 $0xFFFFFC00, v19  }
0x47: {  	v18 =	vor.u32 v18, v19  }
0x48: {  	v19 =	vperm.xlane v18, v2;
	_ =	sdelay $0x1  }
0x49: {  	v20 =	vperm.xlane v18, v4;
	v19 =	vadd.s32 v3, v19;
	_ =	sdelay $0x1  }
0x4a: {  	v49 =	vperm.xlane v18, v5;
	v20 =	vadd.s32 v3, v20;
	_ =	sdelay $0x1  }
0x4b: {  	s30 =	simm.s32 $0xC00;
	v50 =	vperm.xlane v18, v6;
	v21 =	vadd.s32 v3, v49  }
0x4c: {  	[tilespmem:s30], [sflag:$0x2] =	stream.indirect_vreg.gather [hbm4b:s4+s2], $0x80, v19, vm0, $0xb8;
	[tilespmem:$0x8480] =	vst v63  }
0x4d: {  	s31 =	simm.s32 $0xC80;
	v51 =	vperm.xlane v18, v7;
	v19 =	vadd.s32 v3, v50  }
0x4e: {  	[tilespmem:s31], [sflag:$0x2] =	stream.indirect_vreg.gather [hbm4b:s4+s2], $0x80, v20, vm0, $0xb8;
	[tilespmem:$0x8480] =	vst v63  }
0x4f: {  	s1 =	simm.s32 $0xD00;
	v52 =	vperm.xlane v18, v8;
	v20 =	vadd.s32 v3, v51  }
0x50: {  	[tilespmem:s1], [sflag:$0x2] =	stream.indirect_vreg.gather [hbm4b:s4+s2], $0x80, v21, vm0, $0xb8;
	[tilespmem:$0x8480] =	vst v63  }
0x51: {  	v54 =	vperm.xlane v18, v9;
	v53 =	vadd.s32 v3, v52;
	s30 =	simm.s32 $0xD80  }
0x52: {  	[tilespmem:s30], [sflag:$0x2] =	stream.indirect_vreg.gather [hbm4b:s4+s2], $0x80, v19, vm0, $0xb8;
	[tilespmem:$0x8480] =	vst v63  }
0x53: {  	v55 =	vperm.xlane v18, v1;
	s31 =	simm.s32 $0xE00;
	v19 =	vadd.s32 v3, v54  }
0x54: {  	[tilespmem:s31], [sflag:$0x2] =	stream.indirect_vreg.gather [hbm4b:s4+s2], $0x80, v20, vm0, $0xb8;
	[tilespmem:$0x8480] =	vst v63  }
0x55: {  	v56 =	vperm.xlane v18, v10;
	s1 =	simm.s32 $0xE80;
	v20 =	vadd.s32 v3, v55  }
0x56: {  	[tilespmem:s1], [sflag:$0x2] =	stream.indirect_vreg.gather [hbm4b:s4+s2], $0x80, v53, vm0, $0xb8;
	[tilespmem:$0x8480] =	vst v63  }
0x57: {  	v58 =	vperm.xlane v18, v11;
	v57 =	vadd.s32 v3, v56;
	s30 =	simm.s32 $0xF00  }
0x58: {  	[tilespmem:s30], [sflag:$0x2] =	stream.indirect_vreg.gather [hbm4b:s4+s2], $0x80, v19, vm0, $0xb8;
	[tilespmem:$0x8480] =	vst v63  }
0x59: {  	v59 =	vperm.xlane v18, v12;
	s31 =	simm.s32 $0xF80;
	v19 =	vadd.s32 v3, v58  }
0x5a: {  	[tilespmem:s31], [sflag:$0x2] =	stream.indirect_vreg.gather [hbm4b:s4+s2], $0x80, v20, vm0, $0xb8;
	[tilespmem:$0x8480] =	vst v63  }
0x5b: {  	v60 =	vperm.xlane v18, v13;
	s1 =	simm.s32 $0x1000;
	v20 =	vadd.s32 v3, v59  }
0x5c: {  	[tilespmem:s1], [sflag:$0x2] =	stream.indirect_vreg.gather [hbm4b:s4+s2], $0x80, v57, vm0, $0xb8;
	[tilespmem:$0x8480] =	vst v63  }
0x5d: {  	v62 =	vperm.xlane v18, v14;
	v61 =	vadd.s32 v3, v60;
	s30 =	simm.s32 $0x1080  }
0x5e: {  	[tilespmem:s30], [sflag:$0x2] =	stream.indirect_vreg.gather [hbm4b:s4+s2], $0x80, v19, vm0, $0xb8;
	[tilespmem:$0x8480] =	vst v63  }
0x5f: {  	v63 =	vperm.xlane v18, v15;
	s31 =	simm.s32 $0x1100;
	v19 =	vadd.s32 v3, v62  }
0x60: {  	[tilespmem:s31], [sflag:$0x2] =	stream.indirect_vreg.gather [hbm4b:s4+s2], $0x80, v20, vm0, $0xb8;
	[tilespmem:$0x8480] =	vst v63  }
0x61: {  	v24 =	vperm.xlane v18, v16;
	s1 =	simm.s32 $0x1180;
	v20 =	vadd.s32 v3, v63  }
0x62: {  	[tilespmem:s1], [sflag:$0x2] =	stream.indirect_vreg.gather [hbm4b:s4+s2], $0x80, v61, vm0, $0xb8;
	[tilespmem:$0x8480] =	vst v63  }
0x63: {  	v18 =	vperm.xlane v18, v17;
	v25 =	vadd.s32 v3, v24;
	s30 =	simm.s32 $0x1200  }
0x64: {  	[tilespmem:s30], [sflag:$0x2] =	stream.indirect_vreg.gather [hbm4b:s4+s2], $0x80, v19, vm0, $0xb8;
	[tilespmem:$0x8480] =	vst v63  }
0x65: {  	v18 =	vadd.s32 v3, v18;
	s31 =	simm.s32 $0x1280  }
0x66: {  	[tilespmem:s31], [sflag:$0x2] =	stream.indirect_vreg.gather [hbm4b:s4+s2], $0x80, v20, vm0, $0xb8;
	[tilespmem:$0x8480] =	vst v63  }
0x67: {  	s1 =	simm.s32 $0x1300  }
0x68: {  	[tilespmem:s1], [sflag:$0x2] =	stream.indirect_vreg.gather [hbm4b:s4+s2], $0x80, v25, vm0, $0xb8;
	[tilespmem:$0x8480] =	vst v63  }
0x69: {  	s30 =	simm.s32 $0x1380  }
0x6a: {  	[tilespmem:s30], [sflag:$0x2] =	stream.indirect_vreg.gather [hbm4b:s4+s2], $0x80, v18, vm0, $0xb8;
	[tilespmem:$0x8480] =	vst v63  }
0x6b: {  	v18 =	vld [tilespmem:$0x20];
	_ =	sdelay $0x4  }
0x6c: {  	v19 =	vshll.u32 v18, $0x7  }
0x6d: {  	v18 =	vand.u32 $0x7, v18;
	v19 =	vand.u32 $0xFFFFFC00, v19  }
0x6e: {  	v18 =	vor.u32 v18, v19  }
0x6f: {  	v19 =	vperm.xlane v18, v2;
	_ =	sdelay $0x1  }
0x70: {  	v20 =	vperm.xlane v18, v4;
	v19 =	vadd.s32 v3, v19;
	_ =	sdelay $0x1  }
0x71: {  	v26 =	vperm.xlane v18, v5;
	v20 =	vadd.s32 v3, v20;
	_ =	sdelay $0x1  }
0x72: {  	s31 =	simm.s32 $0x1400;
	v27 =	vperm.xlane v18, v6;
	v21 =	vadd.s32 v3, v26  }
0x73: {  	[tilespmem:s31], [sflag:$0x2] =	stream.indirect_vreg.gather [hbm4b:s4+s2], $0x80, v19, vm0, $0xb8;
	[tilespmem:$0x8480] =	vst v63  }
0x74: {  	s1 =	simm.s32 $0x1480;
	v28 =	vperm.xlane v18, v7;
	v19 =	vadd.s32 v3, v27  }
0x75: {  	[tilespmem:s1], [sflag:$0x2] =	stream.indirect_vreg.gather [hbm4b:s4+s2], $0x80, v20, vm0, $0xb8;
	[tilespmem:$0x8480] =	vst v63  }
0x76: {  	s30 =	simm.s32 $0x1500;
	v29 =	vperm.xlane v18, v8;
	v20 =	vadd.s32 v3, v28  }
0x77: {  	[tilespmem:s30], [sflag:$0x2] =	stream.indirect_vreg.gather [hbm4b:s4+s2], $0x80, v21, vm0, $0xb8;
	[tilespmem:$0x8480] =	vst v63  }
0x78: {  	v31 =	vperm.xlane v18, v9;
	v30 =	vadd.s32 v3, v29;
	s31 =	simm.s32 $0x1580  }
0x79: {  	[tilespmem:s31], [sflag:$0x2] =	stream.indirect_vreg.gather [hbm4b:s4+s2], $0x80, v19, vm0, $0xb8;
	[tilespmem:$0x8480] =	vst v63  }
0x7a: {  	v32 =	vperm.xlane v18, v1;
	s1 =	simm.s32 $0x1600;
	v19 =	vadd.s32 v3, v31  }
0x7b: {  	[tilespmem:s1], [sflag:$0x2] =	stream.indirect_vreg.gather [hbm4b:s4+s2], $0x80, v20, vm0, $0xb8;
	[tilespmem:$0x8480] =	vst v63  }
0x7c: {  	v33 =	vperm.xlane v18, v10;
	s30 =	simm.s32 $0x1680;
	v20 =	vadd.s32 v3, v32  }
0x7d: {  	[tilespmem:s30], [sflag:$0x2] =	stream.indirect_vreg.gather [hbm4b:s4+s2], $0x80, v30, vm0, $0xb8;
	[tilespmem:$0x8480] =	vst v63  }
0x7e: {  	v35 =	vperm.xlane v18, v11;
	v34 =	vadd.s32 v3, v33;
	s31 =	simm.s32 $0x1700  }
0x7f: {  	[tilespmem:s31], [sflag:$0x2] =	stream.indirect_vreg.gather [hbm4b:s4+s2], $0x80, v19, vm0, $0xb8;
	[tilespmem:$0x8480] =	vst v63  }
0x80: {  	v36 =	vperm.xlane v18, v12;
	s1 =	simm.s32 $0x1780;
	v19 =	vadd.s32 v3, v35  }
0x81: {  	[tilespmem:s1], [sflag:$0x2] =	stream.indirect_vreg.gather [hbm4b:s4+s2], $0x80, v20, vm0, $0xb8;
	[tilespmem:$0x8480] =	vst v63  }
0x82: {  	v37 =	vperm.xlane v18, v13;
	s30 =	simm.s32 $0x1800;
	v20 =	vadd.s32 v3, v36  }
0x83: {  	[tilespmem:s30], [sflag:$0x2] =	stream.indirect_vreg.gather [hbm4b:s4+s2], $0x80, v34, vm0, $0xb8;
	[tilespmem:$0x8480] =	vst v63  }
0x84: {  	v39 =	vperm.xlane v18, v14;
	v38 =	vadd.s32 v3, v37;
	s31 =	simm.s32 $0x1880  }
0x85: {  	[tilespmem:s31], [sflag:$0x2] =	stream.indirect_vreg.gather [hbm4b:s4+s2], $0x80, v19, vm0, $0xb8;
	[tilespmem:$0x8480] =	vst v63  }
0x86: {  	v40 =	vperm.xlane v18, v15;
	s1 =	simm.s32 $0x1900;
	v19 =	vadd.s32 v3, v39  }
0x87: {  	[tilespmem:s1], [sflag:$0x2] =	stream.indirect_vreg.gather [hbm4b:s4+s2], $0x80, v20, vm0, $0xb8;
	[tilespmem:$0x8480] =	vst v63  }
0x88: {  	v41 =	vperm.xlane v18, v16;
	s30 =	simm.s32 $0x1980;
	v20 =	vadd.s32 v3, v40  }
0x89: {  	[tilespmem:s30], [sflag:$0x2] =	stream.indirect_vreg.gather [hbm4b:s4+s2], $0x80, v38, vm0, $0xb8;
	[tilespmem:$0x8480] =	vst v63  }
0x8a: {  	v18 =	vperm.xlane v18, v17;
	v42 =	vadd.s32 v3, v41;
	s31 =	simm.s32 $0x1A00  }
0x8b: {  	[tilespmem:s31], [sflag:$0x2] =	stream.indirect_vreg.gather [hbm4b:s4+s2], $0x80, v19, vm0, $0xb8;
	[tilespmem:$0x8480] =	vst v63  }
0x8c: {  	v18 =	vadd.s32 v3, v18;
	s1 =	simm.s32 $0x1A80  }
0x8d: {  	[tilespmem:s1], [sflag:$0x2] =	stream.indirect_vreg.gather [hbm4b:s4+s2], $0x80, v20, vm0, $0xb8;
	[tilespmem:$0x8480] =	vst v63  }
0x8e: {  	s30 =	simm.s32 $0x1B00  }
0x8f: {  	[tilespmem:s30], [sflag:$0x2] =	stream.indirect_vreg.gather [hbm4b:s4+s2], $0x80, v42, vm0, $0xb8;
	[tilespmem:$0x8480] =	vst v63  }
0x90: {  	s31 =	simm.s32 $0x1B80  }
0x91: {  	[tilespmem:s31], [sflag:$0x2] =	stream.indirect_vreg.gather [hbm4b:s4+s2], $0x80, v18, vm0, $0xb8;
	[tilespmem:$0x8480] =	vst v63  }
0x92: {  	v18 =	vld [tilespmem:$0x30];
	_ =	sdelay $0x4  }
0x93: {  	v19 =	vshll.u32 v18, $0x7  }
0x94: {  	v18 =	vand.u32 $0x7, v18;
	v19 =	vand.u32 $0xFFFFFC00, v19  }
0x95: {  	v18 =	vor.u32 v18, v19  }
0x96: {  	v19 =	vperm.xlane v18, v2;
	_ =	sdelay $0x1  }
0x97: {  	v20 =	vperm.xlane v18, v4;
	v19 =	vadd.s32 v3, v19;
	_ =	sdelay $0x1  }
0x98: {  	v43 =	vperm.xlane v18, v5;
	v20 =	vadd.s32 v3, v20;
	_ =	sdelay $0x1  }
0x99: {  	s1 =	simm.s32 $0x1C00;
	v44 =	vperm.xlane v18, v6;
	v21 =	vadd.s32 v3, v43  }
0x9a: {  	[tilespmem:s1], [sflag:$0x2] =	stream.indirect_vreg.gather [hbm4b:s4+s2], $0x80, v19, vm0, $0xb8;
	[tilespmem:$0x8480] =	vst v63  }
0x9b: {  	s30 =	simm.s32 $0x1C80;
	v45 =	vperm.xlane v18, v7;
	v19 =	vadd.s32 v3, v44  }
0x9c: {  	[tilespmem:s30], [sflag:$0x2] =	stream.indirect_vreg.gather [hbm4b:s4+s2], $0x80, v20, vm0, $0xb8;
	[tilespmem:$0x8480] =	vst v63  }
0x9d: {  	s31 =	simm.s32 $0x1D00;
	v46 =	vperm.xlane v18, v8;
	v20 =	vadd.s32 v3, v45  }
0x9e: {  	[tilespmem:s31], [sflag:$0x2] =	stream.indirect_vreg.gather [hbm4b:s4+s2], $0x80, v21, vm0, $0xb8;
	[tilespmem:$0x8480] =	vst v63  }
0x9f: {  	v48 =	vperm.xlane v18, v9;
	v47 =	vadd.s32 v3, v46;
	s1 =	simm.s32 $0x1D80  }
0xa0: {  	[tilespmem:s1], [sflag:$0x2] =	stream.indirect_vreg.gather [hbm4b:s4+s2], $0x80, v19, vm0, $0xb8;
	[tilespmem:$0x8480] =	vst v63  }
0xa1: {  	v49 =	vperm.xlane v18, v1;
	s30 =	simm.s32 $0x1E00;
	v19 =	vadd.s32 v3, v48  }
0xa2: {  	[tilespmem:s30], [sflag:$0x2] =	stream.indirect_vreg.gather [hbm4b:s4+s2], $0x80, v20, vm0, $0xb8;
	[tilespmem:$0x8480] =	vst v63  }
0xa3: {  	v50 =	vperm.xlane v18, v10;
	s31 =	simm.s32 $0x1E80;
	v20 =	vadd.s32 v3, v49  }
0xa4: {  	[tilespmem:s31], [sflag:$0x2] =	stream.indirect_vreg.gather [hbm4b:s4+s2], $0x80, v47, vm0, $0xb8;
	[tilespmem:$0x8480] =	vst v63  }
0xa5: {  	v52 =	vperm.xlane v18, v11;
	v51 =	vadd.s32 v3, v50;
	s1 =	simm.s32 $0x1F00  }
0xa6: {  	[tilespmem:s1], [sflag:$0x2] =	stream.indirect_vreg.gather [hbm4b:s4+s2], $0x80, v19, vm0, $0xb8;
	[tilespmem:$0x8480] =	vst v63  }
0xa7: {  	v53 =	vperm.xlane v18, v12;
	s30 =	simm.s32 $0x1F80;
	v19 =	vadd.s32 v3, v52  }
0xa8: {  	[tilespmem:s30], [sflag:$0x2] =	stream.indirect_vreg.gather [hbm4b:s4+s2], $0x80, v20, vm0, $0xb8;
	[tilespmem:$0x8480] =	vst v63  }
0xa9: {  	v54 =	vperm.xlane v18, v13;
	s31 =	simm.s32 $0x2000;
	v20 =	vadd.s32 v3, v53  }
0xaa: {  	[tilespmem:s31], [sflag:$0x2] =	stream.indirect_vreg.gather [hbm4b:s4+s2], $0x80, v51, vm0, $0xb8;
	[tilespmem:$0x8480] =	vst v63  }
0xab: {  	v56 =	vperm.xlane v18, v14;
	v55 =	vadd.s32 v3, v54;
	s1 =	simm.s32 $0x2080  }
0xac: {  	[tilespmem:s1], [sflag:$0x2] =	stream.indirect_vreg.gather [hbm4b:s4+s2], $0x80, v19, vm0, $0xb8;
	[tilespmem:$0x8480] =	vst v63  }
0xad: {  	v57 =	vperm.xlane v18, v15;
	s30 =	simm.s32 $0x2100;
	v19 =	vadd.s32 v3, v56  }
0xae: {  	[tilespmem:s30], [sflag:$0x2] =	stream.indirect_vreg.gather [hbm4b:s4+s2], $0x80, v20, vm0, $0xb8;
	[tilespmem:$0x8480] =	vst v63  }
0xaf: {  	v58 =	vperm.xlane v18, v16;
	s31 =	simm.s32 $0x2180;
	v20 =	vadd.s32 v3, v57  }
0xb0: {  	[tilespmem:s31], [sflag:$0x2] =	stream.indirect_vreg.gather [hbm4b:s4+s2], $0x80, v55, vm0, $0xb8;
	[tilespmem:$0x8480] =	vst v63  }
0xb1: {  	v18 =	vperm.xlane v18, v17;
	v59 =	vadd.s32 v3, v58;
	s1 =	simm.s32 $0x2200  }
0xb2: {  	[tilespmem:s1], [sflag:$0x2] =	stream.indirect_vreg.gather [hbm4b:s4+s2], $0x80, v19, vm0, $0xb8;
	[tilespmem:$0x8480] =	vst v63  }
0xb3: {  	v18 =	vadd.s32 v3, v18;
	s30 =	simm.s32 $0x2280  }
0xb4: {  	[tilespmem:s30], [sflag:$0x2] =	stream.indirect_vreg.gather [hbm4b:s4+s2], $0x80, v20, vm0, $0xb8;
	[tilespmem:$0x8480] =	vst v63  }
0xb5: {  	s31 =	simm.s32 $0x2300  }
0xb6: {  	[tilespmem:s31], [sflag:$0x2] =	stream.indirect_vreg.gather [hbm4b:s4+s2], $0x80, v59, vm0, $0xb8;
	[tilespmem:$0x8480] =	vst v63  }
0xb7: {  	s1 =	simm.s32 $0x2380  }
0xb8: {  	[tilespmem:s1], [sflag:$0x2] =	stream.indirect_vreg.gather [hbm4b:s4+s2], $0x80, v18, vm0, $0xb8;
	[tilespmem:$0x8480] =	vst v63  }
0xb9: {  	v18 =	vld [tilespmem:$0x40];
	_ =	sdelay $0x4  }
0xba: {  	v19 =	vshll.u32 v18, $0x7  }
0xbb: {  	v18 =	vand.u32 $0x7, v18;
	v19 =	vand.u32 $0xFFFFFC00, v19  }
0xbc: {  	v18 =	vor.u32 v18, v19  }
0xbd: {  	v19 =	vperm.xlane v18, v2;
	_ =	sdelay $0x1  }
0xbe: {  	v20 =	vperm.xlane v18, v4;
	v19 =	vadd.s32 v3, v19;
	_ =	sdelay $0x1  }
0xbf: {  	v60 =	vperm.xlane v18, v5;
	v20 =	vadd.s32 v3, v20;
	_ =	sdelay $0x1  }
0xc0: {  	s30 =	simm.s32 $0x2400;
	v61 =	vperm.xlane v18, v6;
	v21 =	vadd.s32 v3, v60  }
0xc1: {  	[tilespmem:s30], [sflag:$0x2] =	stream.indirect_vreg.gather [hbm4b:s4+s2], $0x80, v19, vm0, $0xb8;
	[tilespmem:$0x8480] =	vst v63  }
0xc2: {  	s31 =	simm.s32 $0x2480;
	v62 =	vperm.xlane v18, v7;
	v19 =	vadd.s32 v3, v61  }
0xc3: {  	[tilespmem:s31], [sflag:$0x2] =	stream.indirect_vreg.gather [hbm4b:s4+s2], $0x80, v20, vm0, $0xb8;
	[tilespmem:$0x8480] =	vst v63  }
0xc4: {  	s1 =	simm.s32 $0x2500;
	v63 =	vperm.xlane v18, v8;
	v20 =	vadd.s32 v3, v62  }
0xc5: {  	[tilespmem:s1], [sflag:$0x2] =	stream.indirect_vreg.gather [hbm4b:s4+s2], $0x80, v21, vm0, $0xb8;
	[tilespmem:$0x8480] =	vst v63  }
0xc6: {  	v25 =	vperm.xlane v18, v9;
	v24 =	vadd.s32 v3, v63;
	s30 =	simm.s32 $0x2580  }
0xc7: {  	[tilespmem:s30], [sflag:$0x2] =	stream.indirect_vreg.gather [hbm4b:s4+s2], $0x80, v19, vm0, $0xb8;
	[tilespmem:$0x8480] =	vst v63  }
0xc8: {  	v26 =	vperm.xlane v18, v1;
	s31 =	simm.s32 $0x2600;
	v19 =	vadd.s32 v3, v25  }
0xc9: {  	[tilespmem:s31], [sflag:$0x2] =	stream.indirect_vreg.gather [hbm4b:s4+s2], $0x80, v20, vm0, $0xb8;
	[tilespmem:$0x8480] =	vst v63  }
0xca: {  	v27 =	vperm.xlane v18, v10;
	s1 =	simm.s32 $0x2680;
	v20 =	vadd.s32 v3, v26  }
0xcb: {  	[tilespmem:s1], [sflag:$0x2] =	stream.indirect_vreg.gather [hbm4b:s4+s2], $0x80, v24, vm0, $0xb8;
	[tilespmem:$0x8480] =	vst v63  }
0xcc: {  	v29 =	vperm.xlane v18, v11;
	v28 =	vadd.s32 v3, v27;
	s30 =	simm.s32 $0x2700  }
0xcd: {  	[tilespmem:s30], [sflag:$0x2] =	stream.indirect_vreg.gather [hbm4b:s4+s2], $0x80, v19, vm0, $0xb8;
	[tilespmem:$0x8480] =	vst v63  }
0xce: {  	v30 =	vperm.xlane v18, v12;
	s31 =	simm.s32 $0x2780;
	v19 =	vadd.s32 v3, v29  }
0xcf: {  	[tilespmem:s31], [sflag:$0x2] =	stream.indirect_vreg.gather [hbm4b:s4+s2], $0x80, v20, vm0, $0xb8;
	[tilespmem:$0x8480] =	vst v63  }
0xd0: {  	v31 =	vperm.xlane v18, v13;
	s1 =	simm.s32 $0x2800;
	v20 =	vadd.s32 v3, v30  }
0xd1: {  	[tilespmem:s1], [sflag:$0x2] =	stream.indirect_vreg.gather [hbm4b:s4+s2], $0x80, v28, vm0, $0xb8;
	[tilespmem:$0x8480] =	vst v63  }
0xd2: {  	v33 =	vperm.xlane v18, v14;
	v32 =	vadd.s32 v3, v31;
	s30 =	simm.s32 $0x2880  }
0xd3: {  	[tilespmem:s30], [sflag:$0x2] =	stream.indirect_vreg.gather [hbm4b:s4+s2], $0x80, v19, vm0, $0xb8;
	[tilespmem:$0x8480] =	vst v63  }
0xd4: {  	v34 =	vperm.xlane v18, v15;
	s31 =	simm.s32 $0x2900;
	v19 =	vadd.s32 v3, v33  }
0xd5: {  	[tilespmem:s31], [sflag:$0x2] =	stream.indirect_vreg.gather [hbm4b:s4+s2], $0x80, v20, vm0, $0xb8;
	[tilespmem:$0x8480] =	vst v63  }
0xd6: {  	v35 =	vperm.xlane v18, v16;
	s1 =	simm.s32 $0x2980;
	v20 =	vadd.s32 v3, v34  }
0xd7: {  	[tilespmem:s1], [sflag:$0x2] =	stream.indirect_vreg.gather [hbm4b:s4+s2], $0x80, v32, vm0, $0xb8;
	[tilespmem:$0x8480] =	vst v63  }
0xd8: {  	v18 =	vperm.xlane v18, v17;
	v36 =	vadd.s32 v3, v35;
	s30 =	simm.s32 $0x2A00  }
0xd9: {  	[tilespmem:s30], [sflag:$0x2] =	stream.indirect_vreg.gather [hbm4b:s4+s2], $0x80, v19, vm0, $0xb8;
	[tilespmem:$0x8480] =	vst v63  }
0xda: {  	v18 =	vadd.s32 v3, v18;
	s31 =	simm.s32 $0x2A80  }
0xdb: {  	[tilespmem:s31], [sflag:$0x2] =	stream.indirect_vreg.gather [hbm4b:s4+s2], $0x80, v20, vm0, $0xb8;
	[tilespmem:$0x8480] =	vst v63  }
0xdc: {  	s1 =	simm.s32 $0x2B00  }
0xdd: {  	[tilespmem:s1], [sflag:$0x2] =	stream.indirect_vreg.gather [hbm4b:s4+s2], $0x80, v36, vm0, $0xb8;
	[tilespmem:$0x8480] =	vst v63  }
0xde: {  	s30 =	simm.s32 $0x2B80  }
0xdf: {  	[tilespmem:s30], [sflag:$0x2] =	stream.indirect_vreg.gather [hbm4b:s4+s2], $0x80, v18, vm0, $0xb8;
	[tilespmem:$0x8480] =	vst v63  }
0xe0: {  	v18 =	vld [tilespmem:$0x50];
	_ =	sdelay $0x4  }
0xe1: {  	v19 =	vshll.u32 v18, $0x7  }
0xe2: {  	v18 =	vand.u32 $0x7, v18;
	v19 =	vand.u32 $0xFFFFFC00, v19  }
0xe3: {  	v18 =	vor.u32 v18, v19  }
0xe4: {  	v19 =	vperm.xlane v18, v2;
	_ =	sdelay $0x1  }
0xe5: {  	v20 =	vperm.xlane v18, v4;
	v19 =	vadd.s32 v3, v19;
	_ =	sdelay $0x1  }
0xe6: {  	v37 =	vperm.xlane v18, v5;
	v20 =	vadd.s32 v3, v20;
	_ =	sdelay $0x1  }
0xe7: {  	s31 =	simm.s32 $0x2C00;
	v38 =	vperm.xlane v18, v6;
	v21 =	vadd.s32 v3, v37  }
0xe8: {  	[tilespmem:s31], [sflag:$0x2] =	stream.indirect_vreg.gather [hbm4b:s4+s2], $0x80, v19, vm0, $0xb8;
	[tilespmem:$0x8480] =	vst v63  }
0xe9: {  	s1 =	simm.s32 $0x2C80;
	v39 =	vperm.xlane v18, v7;
	v19 =	vadd.s32 v3, v38  }
0xea: {  	[tilespmem:s1], [sflag:$0x2] =	stream.indirect_vreg.gather [hbm4b:s4+s2], $0x80, v20, vm0, $0xb8;
	[tilespmem:$0x8480] =	vst v63  }
0xeb: {  	s30 =	simm.s32 $0x2D00;
	v40 =	vperm.xlane v18, v8;
	v20 =	vadd.s32 v3, v39  }
0xec: {  	[tilespmem:s30], [sflag:$0x2] =	stream.indirect_vreg.gather [hbm4b:s4+s2], $0x80, v21, vm0, $0xb8;
	[tilespmem:$0x8480] =	vst v63  }
0xed: {  	v42 =	vperm.xlane v18, v9;
	v41 =	vadd.s32 v3, v40;
	s31 =	simm.s32 $0x2D80  }
0xee: {  	[tilespmem:s31], [sflag:$0x2] =	stream.indirect_vreg.gather [hbm4b:s4+s2], $0x80, v19, vm0, $0xb8;
	[tilespmem:$0x8480] =	vst v63  }
0xef: {  	v43 =	vperm.xlane v18, v1;
	s1 =	simm.s32 $0x2E00;
	v19 =	vadd.s32 v3, v42  }
0xf0: {  	[tilespmem:s1], [sflag:$0x2] =	stream.indirect_vreg.gather [hbm4b:s4+s2], $0x80, v20, vm0, $0xb8;
	[tilespmem:$0x8480] =	vst v63  }
0xf1: {  	v44 =	vperm.xlane v18, v10;
	s30 =	simm.s32 $0x2E80;
	v20 =	vadd.s32 v3, v43  }
0xf2: {  	[tilespmem:s30], [sflag:$0x2] =	stream.indirect_vreg.gather [hbm4b:s4+s2], $0x80, v41, vm0, $0xb8;
	[tilespmem:$0x8480] =	vst v63  }
0xf3: {  	v46 =	vperm.xlane v18, v11;
	v45 =	vadd.s32 v3, v44;
	s31 =	simm.s32 $0x2F00  }
0xf4: {  	[tilespmem:s31], [sflag:$0x2] =	stream.indirect_vreg.gather [hbm4b:s4+s2], $0x80, v19, vm0, $0xb8;
	[tilespmem:$0x8480] =	vst v63  }
0xf5: {  	v47 =	vperm.xlane v18, v12;
	s1 =	simm.s32 $0x2F80;
	v19 =	vadd.s32 v3, v46  }
0xf6: {  	[tilespmem:s1], [sflag:$0x2] =	stream.indirect_vreg.gather [hbm4b:s4+s2], $0x80, v20, vm0, $0xb8;
	[tilespmem:$0x8480] =	vst v63  }
0xf7: {  	v48 =	vperm.xlane v18, v13;
	s30 =	simm.s32 $0x3000;
	v20 =	vadd.s32 v3, v47  }
0xf8: {  	[tilespmem:s30], [sflag:$0x2] =	stream.indirect_vreg.gather [hbm4b:s4+s2], $0x80, v45, vm0, $0xb8;
	[tilespmem:$0x8480] =	vst v63  }
0xf9: {  	v50 =	vperm.xlane v18, v14;
	v49 =	vadd.s32 v3, v48;
	s31 =	simm.s32 $0x3080  }
0xfa: {  	[tilespmem:s31], [sflag:$0x2] =	stream.indirect_vreg.gather [hbm4b:s4+s2], $0x80, v19, vm0, $0xb8;
	[tilespmem:$0x8480] =	vst v63  }
0xfb: {  	v51 =	vperm.xlane v18, v15;
	s1 =	simm.s32 $0x3100;
	v19 =	vadd.s32 v3, v50  }
0xfc: {  	[tilespmem:s1], [sflag:$0x2] =	stream.indirect_vreg.gather [hbm4b:s4+s2], $0x80, v20, vm0, $0xb8;
	[tilespmem:$0x8480] =	vst v63  }
0xfd: {  	v52 =	vperm.xlane v18, v16;
	s30 =	simm.s32 $0x3180;
	v20 =	vadd.s32 v3, v51  }
0xfe: {  	[tilespmem:s30], [sflag:$0x2] =	stream.indirect_vreg.gather [hbm4b:s4+s2], $0x80, v49, vm0, $0xb8;
	[tilespmem:$0x8480] =	vst v63  }
0xff: {  	v18 =	vperm.xlane v18, v17;
	v53 =	vadd.s32 v3, v52;
	s31 =	simm.s32 $0x3200  }
0x100: {  	[tilespmem:s31], [sflag:$0x2] =	stream.indirect_vreg.gather [hbm4b:s4+s2], $0x80, v19, vm0, $0xb8;
	[tilespmem:$0x8480] =	vst v63  }
0x101: {  	v18 =	vadd.s32 v3, v18;
	s1 =	simm.s32 $0x3280  }
0x102: {  	[tilespmem:s1], [sflag:$0x2] =	stream.indirect_vreg.gather [hbm4b:s4+s2], $0x80, v20, vm0, $0xb8;
	[tilespmem:$0x8480] =	vst v63  }
0x103: {  	s30 =	simm.s32 $0x3300  }
0x104: {  	[tilespmem:s30], [sflag:$0x2] =	stream.indirect_vreg.gather [hbm4b:s4+s2], $0x80, v53, vm0, $0xb8;
	[tilespmem:$0x8480] =	vst v63  }
0x105: {  	s31 =	simm.s32 $0x3380  }
0x106: {  	[tilespmem:s31], [sflag:$0x2] =	stream.indirect_vreg.gather [hbm4b:s4+s2], $0x80, v18, vm0, $0xb8;
	[tilespmem:$0x8480] =	vst v63  }
0x107: {  	v18 =	vld [tilespmem:$0x60];
	_ =	sdelay $0x4  }
0x108: {  	v19 =	vshll.u32 v18, $0x7  }
0x109: {  	v18 =	vand.u32 $0x7, v18;
	v19 =	vand.u32 $0xFFFFFC00, v19  }
0x10a: {  	v18 =	vor.u32 v18, v19  }
0x10b: {  	v19 =	vperm.xlane v18, v2;
	_ =	sdelay $0x1  }
0x10c: {  	v20 =	vperm.xlane v18, v4;
	v19 =	vadd.s32 v3, v19;
	_ =	sdelay $0x1  }
0x10d: {  	v54 =	vperm.xlane v18, v5;
	v20 =	vadd.s32 v3, v20;
	_ =	sdelay $0x1  }
0x10e: {  	s1 =	simm.s32 $0x3400;
	v55 =	vperm.xlane v18, v6;
	v21 =	vadd.s32 v3, v54  }
0x10f: {  	[tilespmem:s1], [sflag:$0x2] =	stream.indirect_vreg.gather [hbm4b:s4+s2], $0x80, v19, vm0, $0xb8;
	[tilespmem:$0x8480] =	vst v63  }
0x110: {  	s30 =	simm.s32 $0x3480;
	v56 =	vperm.xlane v18, v7;
	v19 =	vadd.s32 v3, v55  }
0x111: {  	[tilespmem:s30], [sflag:$0x2] =	stream.indirect_vreg.gather [hbm4b:s4+s2], $0x80, v20, vm0, $0xb8;
	[tilespmem:$0x8480] =	vst v63  }
0x112: {  	s31 =	simm.s32 $0x3500;
	v57 =	vperm.xlane v18, v8;
	v20 =	vadd.s32 v3, v56  }
0x113: {  	[tilespmem:s31], [sflag:$0x2] =	stream.indirect_vreg.gather [hbm4b:s4+s2], $0x80, v21, vm0, $0xb8;
	[tilespmem:$0x8480] =	vst v63  }
0x114: {  	v59 =	vperm.xlane v18, v9;
	v58 =	vadd.s32 v3, v57;
	s1 =	simm.s32 $0x3580  }
0x115: {  	[tilespmem:s1], [sflag:$0x2] =	stream.indirect_vreg.gather [hbm4b:s4+s2], $0x80, v19, vm0, $0xb8;
	[tilespmem:$0x8480] =	vst v63  }
0x116: {  	v60 =	vperm.xlane v18, v1;
	s30 =	simm.s32 $0x3600;
	v19 =	vadd.s32 v3, v59  }
0x117: {  	[tilespmem:s30], [sflag:$0x2] =	stream.indirect_vreg.gather [hbm4b:s4+s2], $0x80, v20, vm0, $0xb8;
	[tilespmem:$0x8480] =	vst v63  }
0x118: {  	v61 =	vperm.xlane v18, v10;
	s31 =	simm.s32 $0x3680;
	v20 =	vadd.s32 v3, v60  }
0x119: {  	[tilespmem:s31], [sflag:$0x2] =	stream.indirect_vreg.gather [hbm4b:s4+s2], $0x80, v58, vm0, $0xb8;
	[tilespmem:$0x8480] =	vst v63  }
0x11a: {  	v63 =	vperm.xlane v18, v11;
	v62 =	vadd.s32 v3, v61;
	s1 =	simm.s32 $0x3700  }
0x11b: {  	[tilespmem:s1], [sflag:$0x2] =	stream.indirect_vreg.gather [hbm4b:s4+s2], $0x80, v19, vm0, $0xb8;
	[tilespmem:$0x8480] =	vst v63  }
0x11c: {  	v24 =	vperm.xlane v18, v12;
	s30 =	simm.s32 $0x3780;
	v19 =	vadd.s32 v3, v63  }
0x11d: {  	[tilespmem:s30], [sflag:$0x2] =	stream.indirect_vreg.gather [hbm4b:s4+s2], $0x80, v20, vm0, $0xb8;
	[tilespmem:$0x8480] =	vst v63  }
0x11e: {  	v25 =	vperm.xlane v18, v13;
	s31 =	simm.s32 $0x3800;
	v20 =	vadd.s32 v3, v24  }
0x11f: {  	[tilespmem:s31], [sflag:$0x2] =	stream.indirect_vreg.gather [hbm4b:s4+s2], $0x80, v62, vm0, $0xb8;
	[tilespmem:$0x8480] =	vst v63  }
0x120: {  	v27 =	vperm.xlane v18, v14;
	v26 =	vadd.s32 v3, v25;
	s1 =	simm.s32 $0x3880  }
0x121: {  	[tilespmem:s1], [sflag:$0x2] =	stream.indirect_vreg.gather [hbm4b:s4+s2], $0x80, v19, vm0, $0xb8;
	[tilespmem:$0x8480] =	vst v63  }
0x122: {  	v28 =	vperm.xlane v18, v15;
	s30 =	simm.s32 $0x3900;
	v19 =	vadd.s32 v3, v27  }
0x123: {  	[tilespmem:s30], [sflag:$0x2] =	stream.indirect_vreg.gather [hbm4b:s4+s2], $0x80, v20, vm0, $0xb8;
	[tilespmem:$0x8480] =	vst v63  }
0x124: {  	v29 =	vperm.xlane v18, v16;
	s31 =	simm.s32 $0x3980;
	v20 =	vadd.s32 v3, v28  }
0x125: {  	[tilespmem:s31], [sflag:$0x2] =	stream.indirect_vreg.gather [hbm4b:s4+s2], $0x80, v26, vm0, $0xb8;
	[tilespmem:$0x8480] =	vst v63  }
0x126: {  	v18 =	vperm.xlane v18, v17;
	v30 =	vadd.s32 v3, v29;
	s1 =	simm.s32 $0x3A00  }
0x127: {  	[tilespmem:s1], [sflag:$0x2] =	stream.indirect_vreg.gather [hbm4b:s4+s2], $0x80, v19, vm0, $0xb8;
	[tilespmem:$0x8480] =	vst v63  }
0x128: {  	v18 =	vadd.s32 v3, v18;
	s30 =	simm.s32 $0x3A80  }
0x129: {  	[tilespmem:s30], [sflag:$0x2] =	stream.indirect_vreg.gather [hbm4b:s4+s2], $0x80, v20, vm0, $0xb8;
	[tilespmem:$0x8480] =	vst v63  }
0x12a: {  	s31 =	simm.s32 $0x3B00  }
0x12b: {  	[tilespmem:s31], [sflag:$0x2] =	stream.indirect_vreg.gather [hbm4b:s4+s2], $0x80, v30, vm0, $0xb8;
	[tilespmem:$0x8480] =	vst v63  }
0x12c: {  	s1 =	simm.s32 $0x3B80  }
0x12d: {  	[tilespmem:s1], [sflag:$0x2] =	stream.indirect_vreg.gather [hbm4b:s4+s2], $0x80, v18, vm0, $0xb8;
	[tilespmem:$0x8480] =	vst v63  }
0x12e: {  	v18 =	vld [tilespmem:$0x70];
	_ =	sdelay $0x4  }
0x12f: {  	v19 =	vshll.u32 v18, $0x7  }
0x130: {  	v18 =	vand.u32 $0x7, v18;
	v19 =	vand.u32 $0xFFFFFC00, v19  }
0x131: {  	v18 =	vor.u32 v18, v19  }
0x132: {  	v19 =	vperm.xlane v18, v2;
	_ =	sdelay $0x1  }
0x133: {  	v20 =	vperm.xlane v18, v4;
	v19 =	vadd.s32 v3, v19;
	_ =	sdelay $0x1  }
0x134: {  	v31 =	vperm.xlane v18, v5;
	v20 =	vadd.s32 v3, v20;
	_ =	sdelay $0x1  }
0x135: {  	s30 =	simm.s32 $0x3C00;
	v32 =	vperm.xlane v18, v6;
	v21 =	vadd.s32 v3, v31  }
0x136: {  	[tilespmem:s30], [sflag:$0x2] =	stream.indirect_vreg.gather [hbm4b:s4+s2], $0x80, v19, vm0, $0xb8;
	[tilespmem:$0x8480] =	vst v63  }
0x137: {  	s31 =	simm.s32 $0x3C80;
	v33 =	vperm.xlane v18, v7;
	v19 =	vadd.s32 v3, v32  }
0x138: {  	[tilespmem:s31], [sflag:$0x2] =	stream.indirect_vreg.gather [hbm4b:s4+s2], $0x80, v20, vm0, $0xb8;
	[tilespmem:$0x8480] =	vst v63  }
0x139: {  	s1 =	simm.s32 $0x3D00;
	v34 =	vperm.xlane v18, v8;
	v20 =	vadd.s32 v3, v33  }
0x13a: {  	[tilespmem:s1], [sflag:$0x2] =	stream.indirect_vreg.gather [hbm4b:s4+s2], $0x80, v21, vm0, $0xb8;
	[tilespmem:$0x8480] =	vst v63  }
0x13b: {  	v36 =	vperm.xlane v18, v9;
	v35 =	vadd.s32 v3, v34;
	s30 =	simm.s32 $0x3D80  }
0x13c: {  	[tilespmem:s30], [sflag:$0x2] =	stream.indirect_vreg.gather [hbm4b:s4+s2], $0x80, v19, vm0, $0xb8;
	[tilespmem:$0x8480] =	vst v63  }
0x13d: {  	v37 =	vperm.xlane v18, v1;
	s31 =	simm.s32 $0x3E00;
	v19 =	vadd.s32 v3, v36  }
0x13e: {  	[tilespmem:s31], [sflag:$0x2] =	stream.indirect_vreg.gather [hbm4b:s4+s2], $0x80, v20, vm0, $0xb8;
	[tilespmem:$0x8480] =	vst v63  }
0x13f: {  	v38 =	vperm.xlane v18, v10;
	s1 =	simm.s32 $0x3E80;
	v20 =	vadd.s32 v3, v37  }
0x140: {  	[tilespmem:s1], [sflag:$0x2] =	stream.indirect_vreg.gather [hbm4b:s4+s2], $0x80, v35, vm0, $0xb8;
	[tilespmem:$0x8480] =	vst v63  }
0x141: {  	v40 =	vperm.xlane v18, v11;
	v39 =	vadd.s32 v3, v38;
	s30 =	simm.s32 $0x3F00  }
0x142: {  	[tilespmem:s30], [sflag:$0x2] =	stream.indirect_vreg.gather [hbm4b:s4+s2], $0x80, v19, vm0, $0xb8;
	[tilespmem:$0x8480] =	vst v63  }
0x143: {  	v41 =	vperm.xlane v18, v12;
	s31 =	simm.s32 $0x3F80;
	v19 =	vadd.s32 v3, v40  }
0x144: {  	[tilespmem:s31], [sflag:$0x2] =	stream.indirect_vreg.gather [hbm4b:s4+s2], $0x80, v20, vm0, $0xb8;
	[tilespmem:$0x8480] =	vst v63  }
0x145: {  	v42 =	vperm.xlane v18, v13;
	s1 =	simm.s32 $0x4000;
	v20 =	vadd.s32 v3, v41  }
0x146: {  	[tilespmem:s1], [sflag:$0x2] =	stream.indirect_vreg.gather [hbm4b:s4+s2], $0x80, v39, vm0, $0xb8;
	[tilespmem:$0x8480] =	vst v63  }
0x147: {  	v44 =	vperm.xlane v18, v14;
	v43 =	vadd.s32 v3, v42;
	s30 =	simm.s32 $0x4080  }
0x148: {  	[tilespmem:s30], [sflag:$0x2] =	stream.indirect_vreg.gather [hbm4b:s4+s2], $0x80, v19, vm0, $0xb8;
	[tilespmem:$0x8480] =	vst v63  }
0x149: {  	v45 =	vperm.xlane v18, v15;
	s31 =	simm.s32 $0x4100;
	v19 =	vadd.s32 v3, v44  }
0x14a: {  	[tilespmem:s31], [sflag:$0x2] =	stream.indirect_vreg.gather [hbm4b:s4+s2], $0x80, v20, vm0, $0xb8;
	[tilespmem:$0x8480] =	vst v63  }
0x14b: {  	v46 =	vperm.xlane v18, v16;
	s1 =	simm.s32 $0x4180;
	v20 =	vadd.s32 v3, v45  }
0x14c: {  	[tilespmem:s1], [sflag:$0x2] =	stream.indirect_vreg.gather [hbm4b:s4+s2], $0x80, v43, vm0, $0xb8;
	[tilespmem:$0x8480] =	vst v63  }
0x14d: {  	v18 =	vperm.xlane v18, v17;
	v47 =	vadd.s32 v3, v46;
	s30 =	simm.s32 $0x4200  }
0x14e: {  	[tilespmem:s30], [sflag:$0x2] =	stream.indirect_vreg.gather [hbm4b:s4+s2], $0x80, v19, vm0, $0xb8;
	[tilespmem:$0x8480] =	vst v63  }
0x14f: {  	v18 =	vadd.s32 v3, v18;
	s31 =	simm.s32 $0x4280  }
0x150: {  	[tilespmem:s31], [sflag:$0x2] =	stream.indirect_vreg.gather [hbm4b:s4+s2], $0x80, v20, vm0, $0xb8;
	[tilespmem:$0x8480] =	vst v63  }
0x151: {  	s1 =	simm.s32 $0x4300  }
0x152: {  	[tilespmem:s1], [sflag:$0x2] =	stream.indirect_vreg.gather [hbm4b:s4+s2], $0x80, v47, vm0, $0xb8;
	[tilespmem:$0x8480] =	vst v63  }
0x153: {  	s30 =	simm.s32 $0x4380  }
0x154: {  	[tilespmem:s30], [sflag:$0x2] =	stream.indirect_vreg.gather [hbm4b:s4+s2], $0x80, v18, vm0, $0xb8;
	[tilespmem:$0x8480] =	vst v63  }
0x155: {  	v18 =	vld [tilespmem:$0x80];
	_ =	sdelay $0x4  }
0x156: {  	v19 =	vshll.u32 v18, $0x7  }
0x157: {  	v18 =	vand.u32 $0x7, v18;
	v19 =	vand.u32 $0xFFFFFC00, v19  }
0x158: {  	v18 =	vor.u32 v18, v19  }
0x159: {  	v19 =	vperm.xlane v18, v2;
	_ =	sdelay $0x1  }
0x15a: {  	v20 =	vperm.xlane v18, v4;
	v19 =	vadd.s32 v3, v19;
	_ =	sdelay $0x1  }
0x15b: {  	v48 =	vperm.xlane v18, v5;
	v20 =	vadd.s32 v3, v20;
	_ =	sdelay $0x1  }
0x15c: {  	s31 =	simm.s32 $0x4400;
	v49 =	vperm.xlane v18, v6;
	v21 =	vadd.s32 v3, v48  }
0x15d: {  	[tilespmem:s31], [sflag:$0x3] =	stream.indirect_vreg.gather [hbm4b:s6+s2], $0x80, v19, vm0, $0xb8;
	[tilespmem:$0x8480] =	vst v63  }
0x15e: {  	s1 =	simm.s32 $0x4480;
	v50 =	vperm.xlane v18, v7;
	v19 =	vadd.s32 v3, v49  }
0x15f: {  	[tilespmem:s1], [sflag:$0x3] =	stream.indirect_vreg.gather [hbm4b:s6+s2], $0x80, v20, vm0, $0xb8;
	[tilespmem:$0x8480] =	vst v63  }
0x160: {  	s30 =	simm.s32 $0x4500;
	v51 =	vperm.xlane v18, v8;
	v20 =	vadd.s32 v3, v50  }
0x161: {  	[tilespmem:s30], [sflag:$0x3] =	stream.indirect_vreg.gather [hbm4b:s6+s2], $0x80, v21, vm0, $0xb8;
	[tilespmem:$0x8480] =	vst v63  }
0x162: {  	v53 =	vperm.xlane v18, v9;
	v52 =	vadd.s32 v3, v51;
	s31 =	simm.s32 $0x4580  }
0x163: {  	[tilespmem:s31], [sflag:$0x3] =	stream.indirect_vreg.gather [hbm4b:s6+s2], $0x80, v19, vm0, $0xb8;
	[tilespmem:$0x8480] =	vst v63  }
0x164: {  	v54 =	vperm.xlane v18, v1;
	s1 =	simm.s32 $0x4600;
	v19 =	vadd.s32 v3, v53  }
0x165: {  	[tilespmem:s1], [sflag:$0x3] =	stream.indirect_vreg.gather [hbm4b:s6+s2], $0x80, v20, vm0, $0xb8;
	[tilespmem:$0x8480] =	vst v63  }
0x166: {  	v55 =	vperm.xlane v18, v10;
	s30 =	simm.s32 $0x4680;
	v20 =	vadd.s32 v3, v54  }
0x167: {  	[tilespmem:s30], [sflag:$0x3] =	stream.indirect_vreg.gather [hbm4b:s6+s2], $0x80, v52, vm0, $0xb8;
	[tilespmem:$0x8480] =	vst v63  }
0x168: {  	v57 =	vperm.xlane v18, v11;
	v56 =	vadd.s32 v3, v55;
	s31 =	simm.s32 $0x4700  }
0x169: {  	[tilespmem:s31], [sflag:$0x3] =	stream.indirect_vreg.gather [hbm4b:s6+s2], $0x80, v19, vm0, $0xb8;
	[tilespmem:$0x8480] =	vst v63  }
0x16a: {  	v58 =	vperm.xlane v18, v12;
	s1 =	simm.s32 $0x4780;
	v19 =	vadd.s32 v3, v57  }
0x16b: {  	[tilespmem:s1], [sflag:$0x3] =	stream.indirect_vreg.gather [hbm4b:s6+s2], $0x80, v20, vm0, $0xb8;
	[tilespmem:$0x8480] =	vst v63  }
0x16c: {  	v59 =	vperm.xlane v18, v13;
	s30 =	simm.s32 $0x4800;
	v20 =	vadd.s32 v3, v58  }
0x16d: {  	[tilespmem:s30], [sflag:$0x3] =	stream.indirect_vreg.gather [hbm4b:s6+s2], $0x80, v56, vm0, $0xb8;
	[tilespmem:$0x8480] =	vst v63  }
0x16e: {  	v61 =	vperm.xlane v18, v14;
	v60 =	vadd.s32 v3, v59;
	s31 =	simm.s32 $0x4880  }
0x16f: {  	[tilespmem:s31], [sflag:$0x3] =	stream.indirect_vreg.gather [hbm4b:s6+s2], $0x80, v19, vm0, $0xb8;
	[tilespmem:$0x8480] =	vst v63  }
0x170: {  	v62 =	vperm.xlane v18, v15;
	s1 =	simm.s32 $0x4900;
	v19 =	vadd.s32 v3, v61  }
0x171: {  	[tilespmem:s1], [sflag:$0x3] =	stream.indirect_vreg.gather [hbm4b:s6+s2], $0x80, v20, vm0, $0xb8;
	[tilespmem:$0x8480] =	vst v63  }
0x172: {  	v63 =	vperm.xlane v18, v16;
	s30 =	simm.s32 $0x4980;
	v20 =	vadd.s32 v3, v62  }
0x173: {  	[tilespmem:s30], [sflag:$0x3] =	stream.indirect_vreg.gather [hbm4b:s6+s2], $0x80, v60, vm0, $0xb8;
	[tilespmem:$0x8480] =	vst v63  }
0x174: {  	v18 =	vperm.xlane v18, v17;
	v24 =	vadd.s32 v3, v63;
	s31 =	simm.s32 $0x4A00  }
0x175: {  	[tilespmem:s31], [sflag:$0x3] =	stream.indirect_vreg.gather [hbm4b:s6+s2], $0x80, v19, vm0, $0xb8;
	[tilespmem:$0x8480] =	vst v63  }
0x176: {  	v18 =	vadd.s32 v3, v18;
	s1 =	simm.s32 $0x4A80  }
0x177: {  	[tilespmem:s1], [sflag:$0x3] =	stream.indirect_vreg.gather [hbm4b:s6+s2], $0x80, v20, vm0, $0xb8;
	[tilespmem:$0x8480] =	vst v63  }
0x178: {  	s30 =	simm.s32 $0x4B00  }
0x179: {  	[tilespmem:s30], [sflag:$0x3] =	stream.indirect_vreg.gather [hbm4b:s6+s2], $0x80, v24, vm0, $0xb8;
	[tilespmem:$0x8480] =	vst v63  }
0x17a: {  	s31 =	simm.s32 $0x4B80  }
0x17b: {  	[tilespmem:s31], [sflag:$0x3] =	stream.indirect_vreg.gather [hbm4b:s6+s2], $0x80, v18, vm0, $0xb8;
	[tilespmem:$0x8480] =	vst v63  }
0x17c: {  	v18 =	vld [tilespmem:$0x90];
	_ =	sdelay $0x4  }
0x17d: {  	v19 =	vshll.u32 v18, $0x7  }
0x17e: {  	v18 =	vand.u32 $0x7, v18;
	v19 =	vand.u32 $0xFFFFFC00, v19  }
0x17f: {  	v18 =	vor.u32 v18, v19  }
0x180: {  	v19 =	vperm.xlane v18, v2;
	_ =	sdelay $0x1  }
0x181: {  	v20 =	vperm.xlane v18, v4;
	v19 =	vadd.s32 v3, v19;
	_ =	sdelay $0x1  }
0x182: {  	v25 =	vperm.xlane v18, v5;
	v20 =	vadd.s32 v3, v20;
	_ =	sdelay $0x1  }
0x183: {  	s1 =	simm.s32 $0x4C00;
	v26 =	vperm.xlane v18, v6;
	v21 =	vadd.s32 v3, v25  }
0x184: {  	[tilespmem:s1], [sflag:$0x3] =	stream.indirect_vreg.gather [hbm4b:s6+s2], $0x80, v19, vm0, $0xb8;
	[tilespmem:$0x8480] =	vst v63  }
0x185: {  	s30 =	simm.s32 $0x4C80;
	v27 =	vperm.xlane v18, v7;
	v19 =	vadd.s32 v3, v26  }
0x186: {  	[tilespmem:s30], [sflag:$0x3] =	stream.indirect_vreg.gather [hbm4b:s6+s2], $0x80, v20, vm0, $0xb8;
	[tilespmem:$0x8480] =	vst v63  }
0x187: {  	s31 =	simm.s32 $0x4D00;
	v28 =	vperm.xlane v18, v8;
	v20 =	vadd.s32 v3, v27  }
0x188: {  	[tilespmem:s31], [sflag:$0x3] =	stream.indirect_vreg.gather [hbm4b:s6+s2], $0x80, v21, vm0, $0xb8;
	[tilespmem:$0x8480] =	vst v63  }
0x189: {  	v30 =	vperm.xlane v18, v9;
	v29 =	vadd.s32 v3, v28;
	s1 =	simm.s32 $0x4D80  }
0x18a: {  	[tilespmem:s1], [sflag:$0x3] =	stream.indirect_vreg.gather [hbm4b:s6+s2], $0x80, v19, vm0, $0xb8;
	[tilespmem:$0x8480] =	vst v63  }
0x18b: {  	v31 =	vperm.xlane v18, v1;
	s30 =	simm.s32 $0x4E00;
	v19 =	vadd.s32 v3, v30  }
0x18c: {  	[tilespmem:s30], [sflag:$0x3] =	stream.indirect_vreg.gather [hbm4b:s6+s2], $0x80, v20, vm0, $0xb8;
	[tilespmem:$0x8480] =	vst v63  }
0x18d: {  	v32 =	vperm.xlane v18, v10;
	s31 =	simm.s32 $0x4E80;
	v20 =	vadd.s32 v3, v31  }
0x18e: {  	[tilespmem:s31], [sflag:$0x3] =	stream.indirect_vreg.gather [hbm4b:s6+s2], $0x80, v29, vm0, $0xb8;
	[tilespmem:$0x8480] =	vst v63  }
0x18f: {  	v34 =	vperm.xlane v18, v11;
	v33 =	vadd.s32 v3, v32;
	s1 =	simm.s32 $0x4F00  }
0x190: {  	[tilespmem:s1], [sflag:$0x3] =	stream.indirect_vreg.gather [hbm4b:s6+s2], $0x80, v19, vm0, $0xb8;
	[tilespmem:$0x8480] =	vst v63  }
0x191: {  	v35 =	vperm.xlane v18, v12;
	s30 =	simm.s32 $0x4F80;
	v19 =	vadd.s32 v3, v34  }
0x192: {  	[tilespmem:s30], [sflag:$0x3] =	stream.indirect_vreg.gather [hbm4b:s6+s2], $0x80, v20, vm0, $0xb8;
	[tilespmem:$0x8480] =	vst v63  }
0x193: {  	v36 =	vperm.xlane v18, v13;
	s31 =	simm.s32 $0x5000;
	v20 =	vadd.s32 v3, v35  }
0x194: {  	[tilespmem:s31], [sflag:$0x3] =	stream.indirect_vreg.gather [hbm4b:s6+s2], $0x80, v33, vm0, $0xb8;
	[tilespmem:$0x8480] =	vst v63  }
0x195: {  	v38 =	vperm.xlane v18, v14;
	v37 =	vadd.s32 v3, v36;
	s1 =	simm.s32 $0x5080  }
0x196: {  	[tilespmem:s1], [sflag:$0x3] =	stream.indirect_vreg.gather [hbm4b:s6+s2], $0x80, v19, vm0, $0xb8;
	[tilespmem:$0x8480] =	vst v63  }
0x197: {  	v39 =	vperm.xlane v18, v15;
	s30 =	simm.s32 $0x5100;
	v19 =	vadd.s32 v3, v38  }
0x198: {  	[tilespmem:s30], [sflag:$0x3] =	stream.indirect_vreg.gather [hbm4b:s6+s2], $0x80, v20, vm0, $0xb8;
	[tilespmem:$0x8480] =	vst v63  }
0x199: {  	v40 =	vperm.xlane v18, v16;
	s31 =	simm.s32 $0x5180;
	v20 =	vadd.s32 v3, v39  }
0x19a: {  	[tilespmem:s31], [sflag:$0x3] =	stream.indirect_vreg.gather [hbm4b:s6+s2], $0x80, v37, vm0, $0xb8;
	[tilespmem:$0x8480] =	vst v63  }
0x19b: {  	v18 =	vperm.xlane v18, v17;
	v41 =	vadd.s32 v3, v40;
	s1 =	simm.s32 $0x5200  }
0x19c: {  	[tilespmem:s1], [sflag:$0x3] =	stream.indirect_vreg.gather [hbm4b:s6+s2], $0x80, v19, vm0, $0xb8;
	[tilespmem:$0x8480] =	vst v63  }
0x19d: {  	v18 =	vadd.s32 v3, v18;
	s30 =	simm.s32 $0x5280  }
0x19e: {  	[tilespmem:s30], [sflag:$0x3] =	stream.indirect_vreg.gather [hbm4b:s6+s2], $0x80, v20, vm0, $0xb8;
	[tilespmem:$0x8480] =	vst v63  }
0x19f: {  	s31 =	simm.s32 $0x5300  }
0x1a0: {  	[tilespmem:s31], [sflag:$0x3] =	stream.indirect_vreg.gather [hbm4b:s6+s2], $0x80, v41, vm0, $0xb8;
	[tilespmem:$0x8480] =	vst v63  }
0x1a1: {  	s1 =	simm.s32 $0x5380  }
0x1a2: {  	[tilespmem:s1], [sflag:$0x3] =	stream.indirect_vreg.gather [hbm4b:s6+s2], $0x80, v18, vm0, $0xb8;
	[tilespmem:$0x8480] =	vst v63  }
0x1a3: {  	v18 =	vld [tilespmem:$0xA0];
	_ =	sdelay $0x4  }
0x1a4: {  	v19 =	vshll.u32 v18, $0x7  }
0x1a5: {  	v18 =	vand.u32 $0x7, v18;
	v19 =	vand.u32 $0xFFFFFC00, v19  }
0x1a6: {  	v18 =	vor.u32 v18, v19  }
0x1a7: {  	v19 =	vperm.xlane v18, v2;
	_ =	sdelay $0x1  }
0x1a8: {  	v20 =	vperm.xlane v18, v4;
	v19 =	vadd.s32 v3, v19;
	_ =	sdelay $0x1  }
0x1a9: {  	v42 =	vperm.xlane v18, v5;
	v20 =	vadd.s32 v3, v20;
	_ =	sdelay $0x1  }
0x1aa: {  	s30 =	simm.s32 $0x5400;
	v43 =	vperm.xlane v18, v6;
	v21 =	vadd.s32 v3, v42  }
0x1ab: {  	[tilespmem:s30], [sflag:$0x3] =	stream.indirect_vreg.gather [hbm4b:s6+s2], $0x80, v19, vm0, $0xb8;
	[tilespmem:$0x8480] =	vst v63  }
0x1ac: {  	s31 =	simm.s32 $0x5480;
	v44 =	vperm.xlane v18, v7;
	v19 =	vadd.s32 v3, v43  }
0x1ad: {  	[tilespmem:s31], [sflag:$0x3] =	stream.indirect_vreg.gather [hbm4b:s6+s2], $0x80, v20, vm0, $0xb8;
	[tilespmem:$0x8480] =	vst v63  }
0x1ae: {  	s1 =	simm.s32 $0x5500;
	v45 =	vperm.xlane v18, v8;
	v20 =	vadd.s32 v3, v44  }
0x1af: {  	[tilespmem:s1], [sflag:$0x3] =	stream.indirect_vreg.gather [hbm4b:s6+s2], $0x80, v21, vm0, $0xb8;
	[tilespmem:$0x8480] =	vst v63  }
0x1b0: {  	v47 =	vperm.xlane v18, v9;
	v46 =	vadd.s32 v3, v45;
	s30 =	simm.s32 $0x5580  }
0x1b1: {  	[tilespmem:s30], [sflag:$0x3] =	stream.indirect_vreg.gather [hbm4b:s6+s2], $0x80, v19, vm0, $0xb8;
	[tilespmem:$0x8480] =	vst v63  }
0x1b2: {  	v48 =	vperm.xlane v18, v1;
	s31 =	simm.s32 $0x5600;
	v19 =	vadd.s32 v3, v47  }
0x1b3: {  	[tilespmem:s31], [sflag:$0x3] =	stream.indirect_vreg.gather [hbm4b:s6+s2], $0x80, v20, vm0, $0xb8;
	[tilespmem:$0x8480] =	vst v63  }
0x1b4: {  	v49 =	vperm.xlane v18, v10;
	s1 =	simm.s32 $0x5680;
	v20 =	vadd.s32 v3, v48  }
0x1b5: {  	[tilespmem:s1], [sflag:$0x3] =	stream.indirect_vreg.gather [hbm4b:s6+s2], $0x80, v46, vm0, $0xb8;
	[tilespmem:$0x8480] =	vst v63  }
0x1b6: {  	v51 =	vperm.xlane v18, v11;
	v50 =	vadd.s32 v3, v49;
	s30 =	simm.s32 $0x5700  }
0x1b7: {  	[tilespmem:s30], [sflag:$0x3] =	stream.indirect_vreg.gather [hbm4b:s6+s2], $0x80, v19, vm0, $0xb8;
	[tilespmem:$0x8480] =	vst v63  }
0x1b8: {  	v52 =	vperm.xlane v18, v12;
	s31 =	simm.s32 $0x5780;
	v19 =	vadd.s32 v3, v51  }
0x1b9: {  	[tilespmem:s31], [sflag:$0x3] =	stream.indirect_vreg.gather [hbm4b:s6+s2], $0x80, v20, vm0, $0xb8;
	[tilespmem:$0x8480] =	vst v63  }
0x1ba: {  	v53 =	vperm.xlane v18, v13;
	s1 =	simm.s32 $0x5800;
	v20 =	vadd.s32 v3, v52  }
0x1bb: {  	[tilespmem:s1], [sflag:$0x3] =	stream.indirect_vreg.gather [hbm4b:s6+s2], $0x80, v50, vm0, $0xb8;
	[tilespmem:$0x8480] =	vst v63  }
0x1bc: {  	v55 =	vperm.xlane v18, v14;
	v54 =	vadd.s32 v3, v53;
	s30 =	simm.s32 $0x5880  }
0x1bd: {  	[tilespmem:s30], [sflag:$0x3] =	stream.indirect_vreg.gather [hbm4b:s6+s2], $0x80, v19, vm0, $0xb8;
	[tilespmem:$0x8480] =	vst v63  }
0x1be: {  	v56 =	vperm.xlane v18, v15;
	s31 =	simm.s32 $0x5900;
	v19 =	vadd.s32 v3, v55  }
0x1bf: {  	[tilespmem:s31], [sflag:$0x3] =	stream.indirect_vreg.gather [hbm4b:s6+s2], $0x80, v20, vm0, $0xb8;
	[tilespmem:$0x8480] =	vst v63  }
0x1c0: {  	v57 =	vperm.xlane v18, v16;
	s1 =	simm.s32 $0x5980;
	v20 =	vadd.s32 v3, v56  }
0x1c1: {  	[tilespmem:s1], [sflag:$0x3] =	stream.indirect_vreg.gather [hbm4b:s6+s2], $0x80, v54, vm0, $0xb8;
	[tilespmem:$0x8480] =	vst v63  }
0x1c2: {  	v18 =	vperm.xlane v18, v17;
	v58 =	vadd.s32 v3, v57;
	s30 =	simm.s32 $0x5A00  }
0x1c3: {  	[tilespmem:s30], [sflag:$0x3] =	stream.indirect_vreg.gather [hbm4b:s6+s2], $0x80, v19, vm0, $0xb8;
	[tilespmem:$0x8480] =	vst v63  }
0x1c4: {  	v18 =	vadd.s32 v3, v18;
	s31 =	simm.s32 $0x5A80  }
0x1c5: {  	[tilespmem:s31], [sflag:$0x3] =	stream.indirect_vreg.gather [hbm4b:s6+s2], $0x80, v20, vm0, $0xb8;
	[tilespmem:$0x8480] =	vst v63  }
0x1c6: {  	s1 =	simm.s32 $0x5B00  }
0x1c7: {  	[tilespmem:s1], [sflag:$0x3] =	stream.indirect_vreg.gather [hbm4b:s6+s2], $0x80, v58, vm0, $0xb8;
	[tilespmem:$0x8480] =	vst v63  }
0x1c8: {  	s30 =	simm.s32 $0x5B80  }
0x1c9: {  	[tilespmem:s30], [sflag:$0x3] =	stream.indirect_vreg.gather [hbm4b:s6+s2], $0x80, v18, vm0, $0xb8;
	[tilespmem:$0x8480] =	vst v63  }
0x1ca: {  	v18 =	vld [tilespmem:$0xB0];
	_ =	sdelay $0x4  }
0x1cb: {  	v19 =	vshll.u32 v18, $0x7  }
0x1cc: {  	v18 =	vand.u32 $0x7, v18;
	v19 =	vand.u32 $0xFFFFFC00, v19  }
0x1cd: {  	v18 =	vor.u32 v18, v19  }
0x1ce: {  	v19 =	vperm.xlane v18, v2;
	_ =	sdelay $0x1  }
0x1cf: {  	v20 =	vperm.xlane v18, v4;
	v19 =	vadd.s32 v3, v19;
	_ =	sdelay $0x1  }
0x1d0: {  	v59 =	vperm.xlane v18, v5;
	v20 =	vadd.s32 v3, v20;
	_ =	sdelay $0x1  }
0x1d1: {  	s31 =	simm.s32 $0x5C00;
	v60 =	vperm.xlane v18, v6;
	v21 =	vadd.s32 v3, v59  }
0x1d2: {  	[tilespmem:s31], [sflag:$0x3] =	stream.indirect_vreg.gather [hbm4b:s6+s2], $0x80, v19, vm0, $0xb8;
	[tilespmem:$0x8480] =	vst v63  }
0x1d3: {  	s1 =	simm.s32 $0x5C80;
	v61 =	vperm.xlane v18, v7;
	v19 =	vadd.s32 v3, v60  }
0x1d4: {  	[tilespmem:s1], [sflag:$0x3] =	stream.indirect_vreg.gather [hbm4b:s6+s2], $0x80, v20, vm0, $0xb8;
	[tilespmem:$0x8480] =	vst v63  }
0x1d5: {  	s30 =	simm.s32 $0x5D00;
	v62 =	vperm.xlane v18, v8;
	v20 =	vadd.s32 v3, v61  }
0x1d6: {  	[tilespmem:s30], [sflag:$0x3] =	stream.indirect_vreg.gather [hbm4b:s6+s2], $0x80, v21, vm0, $0xb8;
	[tilespmem:$0x8480] =	vst v63  }
0x1d7: {  	v24 =	vperm.xlane v18, v9;
	v63 =	vadd.s32 v3, v62;
	s31 =	simm.s32 $0x5D80  }
0x1d8: {  	[tilespmem:s31], [sflag:$0x3] =	stream.indirect_vreg.gather [hbm4b:s6+s2], $0x80, v19, vm0, $0xb8;
	[tilespmem:$0x8480] =	vst v63  }
0x1d9: {  	v25 =	vperm.xlane v18, v1;
	s1 =	simm.s32 $0x5E00;
	v19 =	vadd.s32 v3, v24  }
0x1da: {  	[tilespmem:s1], [sflag:$0x3] =	stream.indirect_vreg.gather [hbm4b:s6+s2], $0x80, v20, vm0, $0xb8;
	[tilespmem:$0x8480] =	vst v63  }
0x1db: {  	v26 =	vperm.xlane v18, v10;
	s30 =	simm.s32 $0x5E80;
	v20 =	vadd.s32 v3, v25  }
0x1dc: {  	[tilespmem:s30], [sflag:$0x3] =	stream.indirect_vreg.gather [hbm4b:s6+s2], $0x80, v63, vm0, $0xb8;
	[tilespmem:$0x8480] =	vst v63  }
0x1dd: {  	v28 =	vperm.xlane v18, v11;
	v27 =	vadd.s32 v3, v26;
	s31 =	simm.s32 $0x5F00  }
0x1de: {  	[tilespmem:s31], [sflag:$0x3] =	stream.indirect_vreg.gather [hbm4b:s6+s2], $0x80, v19, vm0, $0xb8;
	[tilespmem:$0x8480] =	vst v63  }
0x1df: {  	v29 =	vperm.xlane v18, v12;
	s1 =	simm.s32 $0x5F80;
	v19 =	vadd.s32 v3, v28  }
0x1e0: {  	[tilespmem:s1], [sflag:$0x3] =	stream.indirect_vreg.gather [hbm4b:s6+s2], $0x80, v20, vm0, $0xb8;
	[tilespmem:$0x8480] =	vst v63  }
0x1e1: {  	v30 =	vperm.xlane v18, v13;
	s30 =	simm.s32 $0x6000;
	v20 =	vadd.s32 v3, v29  }
0x1e2: {  	[tilespmem:s30], [sflag:$0x3] =	stream.indirect_vreg.gather [hbm4b:s6+s2], $0x80, v27, vm0, $0xb8;
	[tilespmem:$0x8480] =	vst v63  }
0x1e3: {  	v32 =	vperm.xlane v18, v14;
	v31 =	vadd.s32 v3, v30;
	s31 =	simm.s32 $0x6080  }
0x1e4: {  	[tilespmem:s31], [sflag:$0x3] =	stream.indirect_vreg.gather [hbm4b:s6+s2], $0x80, v19, vm0, $0xb8;
	[tilespmem:$0x8480] =	vst v63  }
0x1e5: {  	v33 =	vperm.xlane v18, v15;
	s1 =	simm.s32 $0x6100;
	v19 =	vadd.s32 v3, v32  }
0x1e6: {  	[tilespmem:s1], [sflag:$0x3] =	stream.indirect_vreg.gather [hbm4b:s6+s2], $0x80, v20, vm0, $0xb8;
	[tilespmem:$0x8480] =	vst v63  }
0x1e7: {  	v34 =	vperm.xlane v18, v16;
	s30 =	simm.s32 $0x6180;
	v20 =	vadd.s32 v3, v33  }
0x1e8: {  	[tilespmem:s30], [sflag:$0x3] =	stream.indirect_vreg.gather [hbm4b:s6+s2], $0x80, v31, vm0, $0xb8;
	[tilespmem:$0x8480] =	vst v63  }
0x1e9: {  	v18 =	vperm.xlane v18, v17;
	v35 =	vadd.s32 v3, v34;
	s31 =	simm.s32 $0x6200  }
0x1ea: {  	[tilespmem:s31], [sflag:$0x3] =	stream.indirect_vreg.gather [hbm4b:s6+s2], $0x80, v19, vm0, $0xb8;
	[tilespmem:$0x8480] =	vst v63  }
0x1eb: {  	v18 =	vadd.s32 v3, v18;
	s1 =	simm.s32 $0x6280  }
0x1ec: {  	[tilespmem:s1], [sflag:$0x3] =	stream.indirect_vreg.gather [hbm4b:s6+s2], $0x80, v20, vm0, $0xb8;
	[tilespmem:$0x8480] =	vst v63  }
0x1ed: {  	s30 =	simm.s32 $0x6300  }
0x1ee: {  	[tilespmem:s30], [sflag:$0x3] =	stream.indirect_vreg.gather [hbm4b:s6+s2], $0x80, v35, vm0, $0xb8;
	[tilespmem:$0x8480] =	vst v63  }
0x1ef: {  	s31 =	simm.s32 $0x6380  }
0x1f0: {  	[tilespmem:s31], [sflag:$0x3] =	stream.indirect_vreg.gather [hbm4b:s6+s2], $0x80, v18, vm0, $0xb8;
	[tilespmem:$0x8480] =	vst v63  }
0x1f1: {  	v18 =	vld [tilespmem:$0xC0];
	_ =	sdelay $0x4  }
0x1f2: {  	v19 =	vshll.u32 v18, $0x7  }
0x1f3: {  	v18 =	vand.u32 $0x7, v18;
	v19 =	vand.u32 $0xFFFFFC00, v19  }
0x1f4: {  	v18 =	vor.u32 v18, v19  }
0x1f5: {  	v19 =	vperm.xlane v18, v2;
	_ =	sdelay $0x1  }
0x1f6: {  	v20 =	vperm.xlane v18, v4;
	v19 =	vadd.s32 v3, v19;
	_ =	sdelay $0x1  }
0x1f7: {  	v36 =	vperm.xlane v18, v5;
	v20 =	vadd.s32 v3, v20;
	_ =	sdelay $0x1  }
0x1f8: {  	s1 =	simm.s32 $0x6400;
	v37 =	vperm.xlane v18, v6;
	v21 =	vadd.s32 v3, v36  }
0x1f9: {  	[tilespmem:s1], [sflag:$0x3] =	stream.indirect_vreg.gather [hbm4b:s6+s2], $0x80, v19, vm0, $0xb8;
	[tilespmem:$0x8480] =	vst v63  }
0x1fa: {  	s30 =	simm.s32 $0x6480;
	v38 =	vperm.xlane v18, v7;
	v19 =	vadd.s32 v3, v37  }
0x1fb: {  	[tilespmem:s30], [sflag:$0x3] =	stream.indirect_vreg.gather [hbm4b:s6+s2], $0x80, v20, vm0, $0xb8;
	[tilespmem:$0x8480] =	vst v63  }
0x1fc: {  	s31 =	simm.s32 $0x6500;
	v39 =	vperm.xlane v18, v8;
	v20 =	vadd.s32 v3, v38  }
0x1fd: {  	[tilespmem:s31], [sflag:$0x3] =	stream.indirect_vreg.gather [hbm4b:s6+s2], $0x80, v21, vm0, $0xb8;
	[tilespmem:$0x8480] =	vst v63  }
0x1fe: {  	v41 =	vperm.xlane v18, v9;
	v40 =	vadd.s32 v3, v39;
	s1 =	simm.s32 $0x6580  }
0x1ff: {  	[tilespmem:s1], [sflag:$0x3] =	stream.indirect_vreg.gather [hbm4b:s6+s2], $0x80, v19, vm0, $0xb8;
	[tilespmem:$0x8480] =	vst v63  }
0x200: {  	v42 =	vperm.xlane v18, v1;
	s30 =	simm.s32 $0x6600;
	v19 =	vadd.s32 v3, v41  }
0x201: {  	[tilespmem:s30], [sflag:$0x3] =	stream.indirect_vreg.gather [hbm4b:s6+s2], $0x80, v20, vm0, $0xb8;
	[tilespmem:$0x8480] =	vst v63  }
0x202: {  	v43 =	vperm.xlane v18, v10;
	s31 =	simm.s32 $0x6680;
	v20 =	vadd.s32 v3, v42  }
0x203: {  	[tilespmem:s31], [sflag:$0x3] =	stream.indirect_vreg.gather [hbm4b:s6+s2], $0x80, v40, vm0, $0xb8;
	[tilespmem:$0x8480] =	vst v63  }
0x204: {  	v45 =	vperm.xlane v18, v11;
	v44 =	vadd.s32 v3, v43;
	s1 =	simm.s32 $0x6700  }
0x205: {  	[tilespmem:s1], [sflag:$0x3] =	stream.indirect_vreg.gather [hbm4b:s6+s2], $0x80, v19, vm0, $0xb8;
	[tilespmem:$0x8480] =	vst v63  }
0x206: {  	v46 =	vperm.xlane v18, v12;
	s30 =	simm.s32 $0x6780;
	v19 =	vadd.s32 v3, v45  }
0x207: {  	[tilespmem:s30], [sflag:$0x3] =	stream.indirect_vreg.gather [hbm4b:s6+s2], $0x80, v20, vm0, $0xb8;
	[tilespmem:$0x8480] =	vst v63  }
0x208: {  	v47 =	vperm.xlane v18, v13;
	s31 =	simm.s32 $0x6800;
	v20 =	vadd.s32 v3, v46  }
0x209: {  	[tilespmem:s31], [sflag:$0x3] =	stream.indirect_vreg.gather [hbm4b:s6+s2], $0x80, v44, vm0, $0xb8;
	[tilespmem:$0x8480] =	vst v63  }
0x20a: {  	v49 =	vperm.xlane v18, v14;
	v48 =	vadd.s32 v3, v47;
	s1 =	simm.s32 $0x6880  }
0x20b: {  	[tilespmem:s1], [sflag:$0x3] =	stream.indirect_vreg.gather [hbm4b:s6+s2], $0x80, v19, vm0, $0xb8;
	[tilespmem:$0x8480] =	vst v63  }
0x20c: {  	v50 =	vperm.xlane v18, v15;
	s30 =	simm.s32 $0x6900;
	v19 =	vadd.s32 v3, v49  }
0x20d: {  	[tilespmem:s30], [sflag:$0x3] =	stream.indirect_vreg.gather [hbm4b:s6+s2], $0x80, v20, vm0, $0xb8;
	[tilespmem:$0x8480] =	vst v63  }
0x20e: {  	v51 =	vperm.xlane v18, v16;
	s31 =	simm.s32 $0x6980;
	v20 =	vadd.s32 v3, v50  }
0x20f: {  	[tilespmem:s31], [sflag:$0x3] =	stream.indirect_vreg.gather [hbm4b:s6+s2], $0x80, v48, vm0, $0xb8;
	[tilespmem:$0x8480] =	vst v63  }
0x210: {  	v18 =	vperm.xlane v18, v17;
	v52 =	vadd.s32 v3, v51;
	s1 =	simm.s32 $0x6A00  }
0x211: {  	[tilespmem:s1], [sflag:$0x3] =	stream.indirect_vreg.gather [hbm4b:s6+s2], $0x80, v19, vm0, $0xb8;
	[tilespmem:$0x8480] =	vst v63  }
0x212: {  	v18 =	vadd.s32 v3, v18;
	s30 =	simm.s32 $0x6A80  }
0x213: {  	[tilespmem:s30], [sflag:$0x3] =	stream.indirect_vreg.gather [hbm4b:s6+s2], $0x80, v20, vm0, $0xb8;
	[tilespmem:$0x8480] =	vst v63  }
0x214: {  	s31 =	simm.s32 $0x6B00  }
0x215: {  	[tilespmem:s31], [sflag:$0x3] =	stream.indirect_vreg.gather [hbm4b:s6+s2], $0x80, v52, vm0, $0xb8;
	[tilespmem:$0x8480] =	vst v63  }
0x216: {  	s1 =	simm.s32 $0x6B80  }
0x217: {  	[tilespmem:s1], [sflag:$0x3] =	stream.indirect_vreg.gather [hbm4b:s6+s2], $0x80, v18, vm0, $0xb8;
	[tilespmem:$0x8480] =	vst v63  }
0x218: {  	v18 =	vld [tilespmem:$0xD0];
	_ =	sdelay $0x4  }
0x219: {  	v19 =	vshll.u32 v18, $0x7  }
0x21a: {  	v18 =	vand.u32 $0x7, v18;
	v19 =	vand.u32 $0xFFFFFC00, v19  }
0x21b: {  	v18 =	vor.u32 v18, v19  }
0x21c: {  	v19 =	vperm.xlane v18, v2;
	_ =	sdelay $0x1  }
0x21d: {  	v20 =	vperm.xlane v18, v4;
	v19 =	vadd.s32 v3, v19;
	_ =	sdelay $0x1  }
0x21e: {  	v53 =	vperm.xlane v18, v5;
	v20 =	vadd.s32 v3, v20;
	_ =	sdelay $0x1  }
0x21f: {  	s30 =	simm.s32 $0x6C00;
	v54 =	vperm.xlane v18, v6;
	v21 =	vadd.s32 v3, v53  }
0x220: {  	[tilespmem:s30], [sflag:$0x3] =	stream.indirect_vreg.gather [hbm4b:s6+s2], $0x80, v19, vm0, $0xb8;
	[tilespmem:$0x8480] =	vst v63  }
0x221: {  	s31 =	simm.s32 $0x6C80;
	v55 =	vperm.xlane v18, v7;
	v19 =	vadd.s32 v3, v54  }
0x222: {  	[tilespmem:s31], [sflag:$0x3] =	stream.indirect_vreg.gather [hbm4b:s6+s2], $0x80, v20, vm0, $0xb8;
	[tilespmem:$0x8480] =	vst v63  }
0x223: {  	s1 =	simm.s32 $0x6D00;
	v56 =	vperm.xlane v18, v8;
	v20 =	vadd.s32 v3, v55  }
0x224: {  	[tilespmem:s1], [sflag:$0x3] =	stream.indirect_vreg.gather [hbm4b:s6+s2], $0x80, v21, vm0, $0xb8;
	[tilespmem:$0x8480] =	vst v63  }
0x225: {  	v58 =	vperm.xlane v18, v9;
	v57 =	vadd.s32 v3, v56;
	s30 =	simm.s32 $0x6D80  }
0x226: {  	[tilespmem:s30], [sflag:$0x3] =	stream.indirect_vreg.gather [hbm4b:s6+s2], $0x80, v19, vm0, $0xb8;
	[tilespmem:$0x8480] =	vst v63  }
0x227: {  	v59 =	vperm.xlane v18, v1;
	s31 =	simm.s32 $0x6E00;
	v19 =	vadd.s32 v3, v58  }
0x228: {  	[tilespmem:s31], [sflag:$0x3] =	stream.indirect_vreg.gather [hbm4b:s6+s2], $0x80, v20, vm0, $0xb8;
	[tilespmem:$0x8480] =	vst v63  }
0x229: {  	v60 =	vperm.xlane v18, v10;
	s1 =	simm.s32 $0x6E80;
	v20 =	vadd.s32 v3, v59  }
0x22a: {  	[tilespmem:s1], [sflag:$0x3] =	stream.indirect_vreg.gather [hbm4b:s6+s2], $0x80, v57, vm0, $0xb8;
	[tilespmem:$0x8480] =	vst v63  }
0x22b: {  	v62 =	vperm.xlane v18, v11;
	v61 =	vadd.s32 v3, v60;
	s30 =	simm.s32 $0x6F00  }
0x22c: {  	[tilespmem:s30], [sflag:$0x3] =	stream.indirect_vreg.gather [hbm4b:s6+s2], $0x80, v19, vm0, $0xb8;
	[tilespmem:$0x8480] =	vst v63  }
0x22d: {  	v63 =	vperm.xlane v18, v12;
	s31 =	simm.s32 $0x6F80;
	v19 =	vadd.s32 v3, v62  }
0x22e: {  	[tilespmem:s31], [sflag:$0x3] =	stream.indirect_vreg.gather [hbm4b:s6+s2], $0x80, v20, vm0, $0xb8;
	[tilespmem:$0x8480] =	vst v63  }
0x22f: {  	v24 =	vperm.xlane v18, v13;
	s1 =	simm.s32 $0x7000;
	v20 =	vadd.s32 v3, v63  }
0x230: {  	[tilespmem:s1], [sflag:$0x3] =	stream.indirect_vreg.gather [hbm4b:s6+s2], $0x80, v61, vm0, $0xb8;
	[tilespmem:$0x8480] =	vst v63  }
0x231: {  	v26 =	vperm.xlane v18, v14;
	v25 =	vadd.s32 v3, v24;
	s30 =	simm.s32 $0x7080  }
0x232: {  	[tilespmem:s30], [sflag:$0x3] =	stream.indirect_vreg.gather [hbm4b:s6+s2], $0x80, v19, vm0, $0xb8;
	[tilespmem:$0x8480] =	vst v63  }
0x233: {  	v27 =	vperm.xlane v18, v15;
	s31 =	simm.s32 $0x7100;
	v19 =	vadd.s32 v3, v26  }
0x234: {  	[tilespmem:s31], [sflag:$0x3] =	stream.indirect_vreg.gather [hbm4b:s6+s2], $0x80, v20, vm0, $0xb8;
	[tilespmem:$0x8480] =	vst v63  }
0x235: {  	v28 =	vperm.xlane v18, v16;
	s1 =	simm.s32 $0x7180;
	v20 =	vadd.s32 v3, v27  }
0x236: {  	[tilespmem:s1], [sflag:$0x3] =	stream.indirect_vreg.gather [hbm4b:s6+s2], $0x80, v25, vm0, $0xb8;
	[tilespmem:$0x8480] =	vst v63  }
0x237: {  	v18 =	vperm.xlane v18, v17;
	v29 =	vadd.s32 v3, v28;
	s30 =	simm.s32 $0x7200  }
0x238: {  	[tilespmem:s30], [sflag:$0x3] =	stream.indirect_vreg.gather [hbm4b:s6+s2], $0x80, v19, vm0, $0xb8;
	[tilespmem:$0x8480] =	vst v63  }
0x239: {  	v18 =	vadd.s32 v3, v18;
	s31 =	simm.s32 $0x7280  }
0x23a: {  	[tilespmem:s31], [sflag:$0x3] =	stream.indirect_vreg.gather [hbm4b:s6+s2], $0x80, v20, vm0, $0xb8;
	[tilespmem:$0x8480] =	vst v63  }
0x23b: {  	s1 =	simm.s32 $0x7300  }
0x23c: {  	[tilespmem:s1], [sflag:$0x3] =	stream.indirect_vreg.gather [hbm4b:s6+s2], $0x80, v29, vm0, $0xb8;
	[tilespmem:$0x8480] =	vst v63  }
0x23d: {  	s30 =	simm.s32 $0x7380  }
0x23e: {  	[tilespmem:s30], [sflag:$0x3] =	stream.indirect_vreg.gather [hbm4b:s6+s2], $0x80, v18, vm0, $0xb8;
	[tilespmem:$0x8480] =	vst v63  }
0x23f: {  	v18 =	vld [tilespmem:$0xE0];
	_ =	sdelay $0x4  }
0x240: {  	v19 =	vshll.u32 v18, $0x7  }
0x241: {  	v18 =	vand.u32 $0x7, v18;
	v19 =	vand.u32 $0xFFFFFC00, v19  }
0x242: {  	v18 =	vor.u32 v18, v19  }
0x243: {  	v19 =	vperm.xlane v18, v2;
	_ =	sdelay $0x1  }
0x244: {  	v20 =	vperm.xlane v18, v4;
	v19 =	vadd.s32 v3, v19;
	_ =	sdelay $0x1  }
0x245: {  	v30 =	vperm.xlane v18, v5;
	v20 =	vadd.s32 v3, v20;
	_ =	sdelay $0x1  }
0x246: {  	s31 =	simm.s32 $0x7400;
	v31 =	vperm.xlane v18, v6;
	v21 =	vadd.s32 v3, v30  }
0x247: {  	[tilespmem:s31], [sflag:$0x3] =	stream.indirect_vreg.gather [hbm4b:s6+s2], $0x80, v19, vm0, $0xb8;
	[tilespmem:$0x8480] =	vst v63  }
0x248: {  	s1 =	simm.s32 $0x7480;
	v32 =	vperm.xlane v18, v7;
	v19 =	vadd.s32 v3, v31  }
0x249: {  	[tilespmem:s1], [sflag:$0x3] =	stream.indirect_vreg.gather [hbm4b:s6+s2], $0x80, v20, vm0, $0xb8;
	[tilespmem:$0x8480] =	vst v63  }
0x24a: {  	s30 =	simm.s32 $0x7500;
	v33 =	vperm.xlane v18, v8;
	v20 =	vadd.s32 v3, v32  }
0x24b: {  	[tilespmem:s30], [sflag:$0x3] =	stream.indirect_vreg.gather [hbm4b:s6+s2], $0x80, v21, vm0, $0xb8;
	[tilespmem:$0x8480] =	vst v63  }
0x24c: {  	v35 =	vperm.xlane v18, v9;
	v34 =	vadd.s32 v3, v33;
	s31 =	simm.s32 $0x7580  }
0x24d: {  	[tilespmem:s31], [sflag:$0x3] =	stream.indirect_vreg.gather [hbm4b:s6+s2], $0x80, v19, vm0, $0xb8;
	[tilespmem:$0x8480] =	vst v63  }
0x24e: {  	v36 =	vperm.xlane v18, v1;
	s1 =	simm.s32 $0x7600;
	v19 =	vadd.s32 v3, v35  }
0x24f: {  	[tilespmem:s1], [sflag:$0x3] =	stream.indirect_vreg.gather [hbm4b:s6+s2], $0x80, v20, vm0, $0xb8;
	[tilespmem:$0x8480] =	vst v63  }
0x250: {  	v37 =	vperm.xlane v18, v10;
	s30 =	simm.s32 $0x7680;
	v20 =	vadd.s32 v3, v36  }
0x251: {  	[tilespmem:s30], [sflag:$0x3] =	stream.indirect_vreg.gather [hbm4b:s6+s2], $0x80, v34, vm0, $0xb8;
	[tilespmem:$0x8480] =	vst v63  }
0x252: {  	v39 =	vperm.xlane v18, v11;
	v38 =	vadd.s32 v3, v37;
	s31 =	simm.s32 $0x7700  }
0x253: {  	[tilespmem:s31], [sflag:$0x3] =	stream.indirect_vreg.gather [hbm4b:s6+s2], $0x80, v19, vm0, $0xb8;
	[tilespmem:$0x8480] =	vst v63  }
0x254: {  	v40 =	vperm.xlane v18, v12;
	s1 =	simm.s32 $0x7780;
	v19 =	vadd.s32 v3, v39  }
0x255: {  	[tilespmem:s1], [sflag:$0x3] =	stream.indirect_vreg.gather [hbm4b:s6+s2], $0x80, v20, vm0, $0xb8;
	[tilespmem:$0x8480] =	vst v63  }
0x256: {  	v41 =	vperm.xlane v18, v13;
	s30 =	simm.s32 $0x7800;
	v20 =	vadd.s32 v3, v40  }
0x257: {  	[tilespmem:s30], [sflag:$0x3] =	stream.indirect_vreg.gather [hbm4b:s6+s2], $0x80, v38, vm0, $0xb8;
	[tilespmem:$0x8480] =	vst v63  }
0x258: {  	v43 =	vperm.xlane v18, v14;
	v42 =	vadd.s32 v3, v41;
	s31 =	simm.s32 $0x7880  }
0x259: {  	[tilespmem:s31], [sflag:$0x3] =	stream.indirect_vreg.gather [hbm4b:s6+s2], $0x80, v19, vm0, $0xb8;
	[tilespmem:$0x8480] =	vst v63  }
0x25a: {  	v44 =	vperm.xlane v18, v15;
	s1 =	simm.s32 $0x7900;
	v19 =	vadd.s32 v3, v43  }
0x25b: {  	[tilespmem:s1], [sflag:$0x3] =	stream.indirect_vreg.gather [hbm4b:s6+s2], $0x80, v20, vm0, $0xb8;
	[tilespmem:$0x8480] =	vst v63  }
0x25c: {  	v45 =	vperm.xlane v18, v16;
	s30 =	simm.s32 $0x7980;
	v20 =	vadd.s32 v3, v44  }
0x25d: {  	[tilespmem:s30], [sflag:$0x3] =	stream.indirect_vreg.gather [hbm4b:s6+s2], $0x80, v42, vm0, $0xb8;
	[tilespmem:$0x8480] =	vst v63  }
0x25e: {  	v18 =	vperm.xlane v18, v17;
	v46 =	vadd.s32 v3, v45;
	s31 =	simm.s32 $0x7A00  }
0x25f: {  	[tilespmem:s31], [sflag:$0x3] =	stream.indirect_vreg.gather [hbm4b:s6+s2], $0x80, v19, vm0, $0xb8;
	[tilespmem:$0x8480] =	vst v63  }
0x260: {  	v18 =	vadd.s32 v3, v18;
	s1 =	simm.s32 $0x7A80  }
0x261: {  	[tilespmem:s1], [sflag:$0x3] =	stream.indirect_vreg.gather [hbm4b:s6+s2], $0x80, v20, vm0, $0xb8;
	[tilespmem:$0x8480] =	vst v63  }
0x262: {  	s30 =	simm.s32 $0x7B00  }
0x263: {  	[tilespmem:s30], [sflag:$0x3] =	stream.indirect_vreg.gather [hbm4b:s6+s2], $0x80, v46, vm0, $0xb8;
	[tilespmem:$0x8480] =	vst v63  }
0x264: {  	s31 =	simm.s32 $0x7B80  }
0x265: {  	[tilespmem:s31], [sflag:$0x3] =	stream.indirect_vreg.gather [hbm4b:s6+s2], $0x80, v18, vm0, $0xb8;
	[tilespmem:$0x8480] =	vst v63  }
0x266: {  	v18 =	vld [tilespmem:$0xF0];
	_ =	sdelay $0x4  }
0x267: {  	v19 =	vshll.u32 v18, $0x7  }
0x268: {  	v18 =	vand.u32 $0x7, v18;
	v19 =	vand.u32 $0xFFFFFC00, v19  }
0x269: {  	v18 =	vor.u32 v18, v19  }
0x26a: {  	v19 =	vperm.xlane v18, v2;
	_ =	sdelay $0x1  }
0x26b: {  	v20 =	vperm.xlane v18, v4;
	v19 =	vadd.s32 v3, v19;
	_ =	sdelay $0x1  }
0x26c: {  	v47 =	vperm.xlane v18, v5;
	v20 =	vadd.s32 v3, v20;
	_ =	sdelay $0x1  }
0x26d: {  	s1 =	simm.s32 $0x7C00;
	v48 =	vperm.xlane v18, v6;
	v21 =	vadd.s32 v3, v47  }
0x26e: {  	[tilespmem:s1], [sflag:$0x3] =	stream.indirect_vreg.gather [hbm4b:s6+s2], $0x80, v19, vm0, $0xb8;
	[tilespmem:$0x8480] =	vst v63  }
0x26f: {  	s30 =	simm.s32 $0x7C80;
	v49 =	vperm.xlane v18, v7;
	v19 =	vadd.s32 v3, v48  }
0x270: {  	[tilespmem:s30], [sflag:$0x3] =	stream.indirect_vreg.gather [hbm4b:s6+s2], $0x80, v20, vm0, $0xb8;
	[tilespmem:$0x8480] =	vst v63  }
0x271: {  	s31 =	simm.s32 $0x7D00;
	v50 =	vperm.xlane v18, v8;
	v20 =	vadd.s32 v3, v49  }
0x272: {  	[tilespmem:s31], [sflag:$0x3] =	stream.indirect_vreg.gather [hbm4b:s6+s2], $0x80, v21, vm0, $0xb8;
	[tilespmem:$0x8480] =	vst v63  }
0x273: {  	v52 =	vperm.xlane v18, v9;
	v51 =	vadd.s32 v3, v50  }
0x274: {  	[tilespmem:s13], [sflag:$0x3] =	stream.indirect_vreg.gather [hbm4b:s6+s2], $0x80, v19, vm0, $0xb8;
	[tilespmem:$0x8480] =	vst v63  }
0x275: {  	v53 =	vperm.xlane v18, v1;
	v19 =	vadd.s32 v3, v52  }
0x276: {  	[tilespmem:s22], [sflag:$0x3] =	stream.indirect_vreg.gather [hbm4b:s6+s2], $0x80, v20, vm0, $0xb8;
	[tilespmem:$0x8480] =	vst v63  }
0x277: {  	v54 =	vperm.xlane v18, v10;
	v20 =	vadd.s32 v3, v53  }
0x278: {  	[tilespmem:s21], [sflag:$0x3] =	stream.indirect_vreg.gather [hbm4b:s6+s2], $0x80, v51, vm0, $0xb8;
	[tilespmem:$0x8480] =	vst v63  }
0x279: {  	v56 =	vperm.xlane v18, v11;
	v55 =	vadd.s32 v3, v54  }
0x27a: {  	[tilespmem:s14], [sflag:$0x3] =	stream.indirect_vreg.gather [hbm4b:s6+s2], $0x80, v19, vm0, $0xb8;
	[tilespmem:$0x8480] =	vst v63  }
0x27b: {  	v57 =	vperm.xlane v18, v12;
	v19 =	vadd.s32 v3, v56  }
0x27c: {  	[tilespmem:s19], [sflag:$0x3] =	stream.indirect_vreg.gather [hbm4b:s6+s2], $0x80, v20, vm0, $0xb8;
	[tilespmem:$0x8480] =	vst v63  }
0x27d: {  	v58 =	vperm.xlane v18, v13;
	v20 =	vadd.s32 v3, v57  }
0x27e: {  	[tilespmem:s20], [sflag:$0x3] =	stream.indirect_vreg.gather [hbm4b:s6+s2], $0x80, v55, vm0, $0xb8;
	[tilespmem:$0x8480] =	vst v63  }
0x27f: {  	v60 =	vperm.xlane v18, v14;
	v59 =	vadd.s32 v3, v58  }
0x280: {  	[tilespmem:s18], [sflag:$0x3] =	stream.indirect_vreg.gather [hbm4b:s6+s2], $0x80, v19, vm0, $0xb8;
	[tilespmem:$0x8480] =	vst v63  }
0x281: {  	v61 =	vperm.xlane v18, v15;
	v19 =	vadd.s32 v3, v60  }
0x282: {  	[tilespmem:s17], [sflag:$0x3] =	stream.indirect_vreg.gather [hbm4b:s6+s2], $0x80, v20, vm0, $0xb8;
	[tilespmem:$0x8480] =	vst v63  }
0x283: {  	v62 =	vperm.xlane v18, v16;
	v20 =	vadd.s32 v3, v61  }
0x284: {  	[tilespmem:s5], [sflag:$0x3] =	stream.indirect_vreg.gather [hbm4b:s6+s2], $0x80, v59, vm0, $0xb8;
	[tilespmem:$0x8480] =	vst v63  }
0x285: {  	v18 =	vperm.xlane v18, v17;
	v63 =	vadd.s32 v3, v62  }
0x286: {  	[tilespmem:s16], [sflag:$0x3] =	stream.indirect_vreg.gather [hbm4b:s6+s2], $0x80, v19, vm0, $0xb8;
	[tilespmem:$0x8480] =	vst v63  }
0x287: {  	v18 =	vadd.s32 v3, v18  }
0x288: {  	[tilespmem:s15], [sflag:$0x3] =	stream.indirect_vreg.gather [hbm4b:s6+s2], $0x80, v20, vm0, $0xb8;
	[tilespmem:$0x8480] =	vst v63  }
0x289: {  	_ = 	snop  }
0x28a: {  	[tilespmem:s3], [sflag:$0x3] =	stream.indirect_vreg.gather [hbm4b:s6+s2], $0x80, v63, vm0, $0xb8;
	[tilespmem:$0x8480] =	vst v63  }
0x28b: {  	_ = 	snop  }
0x28c: {  	[tilespmem:s9], [sflag:$0x3] =	stream.indirect_vreg.gather [hbm4b:s6+s2], $0x80, v18, vm0, $0xb8;
	[tilespmem:$0x8480] =	vst v63  }
0x28d: {  	_ =	swait.ge [sflag:s12], $0x200  }
0x28e: {  	[sflag:s12] =	ssyncset.done $0x0  }
0x28f: {  	[sflag:s12] =	ssyncadd.s32 $0xFFFFFE00  }
0x290: {  	_ =	swait.ge [sflag:s23], $0x4000  }
0x291: {  	[sflag:s23] =	ssyncset.done $0x0  }
0x292: {  	s28 =	simm.s32 $0x480;
	s29 =	simm.s32 $0x0;
	v19 =	vimm.f32 $0.0e+00;
	v18 =	vimm.f32 $0.0e+00;
	[sflag:s23] =	ssyncadd.s32 $0xFFFFC000  }
.LBB2_2:
0x293: {  	s0 =	simm.s32 $0x1  }
0x294: {  	v20 =	vld [tilespmem:s28+$0x0];
	v21 =	vmov s0  }
0x295: {  	vm2 =	veq.s32 v21, v0;
	v21 =	vld [tilespmem:s28+$0xFFFFFF80];
	_ =	sdelay $0x1  }
0x296: {  	s30 =	simm.s32 $0x0  }
0x297: {  	v22 =	vmov s30  }
0x298: {  	s31 =	sadd.s32 $0x100, s28;
	s30 =	simm.s32 $0x2;
	vm1 =	veq.s32 v22, v0;
	v22 =	vimm.f32 $0.0e+00;
	v20 =	vsel vm2, v20, v19  }
.LBB2_3:
0x299: {  	v23 =	vld [tilespmem:s31+$0x0];
	p0 =	sne.s32 s30, $0xE;
	v22 =	vsel vm1, v21, v22;
	s0 =	smov.u32 s30;
	s30 =	sadd.s32 $0x2, s30  }
.Ltmp0:
0x29a: {  	v21 =	vld [tilespmem:s31+$0xFFFFFF80];
	(pc) =	sbr.rel @p0 .LBB2_3-.Ltmp0, $4  }
0x29b: {  	s1 =	sadd.s32 $0x1, s0  }
0x29c: {  	v24 =	vmov s1  }
0x29d: {  	v25 =	vmov s0;
	vm2 =	veq.s32 v24, v0  }
0x29e: {  	s31 =	sadd.s32 $0x100, s31;
	vm1 =	veq.s32 v25, v0;
	v20 =	vsel vm2, v23, v20  }
0x29f: {  	v21 =	vsel vm1, v21, v22  }
0x2a0: {  	v20 =	vadd.f32 v20, v21;
	_ =	sdelay $0x1  }
0x2a1: {  	v20 =	vmul.f32 $1.442695020e+00, v20;
	_ =	sdelay $0x1  }
0x2a2: {  	(erf) = vpow2.f32 v20;
	_ =	sdelay $0x2  }
0x2a3: {  	s0 =	sshll.u32 s29, $0x4  }
0x2a4: {  	s0 =	sand.u32 $0x3FFFFFF0, s0  }
0x2a5: {  	v20 =	vld [tilespmem:s0+$0x200]  }
0x2a6: {  	s29 =	sadd.s32 $0x1, s29  }
0x2a7: {  	p0 =	sne.s32 s29, $0x8  }
.Ltmp1:
0x2a8: {  	_ = 	snop;
	(pc) =	sbr.rel @p0 .LBB2_2-.Ltmp1, $3  }
0x2a9: {  	v63 =	vpop (erf)  }
0x2aa: {  	v20 =	vmul.f32 v20, v63;
	_ =	sdelay $0x1  }
0x2ab: {  	s28 =	sadd.s32 $0x810, s28;
	v18 =	vadd.f32 v20, v18  }
0x2ac: {  	v19 =	vld [tilespmem:$0x100];
	_ =	sdelay $0x4  }
0x2ad: {  	v20 =	vshll.u32 v19, $0x7  }
0x2ae: {  	v19 =	vand.u32 $0x7, v19;
	v20 =	vand.u32 $0xFFFFFC00, v20  }
0x2af: {  	v19 =	vor.u32 v19, v20  }
0x2b0: {  	v20 =	vperm.xlane v19, v2;
	_ =	sdelay $0x1  }
0x2b1: {  	v21 =	vperm.xlane v19, v4;
	v20 =	vadd.s32 v3, v20;
	_ =	sdelay $0x1  }
0x2b2: {  	v22 =	vperm.xlane v19, v5;
	v21 =	vadd.s32 v3, v21;
	_ =	sdelay $0x1  }
0x2b3: {  	s28 =	simm.s32 $0x0;
	v23 =	vperm.xlane v19, v6;
	v22 =	vadd.s32 v3, v22  }
0x2b4: {  	[tilespmem:s11], [sflag:$0x2] =	stream.indirect_vreg.gather [hbm4b:s7+s28], $0x80, v20, vm0, $0xb8;
	[tilespmem:$0x8480] =	vst v63  }
0x2b5: {  	v51 =	vperm.xlane v19, v7;
	v20 =	vadd.s32 v3, v23  }
0x2b6: {  	[tilespmem:s10], [sflag:$0x2] =	stream.indirect_vreg.gather [hbm4b:s7+s28], $0x80, v21, vm0, $0xb8;
	[tilespmem:$0x8480] =	vst v63  }
0x2b7: {  	s0 =	simm.s32 $0x500;
	v53 =	vperm.xlane v19, v8;
	v52 =	vadd.s32 v3, v51  }
0x2b8: {  	[tilespmem:s0], [sflag:$0x2] =	stream.indirect_vreg.gather [hbm4b:s7+s28], $0x80, v22, vm0, $0xb8;
	[tilespmem:$0x8480] =	vst v63  }
0x2b9: {  	v55 =	vperm.xlane v19, v9;
	v54 =	vadd.s32 v3, v53;
	s11 =	simm.s32 $0x580  }
0x2ba: {  	[tilespmem:s11], [sflag:$0x2] =	stream.indirect_vreg.gather [hbm4b:s7+s28], $0x80, v20, vm0, $0xb8;
	[tilespmem:$0x8480] =	vst v63  }
0x2bb: {  	s31 =	simm.s32 $0x600;
	v56 =	vperm.xlane v19, v1;
	v20 =	vadd.s32 v3, v55  }
0x2bc: {  	[tilespmem:s31], [sflag:$0x2] =	stream.indirect_vreg.gather [hbm4b:s7+s28], $0x80, v52, vm0, $0xb8;
	[tilespmem:$0x8480] =	vst v63  }
0x2bd: {  	s1 =	simm.s32 $0x680;
	v58 =	vperm.xlane v19, v10;
	v57 =	vadd.s32 v3, v56  }
0x2be: {  	[tilespmem:s1], [sflag:$0x2] =	stream.indirect_vreg.gather [hbm4b:s7+s28], $0x80, v54, vm0, $0xb8;
	[tilespmem:$0x8480] =	vst v63  }
0x2bf: {  	v60 =	vperm.xlane v19, v11;
	v59 =	vadd.s32 v3, v58;
	s11 =	simm.s32 $0x700  }
0x2c0: {  	[tilespmem:s11], [sflag:$0x2] =	stream.indirect_vreg.gather [hbm4b:s7+s28], $0x80, v20, vm0, $0xb8;
	[tilespmem:$0x8480] =	vst v63  }
0x2c1: {  	v61 =	vperm.xlane v19, v12;
	s31 =	simm.s32 $0x780;
	v20 =	vadd.s32 v3, v60  }
0x2c2: {  	[tilespmem:s31], [sflag:$0x2] =	stream.indirect_vreg.gather [hbm4b:s7+s28], $0x80, v57, vm0, $0xb8;
	[tilespmem:$0x8480] =	vst v63  }
0x2c3: {  	v63 =	vperm.xlane v19, v13;
	v62 =	vadd.s32 v3, v61;
	s1 =	simm.s32 $0x800  }
0x2c4: {  	[tilespmem:s1], [sflag:$0x2] =	stream.indirect_vreg.gather [hbm4b:s7+s28], $0x80, v59, vm0, $0xb8;
	[tilespmem:$0x8480] =	vst v63  }
0x2c5: {  	v25 =	vperm.xlane v19, v14;
	v24 =	vadd.s32 v3, v63;
	s11 =	simm.s32 $0x880  }
0x2c6: {  	[tilespmem:s11], [sflag:$0x2] =	stream.indirect_vreg.gather [hbm4b:s7+s28], $0x80, v20, vm0, $0xb8;
	[tilespmem:$0x8480] =	vst v63  }
0x2c7: {  	v26 =	vperm.xlane v19, v15;
	s31 =	simm.s32 $0x900;
	v20 =	vadd.s32 v3, v25  }
0x2c8: {  	[tilespmem:s31], [sflag:$0x2] =	stream.indirect_vreg.gather [hbm4b:s7+s28], $0x80, v62, vm0, $0xb8;
	[tilespmem:$0x8480] =	vst v63  }
0x2c9: {  	v28 =	vperm.xlane v19, v16;
	v27 =	vadd.s32 v3, v26;
	s1 =	simm.s32 $0x980  }
0x2ca: {  	[tilespmem:s1], [sflag:$0x2] =	stream.indirect_vreg.gather [hbm4b:s7+s28], $0x80, v24, vm0, $0xb8;
	[tilespmem:$0x8480] =	vst v63  }
0x2cb: {  	v19 =	vperm.xlane v19, v17;
	v29 =	vadd.s32 v3, v28;
	s11 =	simm.s32 $0xA00  }
0x2cc: {  	[tilespmem:s11], [sflag:$0x2] =	stream.indirect_vreg.gather [hbm4b:s7+s28], $0x80, v20, vm0, $0xb8;
	[tilespmem:$0x8480] =	vst v63  }
0x2cd: {  	v19 =	vadd.s32 v3, v19;
	s31 =	simm.s32 $0xA80  }
0x2ce: {  	[tilespmem:s31], [sflag:$0x2] =	stream.indirect_vreg.gather [hbm4b:s7+s28], $0x80, v27, vm0, $0xb8;
	[tilespmem:$0x8480] =	vst v63  }
0x2cf: {  	s1 =	simm.s32 $0xB00  }
0x2d0: {  	[tilespmem:s1], [sflag:$0x2] =	stream.indirect_vreg.gather [hbm4b:s7+s28], $0x80, v29, vm0, $0xb8;
	[tilespmem:$0x8480] =	vst v63  }
0x2d1: {  	s11 =	simm.s32 $0xB80  }
0x2d2: {  	[tilespmem:s11], [sflag:$0x2] =	stream.indirect_vreg.gather [hbm4b:s7+s28], $0x80, v19, vm0, $0xb8;
	[tilespmem:$0x8480] =	vst v63  }
0x2d3: {  	v19 =	vld [tilespmem:$0x110];
	_ =	sdelay $0x4  }
0x2d4: {  	v20 =	vshll.u32 v19, $0x7  }
0x2d5: {  	v19 =	vand.u32 $0x7, v19;
	v20 =	vand.u32 $0xFFFFFC00, v20  }
0x2d6: {  	v19 =	vor.u32 v19, v20  }
0x2d7: {  	v20 =	vperm.xlane v19, v2;
	_ =	sdelay $0x1  }
0x2d8: {  	v30 =	vperm.xlane v19, v4;
	v20 =	vadd.s32 v3, v20;
	_ =	sdelay $0x1  }
0x2d9: {  	v31 =	vperm.xlane v19, v5;
	v21 =	vadd.s32 v3, v30;
	_ =	sdelay $0x1  }
0x2da: {  	s31 =	simm.s32 $0xC00;
	v32 =	vperm.xlane v19, v6;
	v22 =	vadd.s32 v3, v31  }
0x2db: {  	[tilespmem:s31], [sflag:$0x2] =	stream.indirect_vreg.gather [hbm4b:s7+s28], $0x80, v20, vm0, $0xb8;
	[tilespmem:$0x8480] =	vst v63  }
0x2dc: {  	s1 =	simm.s32 $0xC80;
	v33 =	vperm.xlane v19, v7;
	v20 =	vadd.s32 v3, v32  }
0x2dd: {  	[tilespmem:s1], [sflag:$0x2] =	stream.indirect_vreg.gather [hbm4b:s7+s28], $0x80, v21, vm0, $0xb8;
	[tilespmem:$0x8480] =	vst v63  }
0x2de: {  	s11 =	simm.s32 $0xD00;
	v35 =	vperm.xlane v19, v8;
	v34 =	vadd.s32 v3, v33  }
0x2df: {  	[tilespmem:s11], [sflag:$0x2] =	stream.indirect_vreg.gather [hbm4b:s7+s28], $0x80, v22, vm0, $0xb8;
	[tilespmem:$0x8480] =	vst v63  }
0x2e0: {  	v37 =	vperm.xlane v19, v9;
	v36 =	vadd.s32 v3, v35;
	s31 =	simm.s32 $0xD80  }
0x2e1: {  	[tilespmem:s31], [sflag:$0x2] =	stream.indirect_vreg.gather [hbm4b:s7+s28], $0x80, v20, vm0, $0xb8;
	[tilespmem:$0x8480] =	vst v63  }
0x2e2: {  	v38 =	vperm.xlane v19, v1;
	s1 =	simm.s32 $0xE00;
	v20 =	vadd.s32 v3, v37  }
0x2e3: {  	[tilespmem:s1], [sflag:$0x2] =	stream.indirect_vreg.gather [hbm4b:s7+s28], $0x80, v34, vm0, $0xb8;
	[tilespmem:$0x8480] =	vst v63  }
0x2e4: {  	v40 =	vperm.xlane v19, v10;
	v39 =	vadd.s32 v3, v38;
	s11 =	simm.s32 $0xE80  }
0x2e5: {  	[tilespmem:s11], [sflag:$0x2] =	stream.indirect_vreg.gather [hbm4b:s7+s28], $0x80, v36, vm0, $0xb8;
	[tilespmem:$0x8480] =	vst v63  }
0x2e6: {  	v42 =	vperm.xlane v19, v11;
	v41 =	vadd.s32 v3, v40;
	s31 =	simm.s32 $0xF00  }
0x2e7: {  	[tilespmem:s31], [sflag:$0x2] =	stream.indirect_vreg.gather [hbm4b:s7+s28], $0x80, v20, vm0, $0xb8;
	[tilespmem:$0x8480] =	vst v63  }
0x2e8: {  	v43 =	vperm.xlane v19, v12;
	s1 =	simm.s32 $0xF80;
	v20 =	vadd.s32 v3, v42  }
0x2e9: {  	[tilespmem:s1], [sflag:$0x2] =	stream.indirect_vreg.gather [hbm4b:s7+s28], $0x80, v39, vm0, $0xb8;
	[tilespmem:$0x8480] =	vst v63  }
0x2ea: {  	v45 =	vperm.xlane v19, v13;
	v44 =	vadd.s32 v3, v43;
	s11 =	simm.s32 $0x1000  }
0x2eb: {  	[tilespmem:s11], [sflag:$0x2] =	stream.indirect_vreg.gather [hbm4b:s7+s28], $0x80, v41, vm0, $0xb8;
	[tilespmem:$0x8480] =	vst v63  }
0x2ec: {  	v47 =	vperm.xlane v19, v14;
	v46 =	vadd.s32 v3, v45;
	s31 =	simm.s32 $0x1080  }
0x2ed: {  	[tilespmem:s31], [sflag:$0x2] =	stream.indirect_vreg.gather [hbm4b:s7+s28], $0x80, v20, vm0, $0xb8;
	[tilespmem:$0x8480] =	vst v63  }
0x2ee: {  	v48 =	vperm.xlane v19, v15;
	s1 =	simm.s32 $0x1100;
	v20 =	vadd.s32 v3, v47  }
0x2ef: {  	[tilespmem:s1], [sflag:$0x2] =	stream.indirect_vreg.gather [hbm4b:s7+s28], $0x80, v44, vm0, $0xb8;
	[tilespmem:$0x8480] =	vst v63  }
0x2f0: {  	v50 =	vperm.xlane v19, v16;
	v49 =	vadd.s32 v3, v48;
	s11 =	simm.s32 $0x1180  }
0x2f1: {  	[tilespmem:s11], [sflag:$0x2] =	stream.indirect_vreg.gather [hbm4b:s7+s28], $0x80, v46, vm0, $0xb8;
	[tilespmem:$0x8480] =	vst v63  }
0x2f2: {  	v19 =	vperm.xlane v19, v17;
	v51 =	vadd.s32 v3, v50;
	s31 =	simm.s32 $0x1200  }
0x2f3: {  	[tilespmem:s31], [sflag:$0x2] =	stream.indirect_vreg.gather [hbm4b:s7+s28], $0x80, v20, vm0, $0xb8;
	[tilespmem:$0x8480] =	vst v63  }
0x2f4: {  	v19 =	vadd.s32 v3, v19;
	s1 =	simm.s32 $0x1280  }
0x2f5: {  	[tilespmem:s1], [sflag:$0x2] =	stream.indirect_vreg.gather [hbm4b:s7+s28], $0x80, v49, vm0, $0xb8;
	[tilespmem:$0x8480] =	vst v63  }
0x2f6: {  	s11 =	simm.s32 $0x1300  }
0x2f7: {  	[tilespmem:s11], [sflag:$0x2] =	stream.indirect_vreg.gather [hbm4b:s7+s28], $0x80, v51, vm0, $0xb8;
	[tilespmem:$0x8480] =	vst v63  }
0x2f8: {  	s31 =	simm.s32 $0x1380  }
0x2f9: {  	[tilespmem:s31], [sflag:$0x2] =	stream.indirect_vreg.gather [hbm4b:s7+s28], $0x80, v19, vm0, $0xb8;
	[tilespmem:$0x8480] =	vst v63  }
0x2fa: {  	v19 =	vld [tilespmem:$0x120];
	_ =	sdelay $0x4  }
0x2fb: {  	v20 =	vshll.u32 v19, $0x7  }
0x2fc: {  	v19 =	vand.u32 $0x7, v19;
	v20 =	vand.u32 $0xFFFFFC00, v20  }
0x2fd: {  	v19 =	vor.u32 v19, v20  }
0x2fe: {  	v20 =	vperm.xlane v19, v2;
	_ =	sdelay $0x1  }
0x2ff: {  	v52 =	vperm.xlane v19, v4;
	v20 =	vadd.s32 v3, v20;
	_ =	sdelay $0x1  }
0x300: {  	v53 =	vperm.xlane v19, v5;
	v21 =	vadd.s32 v3, v52;
	_ =	sdelay $0x1  }
0x301: {  	s1 =	simm.s32 $0x1400;
	v54 =	vperm.xlane v19, v6;
	v22 =	vadd.s32 v3, v53  }
0x302: {  	[tilespmem:s1], [sflag:$0x2] =	stream.indirect_vreg.gather [hbm4b:s7+s28], $0x80, v20, vm0, $0xb8;
	[tilespmem:$0x8480] =	vst v63  }
0x303: {  	s11 =	simm.s32 $0x1480;
	v55 =	vperm.xlane v19, v7;
	v20 =	vadd.s32 v3, v54  }
0x304: {  	[tilespmem:s11], [sflag:$0x2] =	stream.indirect_vreg.gather [hbm4b:s7+s28], $0x80, v21, vm0, $0xb8;
	[tilespmem:$0x8480] =	vst v63  }
0x305: {  	s31 =	simm.s32 $0x1500;
	v57 =	vperm.xlane v19, v8;
	v56 =	vadd.s32 v3, v55  }
0x306: {  	[tilespmem:s31], [sflag:$0x2] =	stream.indirect_vreg.gather [hbm4b:s7+s28], $0x80, v22, vm0, $0xb8;
	[tilespmem:$0x8480] =	vst v63  }
0x307: {  	v59 =	vperm.xlane v19, v9;
	v58 =	vadd.s32 v3, v57;
	s1 =	simm.s32 $0x1580  }
0x308: {  	[tilespmem:s1], [sflag:$0x2] =	stream.indirect_vreg.gather [hbm4b:s7+s28], $0x80, v20, vm0, $0xb8;
	[tilespmem:$0x8480] =	vst v63  }
0x309: {  	v60 =	vperm.xlane v19, v1;
	s11 =	simm.s32 $0x1600;
	v20 =	vadd.s32 v3, v59  }
0x30a: {  	[tilespmem:s11], [sflag:$0x2] =	stream.indirect_vreg.gather [hbm4b:s7+s28], $0x80, v56, vm0, $0xb8;
	[tilespmem:$0x8480] =	vst v63  }
0x30b: {  	v62 =	vperm.xlane v19, v10;
	v61 =	vadd.s32 v3, v60;
	s31 =	simm.s32 $0x1680  }
0x30c: {  	[tilespmem:s31], [sflag:$0x2] =	stream.indirect_vreg.gather [hbm4b:s7+s28], $0x80, v58, vm0, $0xb8;
	[tilespmem:$0x8480] =	vst v63  }
0x30d: {  	v24 =	vperm.xlane v19, v11;
	v63 =	vadd.s32 v3, v62;
	s1 =	simm.s32 $0x1700  }
0x30e: {  	[tilespmem:s1], [sflag:$0x2] =	stream.indirect_vreg.gather [hbm4b:s7+s28], $0x80, v20, vm0, $0xb8;
	[tilespmem:$0x8480] =	vst v63  }
0x30f: {  	v25 =	vperm.xlane v19, v12;
	s11 =	simm.s32 $0x1780;
	v20 =	vadd.s32 v3, v24  }
0x310: {  	[tilespmem:s11], [sflag:$0x2] =	stream.indirect_vreg.gather [hbm4b:s7+s28], $0x80, v61, vm0, $0xb8;
	[tilespmem:$0x8480] =	vst v63  }
0x311: {  	v27 =	vperm.xlane v19, v13;
	v26 =	vadd.s32 v3, v25;
	s31 =	simm.s32 $0x1800  }
0x312: {  	[tilespmem:s31], [sflag:$0x2] =	stream.indirect_vreg.gather [hbm4b:s7+s28], $0x80, v63, vm0, $0xb8;
	[tilespmem:$0x8480] =	vst v63  }
0x313: {  	v29 =	vperm.xlane v19, v14;
	v28 =	vadd.s32 v3, v27;
	s1 =	simm.s32 $0x1880  }
0x314: {  	[tilespmem:s1], [sflag:$0x2] =	stream.indirect_vreg.gather [hbm4b:s7+s28], $0x80, v20, vm0, $0xb8;
	[tilespmem:$0x8480] =	vst v63  }
0x315: {  	v30 =	vperm.xlane v19, v15;
	s11 =	simm.s32 $0x1900;
	v20 =	vadd.s32 v3, v29  }
0x316: {  	[tilespmem:s11], [sflag:$0x2] =	stream.indirect_vreg.gather [hbm4b:s7+s28], $0x80, v26, vm0, $0xb8;
	[tilespmem:$0x8480] =	vst v63  }
0x317: {  	v32 =	vperm.xlane v19, v16;
	v31 =	vadd.s32 v3, v30;
	s31 =	simm.s32 $0x1980  }
0x318: {  	[tilespmem:s31], [sflag:$0x2] =	stream.indirect_vreg.gather [hbm4b:s7+s28], $0x80, v28, vm0, $0xb8;
	[tilespmem:$0x8480] =	vst v63  }
0x319: {  	v19 =	vperm.xlane v19, v17;
	v33 =	vadd.s32 v3, v32;
	s1 =	simm.s32 $0x1A00  }
0x31a: {  	[tilespmem:s1], [sflag:$0x2] =	stream.indirect_vreg.gather [hbm4b:s7+s28], $0x80, v20, vm0, $0xb8;
	[tilespmem:$0x8480] =	vst v63  }
0x31b: {  	v19 =	vadd.s32 v3, v19;
	s11 =	simm.s32 $0x1A80  }
0x31c: {  	[tilespmem:s11], [sflag:$0x2] =	stream.indirect_vreg.gather [hbm4b:s7+s28], $0x80, v31, vm0, $0xb8;
	[tilespmem:$0x8480] =	vst v63  }
0x31d: {  	s31 =	simm.s32 $0x1B00  }
0x31e: {  	[tilespmem:s31], [sflag:$0x2] =	stream.indirect_vreg.gather [hbm4b:s7+s28], $0x80, v33, vm0, $0xb8;
	[tilespmem:$0x8480] =	vst v63  }
0x31f: {  	s1 =	simm.s32 $0x1B80  }
0x320: {  	[tilespmem:s1], [sflag:$0x2] =	stream.indirect_vreg.gather [hbm4b:s7+s28], $0x80, v19, vm0, $0xb8;
	[tilespmem:$0x8480] =	vst v63  }
0x321: {  	v19 =	vld [tilespmem:$0x130];
	_ =	sdelay $0x4  }
0x322: {  	v20 =	vshll.u32 v19, $0x7  }
0x323: {  	v19 =	vand.u32 $0x7, v19;
	v20 =	vand.u32 $0xFFFFFC00, v20  }
0x324: {  	v19 =	vor.u32 v19, v20  }
0x325: {  	v20 =	vperm.xlane v19, v2;
	_ =	sdelay $0x1  }
0x326: {  	v34 =	vperm.xlane v19, v4;
	v20 =	vadd.s32 v3, v20;
	_ =	sdelay $0x1  }
0x327: {  	v35 =	vperm.xlane v19, v5;
	v21 =	vadd.s32 v3, v34;
	_ =	sdelay $0x1  }
0x328: {  	s11 =	simm.s32 $0x1C00;
	v36 =	vperm.xlane v19, v6;
	v22 =	vadd.s32 v3, v35  }
0x329: {  	[tilespmem:s11], [sflag:$0x2] =	stream.indirect_vreg.gather [hbm4b:s7+s28], $0x80, v20, vm0, $0xb8;
	[tilespmem:$0x8480] =	vst v63  }
0x32a: {  	s31 =	simm.s32 $0x1C80;
	v37 =	vperm.xlane v19, v7;
	v20 =	vadd.s32 v3, v36  }
0x32b: {  	[tilespmem:s31], [sflag:$0x2] =	stream.indirect_vreg.gather [hbm4b:s7+s28], $0x80, v21, vm0, $0xb8;
	[tilespmem:$0x8480] =	vst v63  }
0x32c: {  	s1 =	simm.s32 $0x1D00;
	v39 =	vperm.xlane v19, v8;
	v38 =	vadd.s32 v3, v37  }
0x32d: {  	[tilespmem:s1], [sflag:$0x2] =	stream.indirect_vreg.gather [hbm4b:s7+s28], $0x80, v22, vm0, $0xb8;
	[tilespmem:$0x8480] =	vst v63  }
0x32e: {  	v41 =	vperm.xlane v19, v9;
	v40 =	vadd.s32 v3, v39;
	s11 =	simm.s32 $0x1D80  }
0x32f: {  	[tilespmem:s11], [sflag:$0x2] =	stream.indirect_vreg.gather [hbm4b:s7+s28], $0x80, v20, vm0, $0xb8;
	[tilespmem:$0x8480] =	vst v63  }
0x330: {  	v42 =	vperm.xlane v19, v1;
	s31 =	simm.s32 $0x1E00;
	v20 =	vadd.s32 v3, v41  }
0x331: {  	[tilespmem:s31], [sflag:$0x2] =	stream.indirect_vreg.gather [hbm4b:s7+s28], $0x80, v38, vm0, $0xb8;
	[tilespmem:$0x8480] =	vst v63  }
0x332: {  	v44 =	vperm.xlane v19, v10;
	v43 =	vadd.s32 v3, v42;
	s1 =	simm.s32 $0x1E80  }
0x333: {  	[tilespmem:s1], [sflag:$0x2] =	stream.indirect_vreg.gather [hbm4b:s7+s28], $0x80, v40, vm0, $0xb8;
	[tilespmem:$0x8480] =	vst v63  }
0x334: {  	v46 =	vperm.xlane v19, v11;
	v45 =	vadd.s32 v3, v44;
	s11 =	simm.s32 $0x1F00  }
0x335: {  	[tilespmem:s11], [sflag:$0x2] =	stream.indirect_vreg.gather [hbm4b:s7+s28], $0x80, v20, vm0, $0xb8;
	[tilespmem:$0x8480] =	vst v63  }
0x336: {  	v47 =	vperm.xlane v19, v12;
	s31 =	simm.s32 $0x1F80;
	v20 =	vadd.s32 v3, v46  }
0x337: {  	[tilespmem:s31], [sflag:$0x2] =	stream.indirect_vreg.gather [hbm4b:s7+s28], $0x80, v43, vm0, $0xb8;
	[tilespmem:$0x8480] =	vst v63  }
0x338: {  	v49 =	vperm.xlane v19, v13;
	v48 =	vadd.s32 v3, v47;
	s1 =	simm.s32 $0x2000  }
0x339: {  	[tilespmem:s1], [sflag:$0x2] =	stream.indirect_vreg.gather [hbm4b:s7+s28], $0x80, v45, vm0, $0xb8;
	[tilespmem:$0x8480] =	vst v63  }
0x33a: {  	v51 =	vperm.xlane v19, v14;
	v50 =	vadd.s32 v3, v49;
	s11 =	simm.s32 $0x2080  }
0x33b: {  	[tilespmem:s11], [sflag:$0x2] =	stream.indirect_vreg.gather [hbm4b:s7+s28], $0x80, v20, vm0, $0xb8;
	[tilespmem:$0x8480] =	vst v63  }
0x33c: {  	v52 =	vperm.xlane v19, v15;
	s31 =	simm.s32 $0x2100;
	v20 =	vadd.s32 v3, v51  }
0x33d: {  	[tilespmem:s31], [sflag:$0x2] =	stream.indirect_vreg.gather [hbm4b:s7+s28], $0x80, v48, vm0, $0xb8;
	[tilespmem:$0x8480] =	vst v63  }
0x33e: {  	v54 =	vperm.xlane v19, v16;
	v53 =	vadd.s32 v3, v52;
	s1 =	simm.s32 $0x2180  }
0x33f: {  	[tilespmem:s1], [sflag:$0x2] =	stream.indirect_vreg.gather [hbm4b:s7+s28], $0x80, v50, vm0, $0xb8;
	[tilespmem:$0x8480] =	vst v63  }
0x340: {  	v19 =	vperm.xlane v19, v17;
	v55 =	vadd.s32 v3, v54;
	s11 =	simm.s32 $0x2200  }
0x341: {  	[tilespmem:s11], [sflag:$0x2] =	stream.indirect_vreg.gather [hbm4b:s7+s28], $0x80, v20, vm0, $0xb8;
	[tilespmem:$0x8480] =	vst v63  }
0x342: {  	v19 =	vadd.s32 v3, v19;
	s31 =	simm.s32 $0x2280  }
0x343: {  	[tilespmem:s31], [sflag:$0x2] =	stream.indirect_vreg.gather [hbm4b:s7+s28], $0x80, v53, vm0, $0xb8;
	[tilespmem:$0x8480] =	vst v63  }
0x344: {  	s1 =	simm.s32 $0x2300  }
0x345: {  	[tilespmem:s1], [sflag:$0x2] =	stream.indirect_vreg.gather [hbm4b:s7+s28], $0x80, v55, vm0, $0xb8;
	[tilespmem:$0x8480] =	vst v63  }
0x346: {  	s11 =	simm.s32 $0x2380  }
0x347: {  	[tilespmem:s11], [sflag:$0x2] =	stream.indirect_vreg.gather [hbm4b:s7+s28], $0x80, v19, vm0, $0xb8;
	[tilespmem:$0x8480] =	vst v63  }
0x348: {  	v19 =	vld [tilespmem:$0x140];
	_ =	sdelay $0x4  }
0x349: {  	v20 =	vshll.u32 v19, $0x7  }
0x34a: {  	v19 =	vand.u32 $0x7, v19;
	v20 =	vand.u32 $0xFFFFFC00, v20  }
0x34b: {  	v19 =	vor.u32 v19, v20  }
0x34c: {  	v20 =	vperm.xlane v19, v2;
	_ =	sdelay $0x1  }
0x34d: {  	v56 =	vperm.xlane v19, v4;
	v20 =	vadd.s32 v3, v20;
	_ =	sdelay $0x1  }
0x34e: {  	v57 =	vperm.xlane v19, v5;
	v21 =	vadd.s32 v3, v56;
	_ =	sdelay $0x1  }
0x34f: {  	s31 =	simm.s32 $0x2400;
	v58 =	vperm.xlane v19, v6;
	v22 =	vadd.s32 v3, v57  }
0x350: {  	[tilespmem:s31], [sflag:$0x2] =	stream.indirect_vreg.gather [hbm4b:s7+s28], $0x80, v20, vm0, $0xb8;
	[tilespmem:$0x8480] =	vst v63  }
0x351: {  	s1 =	simm.s32 $0x2480;
	v59 =	vperm.xlane v19, v7;
	v20 =	vadd.s32 v3, v58  }
0x352: {  	[tilespmem:s1], [sflag:$0x2] =	stream.indirect_vreg.gather [hbm4b:s7+s28], $0x80, v21, vm0, $0xb8;
	[tilespmem:$0x8480] =	vst v63  }
0x353: {  	s11 =	simm.s32 $0x2500;
	v61 =	vperm.xlane v19, v8;
	v60 =	vadd.s32 v3, v59  }
0x354: {  	[tilespmem:s11], [sflag:$0x2] =	stream.indirect_vreg.gather [hbm4b:s7+s28], $0x80, v22, vm0, $0xb8;
	[tilespmem:$0x8480] =	vst v63  }
0x355: {  	v63 =	vperm.xlane v19, v9;
	v62 =	vadd.s32 v3, v61;
	s31 =	simm.s32 $0x2580  }
0x356: {  	[tilespmem:s31], [sflag:$0x2] =	stream.indirect_vreg.gather [hbm4b:s7+s28], $0x80, v20, vm0, $0xb8;
	[tilespmem:$0x8480] =	vst v63  }
0x357: {  	v24 =	vperm.xlane v19, v1;
	s1 =	simm.s32 $0x2600;
	v20 =	vadd.s32 v3, v63  }
0x358: {  	[tilespmem:s1], [sflag:$0x2] =	stream.indirect_vreg.gather [hbm4b:s7+s28], $0x80, v60, vm0, $0xb8;
	[tilespmem:$0x8480] =	vst v63  }
0x359: {  	v26 =	vperm.xlane v19, v10;
	v25 =	vadd.s32 v3, v24;
	s11 =	simm.s32 $0x2680  }
0x35a: {  	[tilespmem:s11], [sflag:$0x2] =	stream.indirect_vreg.gather [hbm4b:s7+s28], $0x80, v62, vm0, $0xb8;
	[tilespmem:$0x8480] =	vst v63  }
0x35b: {  	v28 =	vperm.xlane v19, v11;
	v27 =	vadd.s32 v3, v26;
	s31 =	simm.s32 $0x2700  }
0x35c: {  	[tilespmem:s31], [sflag:$0x2] =	stream.indirect_vreg.gather [hbm4b:s7+s28], $0x80, v20, vm0, $0xb8;
	[tilespmem:$0x8480] =	vst v63  }
0x35d: {  	v29 =	vperm.xlane v19, v12;
	s1 =	simm.s32 $0x2780;
	v20 =	vadd.s32 v3, v28  }
0x35e: {  	[tilespmem:s1], [sflag:$0x2] =	stream.indirect_vreg.gather [hbm4b:s7+s28], $0x80, v25, vm0, $0xb8;
	[tilespmem:$0x8480] =	vst v63  }
0x35f: {  	v31 =	vperm.xlane v19, v13;
	v30 =	vadd.s32 v3, v29;
	s11 =	simm.s32 $0x2800  }
0x360: {  	[tilespmem:s11], [sflag:$0x2] =	stream.indirect_vreg.gather [hbm4b:s7+s28], $0x80, v27, vm0, $0xb8;
	[tilespmem:$0x8480] =	vst v63  }
0x361: {  	v33 =	vperm.xlane v19, v14;
	v32 =	vadd.s32 v3, v31;
	s31 =	simm.s32 $0x2880  }
0x362: {  	[tilespmem:s31], [sflag:$0x2] =	stream.indirect_vreg.gather [hbm4b:s7+s28], $0x80, v20, vm0, $0xb8;
	[tilespmem:$0x8480] =	vst v63  }
0x363: {  	v34 =	vperm.xlane v19, v15;
	s1 =	simm.s32 $0x2900;
	v20 =	vadd.s32 v3, v33  }
0x364: {  	[tilespmem:s1], [sflag:$0x2] =	stream.indirect_vreg.gather [hbm4b:s7+s28], $0x80, v30, vm0, $0xb8;
	[tilespmem:$0x8480] =	vst v63  }
0x365: {  	v36 =	vperm.xlane v19, v16;
	v35 =	vadd.s32 v3, v34;
	s11 =	simm.s32 $0x2980  }
0x366: {  	[tilespmem:s11], [sflag:$0x2] =	stream.indirect_vreg.gather [hbm4b:s7+s28], $0x80, v32, vm0, $0xb8;
	[tilespmem:$0x8480] =	vst v63  }
0x367: {  	v19 =	vperm.xlane v19, v17;
	v37 =	vadd.s32 v3, v36;
	s31 =	simm.s32 $0x2A00  }
0x368: {  	[tilespmem:s31], [sflag:$0x2] =	stream.indirect_vreg.gather [hbm4b:s7+s28], $0x80, v20, vm0, $0xb8;
	[tilespmem:$0x8480] =	vst v63  }
0x369: {  	v19 =	vadd.s32 v3, v19;
	s1 =	simm.s32 $0x2A80  }
0x36a: {  	[tilespmem:s1], [sflag:$0x2] =	stream.indirect_vreg.gather [hbm4b:s7+s28], $0x80, v35, vm0, $0xb8;
	[tilespmem:$0x8480] =	vst v63  }
0x36b: {  	s11 =	simm.s32 $0x2B00  }
0x36c: {  	[tilespmem:s11], [sflag:$0x2] =	stream.indirect_vreg.gather [hbm4b:s7+s28], $0x80, v37, vm0, $0xb8;
	[tilespmem:$0x8480] =	vst v63  }
0x36d: {  	s31 =	simm.s32 $0x2B80  }
0x36e: {  	[tilespmem:s31], [sflag:$0x2] =	stream.indirect_vreg.gather [hbm4b:s7+s28], $0x80, v19, vm0, $0xb8;
	[tilespmem:$0x8480] =	vst v63  }
0x36f: {  	v19 =	vld [tilespmem:$0x150];
	_ =	sdelay $0x4  }
0x370: {  	v20 =	vshll.u32 v19, $0x7  }
0x371: {  	v19 =	vand.u32 $0x7, v19;
	v20 =	vand.u32 $0xFFFFFC00, v20  }
0x372: {  	v19 =	vor.u32 v19, v20  }
0x373: {  	v20 =	vperm.xlane v19, v2;
	_ =	sdelay $0x1  }
0x374: {  	v38 =	vperm.xlane v19, v4;
	v20 =	vadd.s32 v3, v20;
	_ =	sdelay $0x1  }
0x375: {  	v39 =	vperm.xlane v19, v5;
	v21 =	vadd.s32 v3, v38;
	_ =	sdelay $0x1  }
0x376: {  	s1 =	simm.s32 $0x2C00;
	v40 =	vperm.xlane v19, v6;
	v22 =	vadd.s32 v3, v39  }
0x377: {  	[tilespmem:s1], [sflag:$0x2] =	stream.indirect_vreg.gather [hbm4b:s7+s28], $0x80, v20, vm0, $0xb8;
	[tilespmem:$0x8480] =	vst v63  }
0x378: {  	s11 =	simm.s32 $0x2C80;
	v41 =	vperm.xlane v19, v7;
	v20 =	vadd.s32 v3, v40  }
0x379: {  	[tilespmem:s11], [sflag:$0x2] =	stream.indirect_vreg.gather [hbm4b:s7+s28], $0x80, v21, vm0, $0xb8;
	[tilespmem:$0x8480] =	vst v63  }
0x37a: {  	s31 =	simm.s32 $0x2D00;
	v43 =	vperm.xlane v19, v8;
	v42 =	vadd.s32 v3, v41  }
0x37b: {  	[tilespmem:s31], [sflag:$0x2] =	stream.indirect_vreg.gather [hbm4b:s7+s28], $0x80, v22, vm0, $0xb8;
	[tilespmem:$0x8480] =	vst v63  }
0x37c: {  	v45 =	vperm.xlane v19, v9;
	v44 =	vadd.s32 v3, v43;
	s1 =	simm.s32 $0x2D80  }
0x37d: {  	[tilespmem:s1], [sflag:$0x2] =	stream.indirect_vreg.gather [hbm4b:s7+s28], $0x80, v20, vm0, $0xb8;
	[tilespmem:$0x8480] =	vst v63  }
0x37e: {  	v46 =	vperm.xlane v19, v1;
	s11 =	simm.s32 $0x2E00;
	v20 =	vadd.s32 v3, v45  }
0x37f: {  	[tilespmem:s11], [sflag:$0x2] =	stream.indirect_vreg.gather [hbm4b:s7+s28], $0x80, v42, vm0, $0xb8;
	[tilespmem:$0x8480] =	vst v63  }
0x380: {  	v48 =	vperm.xlane v19, v10;
	v47 =	vadd.s32 v3, v46;
	s31 =	simm.s32 $0x2E80  }
0x381: {  	[tilespmem:s31], [sflag:$0x2] =	stream.indirect_vreg.gather [hbm4b:s7+s28], $0x80, v44, vm0, $0xb8;
	[tilespmem:$0x8480] =	vst v63  }
0x382: {  	v50 =	vperm.xlane v19, v11;
	v49 =	vadd.s32 v3, v48;
	s1 =	simm.s32 $0x2F00  }
0x383: {  	[tilespmem:s1], [sflag:$0x2] =	stream.indirect_vreg.gather [hbm4b:s7+s28], $0x80, v20, vm0, $0xb8;
	[tilespmem:$0x8480] =	vst v63  }
0x384: {  	v51 =	vperm.xlane v19, v12;
	s11 =	simm.s32 $0x2F80;
	v20 =	vadd.s32 v3, v50  }
0x385: {  	[tilespmem:s11], [sflag:$0x2] =	stream.indirect_vreg.gather [hbm4b:s7+s28], $0x80, v47, vm0, $0xb8;
	[tilespmem:$0x8480] =	vst v63  }
0x386: {  	v53 =	vperm.xlane v19, v13;
	v52 =	vadd.s32 v3, v51;
	s31 =	simm.s32 $0x3000  }
0x387: {  	[tilespmem:s31], [sflag:$0x2] =	stream.indirect_vreg.gather [hbm4b:s7+s28], $0x80, v49, vm0, $0xb8;
	[tilespmem:$0x8480] =	vst v63  }
0x388: {  	v55 =	vperm.xlane v19, v14;
	v54 =	vadd.s32 v3, v53;
	s1 =	simm.s32 $0x3080  }
0x389: {  	[tilespmem:s1], [sflag:$0x2] =	stream.indirect_vreg.gather [hbm4b:s7+s28], $0x80, v20, vm0, $0xb8;
	[tilespmem:$0x8480] =	vst v63  }
0x38a: {  	v56 =	vperm.xlane v19, v15;
	s11 =	simm.s32 $0x3100;
	v20 =	vadd.s32 v3, v55  }
0x38b: {  	[tilespmem:s11], [sflag:$0x2] =	stream.indirect_vreg.gather [hbm4b:s7+s28], $0x80, v52, vm0, $0xb8;
	[tilespmem:$0x8480] =	vst v63  }
0x38c: {  	v58 =	vperm.xlane v19, v16;
	v57 =	vadd.s32 v3, v56;
	s31 =	simm.s32 $0x3180  }
0x38d: {  	[tilespmem:s31], [sflag:$0x2] =	stream.indirect_vreg.gather [hbm4b:s7+s28], $0x80, v54, vm0, $0xb8;
	[tilespmem:$0x8480] =	vst v63  }
0x38e: {  	v19 =	vperm.xlane v19, v17;
	v59 =	vadd.s32 v3, v58;
	s1 =	simm.s32 $0x3200  }
0x38f: {  	[tilespmem:s1], [sflag:$0x2] =	stream.indirect_vreg.gather [hbm4b:s7+s28], $0x80, v20, vm0, $0xb8;
	[tilespmem:$0x8480] =	vst v63  }
0x390: {  	v19 =	vadd.s32 v3, v19;
	s11 =	simm.s32 $0x3280  }
0x391: {  	[tilespmem:s11], [sflag:$0x2] =	stream.indirect_vreg.gather [hbm4b:s7+s28], $0x80, v57, vm0, $0xb8;
	[tilespmem:$0x8480] =	vst v63  }
0x392: {  	s31 =	simm.s32 $0x3300  }
0x393: {  	[tilespmem:s31], [sflag:$0x2] =	stream.indirect_vreg.gather [hbm4b:s7+s28], $0x80, v59, vm0, $0xb8;
	[tilespmem:$0x8480] =	vst v63  }
0x394: {  	s1 =	simm.s32 $0x3380  }
0x395: {  	[tilespmem:s1], [sflag:$0x2] =	stream.indirect_vreg.gather [hbm4b:s7+s28], $0x80, v19, vm0, $0xb8;
	[tilespmem:$0x8480] =	vst v63  }
0x396: {  	v19 =	vld [tilespmem:$0x160];
	_ =	sdelay $0x4  }
0x397: {  	v20 =	vshll.u32 v19, $0x7  }
0x398: {  	v19 =	vand.u32 $0x7, v19;
	v20 =	vand.u32 $0xFFFFFC00, v20  }
0x399: {  	v19 =	vor.u32 v19, v20  }
0x39a: {  	v20 =	vperm.xlane v19, v2;
	_ =	sdelay $0x1  }
0x39b: {  	v60 =	vperm.xlane v19, v4;
	v20 =	vadd.s32 v3, v20;
	_ =	sdelay $0x1  }
0x39c: {  	v61 =	vperm.xlane v19, v5;
	v21 =	vadd.s32 v3, v60;
	_ =	sdelay $0x1  }
0x39d: {  	s11 =	simm.s32 $0x3400;
	v62 =	vperm.xlane v19, v6;
	v22 =	vadd.s32 v3, v61  }
0x39e: {  	[tilespmem:s11], [sflag:$0x2] =	stream.indirect_vreg.gather [hbm4b:s7+s28], $0x80, v20, vm0, $0xb8;
	[tilespmem:$0x8480] =	vst v63  }
0x39f: {  	s31 =	simm.s32 $0x3480;
	v63 =	vperm.xlane v19, v7;
	v20 =	vadd.s32 v3, v62  }
0x3a0: {  	[tilespmem:s31], [sflag:$0x2] =	stream.indirect_vreg.gather [hbm4b:s7+s28], $0x80, v21, vm0, $0xb8;
	[tilespmem:$0x8480] =	vst v63  }
0x3a1: {  	s1 =	simm.s32 $0x3500;
	v25 =	vperm.xlane v19, v8;
	v24 =	vadd.s32 v3, v63  }
0x3a2: {  	[tilespmem:s1], [sflag:$0x2] =	stream.indirect_vreg.gather [hbm4b:s7+s28], $0x80, v22, vm0, $0xb8;
	[tilespmem:$0x8480] =	vst v63  }
0x3a3: {  	v27 =	vperm.xlane v19, v9;
	v26 =	vadd.s32 v3, v25;
	s11 =	simm.s32 $0x3580  }
0x3a4: {  	[tilespmem:s11], [sflag:$0x2] =	stream.indirect_vreg.gather [hbm4b:s7+s28], $0x80, v20, vm0, $0xb8;
	[tilespmem:$0x8480] =	vst v63  }
0x3a5: {  	v28 =	vperm.xlane v19, v1;
	s31 =	simm.s32 $0x3600;
	v20 =	vadd.s32 v3, v27  }
0x3a6: {  	[tilespmem:s31], [sflag:$0x2] =	stream.indirect_vreg.gather [hbm4b:s7+s28], $0x80, v24, vm0, $0xb8;
	[tilespmem:$0x8480] =	vst v63  }
0x3a7: {  	v30 =	vperm.xlane v19, v10;
	v29 =	vadd.s32 v3, v28;
	s1 =	simm.s32 $0x3680  }
0x3a8: {  	[tilespmem:s1], [sflag:$0x2] =	stream.indirect_vreg.gather [hbm4b:s7+s28], $0x80, v26, vm0, $0xb8;
	[tilespmem:$0x8480] =	vst v63  }
0x3a9: {  	v32 =	vperm.xlane v19, v11;
	v31 =	vadd.s32 v3, v30;
	s11 =	simm.s32 $0x3700  }
0x3aa: {  	[tilespmem:s11], [sflag:$0x2] =	stream.indirect_vreg.gather [hbm4b:s7+s28], $0x80, v20, vm0, $0xb8;
	[tilespmem:$0x8480] =	vst v63  }
0x3ab: {  	v33 =	vperm.xlane v19, v12;
	s31 =	simm.s32 $0x3780;
	v20 =	vadd.s32 v3, v32  }
0x3ac: {  	[tilespmem:s31], [sflag:$0x2] =	stream.indirect_vreg.gather [hbm4b:s7+s28], $0x80, v29, vm0, $0xb8;
	[tilespmem:$0x8480] =	vst v63  }
0x3ad: {  	v35 =	vperm.xlane v19, v13;
	v34 =	vadd.s32 v3, v33;
	s1 =	simm.s32 $0x3800  }
0x3ae: {  	[tilespmem:s1], [sflag:$0x2] =	stream.indirect_vreg.gather [hbm4b:s7+s28], $0x80, v31, vm0, $0xb8;
	[tilespmem:$0x8480] =	vst v63  }
0x3af: {  	v37 =	vperm.xlane v19, v14;
	v36 =	vadd.s32 v3, v35;
	s11 =	simm.s32 $0x3880  }
0x3b0: {  	[tilespmem:s11], [sflag:$0x2] =	stream.indirect_vreg.gather [hbm4b:s7+s28], $0x80, v20, vm0, $0xb8;
	[tilespmem:$0x8480] =	vst v63  }
0x3b1: {  	v38 =	vperm.xlane v19, v15;
	s31 =	simm.s32 $0x3900;
	v20 =	vadd.s32 v3, v37  }
0x3b2: {  	[tilespmem:s31], [sflag:$0x2] =	stream.indirect_vreg.gather [hbm4b:s7+s28], $0x80, v34, vm0, $0xb8;
	[tilespmem:$0x8480] =	vst v63  }
0x3b3: {  	v40 =	vperm.xlane v19, v16;
	v39 =	vadd.s32 v3, v38;
	s1 =	simm.s32 $0x3980  }
0x3b4: {  	[tilespmem:s1], [sflag:$0x2] =	stream.indirect_vreg.gather [hbm4b:s7+s28], $0x80, v36, vm0, $0xb8;
	[tilespmem:$0x8480] =	vst v63  }
0x3b5: {  	v19 =	vperm.xlane v19, v17;
	v41 =	vadd.s32 v3, v40;
	s11 =	simm.s32 $0x3A00  }
0x3b6: {  	[tilespmem:s11], [sflag:$0x2] =	stream.indirect_vreg.gather [hbm4b:s7+s28], $0x80, v20, vm0, $0xb8;
	[tilespmem:$0x8480] =	vst v63  }
0x3b7: {  	v19 =	vadd.s32 v3, v19;
	s31 =	simm.s32 $0x3A80  }
0x3b8: {  	[tilespmem:s31], [sflag:$0x2] =	stream.indirect_vreg.gather [hbm4b:s7+s28], $0x80, v39, vm0, $0xb8;
	[tilespmem:$0x8480] =	vst v63  }
0x3b9: {  	s1 =	simm.s32 $0x3B00  }
0x3ba: {  	[tilespmem:s1], [sflag:$0x2] =	stream.indirect_vreg.gather [hbm4b:s7+s28], $0x80, v41, vm0, $0xb8;
	[tilespmem:$0x8480] =	vst v63  }
0x3bb: {  	s11 =	simm.s32 $0x3B80  }
0x3bc: {  	[tilespmem:s11], [sflag:$0x2] =	stream.indirect_vreg.gather [hbm4b:s7+s28], $0x80, v19, vm0, $0xb8;
	[tilespmem:$0x8480] =	vst v63  }
0x3bd: {  	v19 =	vld [tilespmem:$0x170];
	_ =	sdelay $0x4  }
0x3be: {  	v20 =	vshll.u32 v19, $0x7  }
0x3bf: {  	v19 =	vand.u32 $0x7, v19;
	v20 =	vand.u32 $0xFFFFFC00, v20  }
0x3c0: {  	v19 =	vor.u32 v19, v20  }
0x3c1: {  	v20 =	vperm.xlane v19, v2;
	_ =	sdelay $0x1  }
0x3c2: {  	v42 =	vperm.xlane v19, v4;
	v20 =	vadd.s32 v3, v20;
	_ =	sdelay $0x1  }
0x3c3: {  	v43 =	vperm.xlane v19, v5;
	v21 =	vadd.s32 v3, v42;
	_ =	sdelay $0x1  }
0x3c4: {  	s31 =	simm.s32 $0x3C00;
	v44 =	vperm.xlane v19, v6;
	v22 =	vadd.s32 v3, v43  }
0x3c5: {  	[tilespmem:s31], [sflag:$0x2] =	stream.indirect_vreg.gather [hbm4b:s7+s28], $0x80, v20, vm0, $0xb8;
	[tilespmem:$0x8480] =	vst v63  }
0x3c6: {  	s1 =	simm.s32 $0x3C80;
	v45 =	vperm.xlane v19, v7;
	v20 =	vadd.s32 v3, v44  }
0x3c7: {  	[tilespmem:s1], [sflag:$0x2] =	stream.indirect_vreg.gather [hbm4b:s7+s28], $0x80, v21, vm0, $0xb8;
	[tilespmem:$0x8480] =	vst v63  }
0x3c8: {  	s11 =	simm.s32 $0x3D00;
	v47 =	vperm.xlane v19, v8;
	v46 =	vadd.s32 v3, v45  }
0x3c9: {  	[tilespmem:s11], [sflag:$0x2] =	stream.indirect_vreg.gather [hbm4b:s7+s28], $0x80, v22, vm0, $0xb8;
	[tilespmem:$0x8480] =	vst v63  }
0x3ca: {  	v49 =	vperm.xlane v19, v9;
	v48 =	vadd.s32 v3, v47;
	s31 =	simm.s32 $0x3D80  }
0x3cb: {  	[tilespmem:s31], [sflag:$0x2] =	stream.indirect_vreg.gather [hbm4b:s7+s28], $0x80, v20, vm0, $0xb8;
	[tilespmem:$0x8480] =	vst v63  }
0x3cc: {  	v50 =	vperm.xlane v19, v1;
	s1 =	simm.s32 $0x3E00;
	v20 =	vadd.s32 v3, v49  }
0x3cd: {  	[tilespmem:s1], [sflag:$0x2] =	stream.indirect_vreg.gather [hbm4b:s7+s28], $0x80, v46, vm0, $0xb8;
	[tilespmem:$0x8480] =	vst v63  }
0x3ce: {  	v52 =	vperm.xlane v19, v10;
	v51 =	vadd.s32 v3, v50;
	s11 =	simm.s32 $0x3E80  }
0x3cf: {  	[tilespmem:s11], [sflag:$0x2] =	stream.indirect_vreg.gather [hbm4b:s7+s28], $0x80, v48, vm0, $0xb8;
	[tilespmem:$0x8480] =	vst v63  }
0x3d0: {  	v54 =	vperm.xlane v19, v11;
	v53 =	vadd.s32 v3, v52;
	s31 =	simm.s32 $0x3F00  }
0x3d1: {  	[tilespmem:s31], [sflag:$0x2] =	stream.indirect_vreg.gather [hbm4b:s7+s28], $0x80, v20, vm0, $0xb8;
	[tilespmem:$0x8480] =	vst v63  }
0x3d2: {  	v55 =	vperm.xlane v19, v12;
	s1 =	simm.s32 $0x3F80;
	v20 =	vadd.s32 v3, v54  }
0x3d3: {  	[tilespmem:s1], [sflag:$0x2] =	stream.indirect_vreg.gather [hbm4b:s7+s28], $0x80, v51, vm0, $0xb8;
	[tilespmem:$0x8480] =	vst v63  }
0x3d4: {  	v57 =	vperm.xlane v19, v13;
	v56 =	vadd.s32 v3, v55;
	s11 =	simm.s32 $0x4000  }
0x3d5: {  	[tilespmem:s11], [sflag:$0x2] =	stream.indirect_vreg.gather [hbm4b:s7+s28], $0x80, v53, vm0, $0xb8;
	[tilespmem:$0x8480] =	vst v63  }
0x3d6: {  	v59 =	vperm.xlane v19, v14;
	v58 =	vadd.s32 v3, v57;
	s31 =	simm.s32 $0x4080  }
0x3d7: {  	[tilespmem:s31], [sflag:$0x2] =	stream.indirect_vreg.gather [hbm4b:s7+s28], $0x80, v20, vm0, $0xb8;
	[tilespmem:$0x8480] =	vst v63  }
0x3d8: {  	v60 =	vperm.xlane v19, v15;
	s1 =	simm.s32 $0x4100;
	v20 =	vadd.s32 v3, v59  }
0x3d9: {  	[tilespmem:s1], [sflag:$0x2] =	stream.indirect_vreg.gather [hbm4b:s7+s28], $0x80, v56, vm0, $0xb8;
	[tilespmem:$0x8480] =	vst v63  }
0x3da: {  	v62 =	vperm.xlane v19, v16;
	v61 =	vadd.s32 v3, v60;
	s11 =	simm.s32 $0x4180  }
0x3db: {  	[tilespmem:s11], [sflag:$0x2] =	stream.indirect_vreg.gather [hbm4b:s7+s28], $0x80, v58, vm0, $0xb8;
	[tilespmem:$0x8480] =	vst v63  }
0x3dc: {  	v19 =	vperm.xlane v19, v17;
	v63 =	vadd.s32 v3, v62;
	s31 =	simm.s32 $0x4200  }
0x3dd: {  	[tilespmem:s31], [sflag:$0x2] =	stream.indirect_vreg.gather [hbm4b:s7+s28], $0x80, v20, vm0, $0xb8;
	[tilespmem:$0x8480] =	vst v63  }
0x3de: {  	v19 =	vadd.s32 v3, v19;
	s1 =	simm.s32 $0x4280  }
0x3df: {  	[tilespmem:s1], [sflag:$0x2] =	stream.indirect_vreg.gather [hbm4b:s7+s28], $0x80, v61, vm0, $0xb8;
	[tilespmem:$0x8480] =	vst v63  }
0x3e0: {  	s11 =	simm.s32 $0x4300  }
0x3e1: {  	[tilespmem:s11], [sflag:$0x2] =	stream.indirect_vreg.gather [hbm4b:s7+s28], $0x80, v63, vm0, $0xb8;
	[tilespmem:$0x8480] =	vst v63  }
0x3e2: {  	s31 =	simm.s32 $0x4380  }
0x3e3: {  	[tilespmem:s31], [sflag:$0x2] =	stream.indirect_vreg.gather [hbm4b:s7+s28], $0x80, v19, vm0, $0xb8;
	[tilespmem:$0x8480] =	vst v63  }
0x3e4: {  	_ =	swait.ge [sflag:s24], $0x4000  }
0x3e5: {  	[sflag:s24] =	ssyncset.done $0x0  }
0x3e6: {  	s29 =	simm.s32 $0x4480;
	s30 =	simm.s32 $0x0;
	[sflag:s24] =	ssyncadd.s32 $0xFFFFC000  }
.LBB2_6:
0x3e7: {  	s0 =	simm.s32 $0x1  }
0x3e8: {  	v20 =	vld [tilespmem:s29+$0x0];
	v21 =	vmov s0  }
0x3e9: {  	vm2 =	veq.s32 v21, v0;
	v21 =	vld [tilespmem:s29+$0xFFFFFF80];
	_ =	sdelay $0x2  }
0x3ea: {  	v19 =	vimm.f32 $0.0e+00;
	v22 =	vmov s28  }
0x3eb: {  	s31 =	simm.s32 $0x2;
	vm1 =	veq.s32 v22, v0;
	s0 =	sadd.s32 $0x100, s29;
	v20 =	vsel vm2, v20, v19  }
.LBB2_7:
0x3ec: {  	v22 =	vld [tilespmem:s0+$0x0];
	p0 =	sne.s32 s31, $0xE;
	v19 =	vsel vm1, v21, v19;
	s1 =	smov.u32 s31;
	s31 =	sadd.s32 $0x2, s31  }
.Ltmp2:
0x3ed: {  	v21 =	vld [tilespmem:s0+$0xFFFFFF80];
	(pc) =	sbr.rel @p0 .LBB2_7-.Ltmp2, $4  }
0x3ee: {  	s11 =	sadd.s32 $0x1, s1  }
0x3ef: {  	v23 =	vmov s11  }
0x3f0: {  	v24 =	vmov s1;
	vm2 =	veq.s32 v23, v0  }
0x3f1: {  	s0 =	sadd.s32 $0x100, s0;
	vm1 =	veq.s32 v24, v0;
	v20 =	vsel vm2, v22, v20  }
0x3f2: {  	v19 =	vsel vm1, v21, v19  }
0x3f3: {  	v19 =	vadd.f32 v20, v19;
	_ =	sdelay $0x1  }
0x3f4: {  	v19 =	vmul.f32 $1.442695020e+00, v19;
	_ =	sdelay $0x1  }
0x3f5: {  	(erf) = vpow2.f32 v19;
	_ =	sdelay $0x2  }
0x3f6: {  	s0 =	sshll.u32 s30, $0x4  }
0x3f7: {  	s0 =	sand.u32 $0x3FFFFFF0, s0  }
0x3f8: {  	v19 =	vld [tilespmem:s0+$0x280]  }
0x3f9: {  	s30 =	sadd.s32 $0x1, s30  }
0x3fa: {  	p0 =	sne.s32 s30, $0x8  }
.Ltmp3:
0x3fb: {  	_ = 	snop;
	(pc) =	sbr.rel @p0 .LBB2_6-.Ltmp3, $3  }
0x3fc: {  	v20 =	vpop (erf)  }
0x3fd: {  	v19 =	vmul.f32 v19, v20;
	_ =	sdelay $0x1  }
0x3fe: {  	s29 =	sadd.s32 $0x810, s29;
	v18 =	vadd.f32 v19, v18  }
0x3ff: {  	v19 =	vld [tilespmem:$0x180];
	_ =	sdelay $0x4  }
0x400: {  	v20 =	vshll.u32 v19, $0x7  }
0x401: {  	v19 =	vand.u32 $0x7, v19;
	v20 =	vand.u32 $0xFFFFFC00, v20  }
0x402: {  	v19 =	vor.u32 v19, v20  }
0x403: {  	v20 =	vperm.xlane v19, v2;
	_ =	sdelay $0x1  }
0x404: {  	v21 =	vperm.xlane v19, v4;
	v20 =	vadd.s32 v3, v20;
	_ =	sdelay $0x1  }
0x405: {  	v22 =	vperm.xlane v19, v5;
	v21 =	vadd.s32 v3, v21;
	_ =	sdelay $0x1  }
0x406: {  	s28 =	simm.s32 $0x0;
	s0 =	simm.s32 $0x4400;
	v23 =	vperm.xlane v19, v6;
	v22 =	vadd.s32 v3, v22  }
0x407: {  	[tilespmem:s0], [sflag:$0x3] =	stream.indirect_vreg.gather [hbm4b:s8+s28], $0x80, v20, vm0, $0xb8;
	[tilespmem:$0x8480] =	vst v63  }
0x408: {  	s1 =	simm.s32 $0x4480;
	v51 =	vperm.xlane v19, v7;
	v20 =	vadd.s32 v3, v23  }
0x409: {  	[tilespmem:s1], [sflag:$0x3] =	stream.indirect_vreg.gather [hbm4b:s8+s28], $0x80, v21, vm0, $0xb8;
	[tilespmem:$0x8480] =	vst v63  }
0x40a: {  	s11 =	simm.s32 $0x4500;
	v53 =	vperm.xlane v19, v8;
	v52 =	vadd.s32 v3, v51  }
0x40b: {  	[tilespmem:s11], [sflag:$0x3] =	stream.indirect_vreg.gather [hbm4b:s8+s28], $0x80, v22, vm0, $0xb8;
	[tilespmem:$0x8480] =	vst v63  }
0x40c: {  	s31 =	simm.s32 $0x4580;
	v55 =	vperm.xlane v19, v9;
	v54 =	vadd.s32 v3, v53  }
0x40d: {  	[tilespmem:s31], [sflag:$0x3] =	stream.indirect_vreg.gather [hbm4b:s8+s28], $0x80, v20, vm0, $0xb8;
	[tilespmem:$0x8480] =	vst v63  }
0x40e: {  	v56 =	vperm.xlane v19, v1;
	s1 =	simm.s32 $0x4600;
	v20 =	vadd.s32 v3, v55  }
0x40f: {  	[tilespmem:s1], [sflag:$0x3] =	stream.indirect_vreg.gather [hbm4b:s8+s28], $0x80, v52, vm0, $0xb8;
	[tilespmem:$0x8480] =	vst v63  }
0x410: {  	v58 =	vperm.xlane v19, v10;
	v57 =	vadd.s32 v3, v56;
	s11 =	simm.s32 $0x4680  }
0x411: {  	[tilespmem:s11], [sflag:$0x3] =	stream.indirect_vreg.gather [hbm4b:s8+s28], $0x80, v54, vm0, $0xb8;
	[tilespmem:$0x8480] =	vst v63  }
0x412: {  	v60 =	vperm.xlane v19, v11;
	v59 =	vadd.s32 v3, v58;
	s31 =	simm.s32 $0x4700  }
0x413: {  	[tilespmem:s31], [sflag:$0x3] =	stream.indirect_vreg.gather [hbm4b:s8+s28], $0x80, v20, vm0, $0xb8;
	[tilespmem:$0x8480] =	vst v63  }
0x414: {  	v61 =	vperm.xlane v19, v12;
	s1 =	simm.s32 $0x4780;
	v20 =	vadd.s32 v3, v60  }
0x415: {  	[tilespmem:s1], [sflag:$0x3] =	stream.indirect_vreg.gather [hbm4b:s8+s28], $0x80, v57, vm0, $0xb8;
	[tilespmem:$0x8480] =	vst v63  }
0x416: {  	v63 =	vperm.xlane v19, v13;
	v62 =	vadd.s32 v3, v61;
	s11 =	simm.s32 $0x4800  }
0x417: {  	[tilespmem:s11], [sflag:$0x3] =	stream.indirect_vreg.gather [hbm4b:s8+s28], $0x80, v59, vm0, $0xb8;
	[tilespmem:$0x8480] =	vst v63  }
0x418: {  	v25 =	vperm.xlane v19, v14;
	v24 =	vadd.s32 v3, v63;
	s31 =	simm.s32 $0x4880  }
0x419: {  	[tilespmem:s31], [sflag:$0x3] =	stream.indirect_vreg.gather [hbm4b:s8+s28], $0x80, v20, vm0, $0xb8;
	[tilespmem:$0x8480] =	vst v63  }
0x41a: {  	v26 =	vperm.xlane v19, v15;
	s1 =	simm.s32 $0x4900;
	v20 =	vadd.s32 v3, v25  }
0x41b: {  	[tilespmem:s1], [sflag:$0x3] =	stream.indirect_vreg.gather [hbm4b:s8+s28], $0x80, v62, vm0, $0xb8;
	[tilespmem:$0x8480] =	vst v63  }
0x41c: {  	v28 =	vperm.xlane v19, v16;
	v27 =	vadd.s32 v3, v26;
	s11 =	simm.s32 $0x4980  }
0x41d: {  	[tilespmem:s11], [sflag:$0x3] =	stream.indirect_vreg.gather [hbm4b:s8+s28], $0x80, v24, vm0, $0xb8;
	[tilespmem:$0x8480] =	vst v63  }
0x41e: {  	v19 =	vperm.xlane v19, v17;
	v29 =	vadd.s32 v3, v28;
	s31 =	simm.s32 $0x4A00  }
0x41f: {  	[tilespmem:s31], [sflag:$0x3] =	stream.indirect_vreg.gather [hbm4b:s8+s28], $0x80, v20, vm0, $0xb8;
	[tilespmem:$0x8480] =	vst v63  }
0x420: {  	v19 =	vadd.s32 v3, v19;
	s1 =	simm.s32 $0x4A80  }
0x421: {  	[tilespmem:s1], [sflag:$0x3] =	stream.indirect_vreg.gather [hbm4b:s8+s28], $0x80, v27, vm0, $0xb8;
	[tilespmem:$0x8480] =	vst v63  }
0x422: {  	s11 =	simm.s32 $0x4B00  }
0x423: {  	[tilespmem:s11], [sflag:$0x3] =	stream.indirect_vreg.gather [hbm4b:s8+s28], $0x80, v29, vm0, $0xb8;
	[tilespmem:$0x8480] =	vst v63  }
0x424: {  	s31 =	simm.s32 $0x4B80  }
0x425: {  	[tilespmem:s31], [sflag:$0x3] =	stream.indirect_vreg.gather [hbm4b:s8+s28], $0x80, v19, vm0, $0xb8;
	[tilespmem:$0x8480] =	vst v63  }
0x426: {  	v19 =	vld [tilespmem:$0x190];
	_ =	sdelay $0x4  }
0x427: {  	v20 =	vshll.u32 v19, $0x7  }
0x428: {  	v19 =	vand.u32 $0x7, v19;
	v20 =	vand.u32 $0xFFFFFC00, v20  }
0x429: {  	v19 =	vor.u32 v19, v20  }
0x42a: {  	v20 =	vperm.xlane v19, v2;
	_ =	sdelay $0x1  }
0x42b: {  	v30 =	vperm.xlane v19, v4;
	v20 =	vadd.s32 v3, v20;
	_ =	sdelay $0x1  }
0x42c: {  	v31 =	vperm.xlane v19, v5;
	v21 =	vadd.s32 v3, v30;
	_ =	sdelay $0x1  }
0x42d: {  	s1 =	simm.s32 $0x4C00;
	v32 =	vperm.xlane v19, v6;
	v22 =	vadd.s32 v3, v31  }
0x42e: {  	[tilespmem:s1], [sflag:$0x3] =	stream.indirect_vreg.gather [hbm4b:s8+s28], $0x80, v20, vm0, $0xb8;
	[tilespmem:$0x8480] =	vst v63  }
0x42f: {  	s11 =	simm.s32 $0x4C80;
	v33 =	vperm.xlane v19, v7;
	v20 =	vadd.s32 v3, v32  }
0x430: {  	[tilespmem:s11], [sflag:$0x3] =	stream.indirect_vreg.gather [hbm4b:s8+s28], $0x80, v21, vm0, $0xb8;
	[tilespmem:$0x8480] =	vst v63  }
0x431: {  	s31 =	simm.s32 $0x4D00;
	v35 =	vperm.xlane v19, v8;
	v34 =	vadd.s32 v3, v33  }
0x432: {  	[tilespmem:s31], [sflag:$0x3] =	stream.indirect_vreg.gather [hbm4b:s8+s28], $0x80, v22, vm0, $0xb8;
	[tilespmem:$0x8480] =	vst v63  }
0x433: {  	v37 =	vperm.xlane v19, v9;
	v36 =	vadd.s32 v3, v35;
	s1 =	simm.s32 $0x4D80  }
0x434: {  	[tilespmem:s1], [sflag:$0x3] =	stream.indirect_vreg.gather [hbm4b:s8+s28], $0x80, v20, vm0, $0xb8;
	[tilespmem:$0x8480] =	vst v63  }
0x435: {  	v38 =	vperm.xlane v19, v1;
	s11 =	simm.s32 $0x4E00;
	v20 =	vadd.s32 v3, v37  }
0x436: {  	[tilespmem:s11], [sflag:$0x3] =	stream.indirect_vreg.gather [hbm4b:s8+s28], $0x80, v34, vm0, $0xb8;
	[tilespmem:$0x8480] =	vst v63  }
0x437: {  	v40 =	vperm.xlane v19, v10;
	v39 =	vadd.s32 v3, v38;
	s31 =	simm.s32 $0x4E80  }
0x438: {  	[tilespmem:s31], [sflag:$0x3] =	stream.indirect_vreg.gather [hbm4b:s8+s28], $0x80, v36, vm0, $0xb8;
	[tilespmem:$0x8480] =	vst v63  }
0x439: {  	v42 =	vperm.xlane v19, v11;
	v41 =	vadd.s32 v3, v40;
	s1 =	simm.s32 $0x4F00  }
0x43a: {  	[tilespmem:s1], [sflag:$0x3] =	stream.indirect_vreg.gather [hbm4b:s8+s28], $0x80, v20, vm0, $0xb8;
	[tilespmem:$0x8480] =	vst v63  }
0x43b: {  	v43 =	vperm.xlane v19, v12;
	s11 =	simm.s32 $0x4F80;
	v20 =	vadd.s32 v3, v42  }
0x43c: {  	[tilespmem:s11], [sflag:$0x3] =	stream.indirect_vreg.gather [hbm4b:s8+s28], $0x80, v39, vm0, $0xb8;
	[tilespmem:$0x8480] =	vst v63  }
0x43d: {  	v45 =	vperm.xlane v19, v13;
	v44 =	vadd.s32 v3, v43;
	s31 =	simm.s32 $0x5000  }
0x43e: {  	[tilespmem:s31], [sflag:$0x3] =	stream.indirect_vreg.gather [hbm4b:s8+s28], $0x80, v41, vm0, $0xb8;
	[tilespmem:$0x8480] =	vst v63  }
0x43f: {  	v47 =	vperm.xlane v19, v14;
	v46 =	vadd.s32 v3, v45;
	s1 =	simm.s32 $0x5080  }
0x440: {  	[tilespmem:s1], [sflag:$0x3] =	stream.indirect_vreg.gather [hbm4b:s8+s28], $0x80, v20, vm0, $0xb8;
	[tilespmem:$0x8480] =	vst v63  }
0x441: {  	v48 =	vperm.xlane v19, v15;
	s11 =	simm.s32 $0x5100;
	v20 =	vadd.s32 v3, v47  }
0x442: {  	[tilespmem:s11], [sflag:$0x3] =	stream.indirect_vreg.gather [hbm4b:s8+s28], $0x80, v44, vm0, $0xb8;
	[tilespmem:$0x8480] =	vst v63  }
0x443: {  	v50 =	vperm.xlane v19, v16;
	v49 =	vadd.s32 v3, v48;
	s31 =	simm.s32 $0x5180  }
0x444: {  	[tilespmem:s31], [sflag:$0x3] =	stream.indirect_vreg.gather [hbm4b:s8+s28], $0x80, v46, vm0, $0xb8;
	[tilespmem:$0x8480] =	vst v63  }
0x445: {  	v19 =	vperm.xlane v19, v17;
	v51 =	vadd.s32 v3, v50;
	s1 =	simm.s32 $0x5200  }
0x446: {  	[tilespmem:s1], [sflag:$0x3] =	stream.indirect_vreg.gather [hbm4b:s8+s28], $0x80, v20, vm0, $0xb8;
	[tilespmem:$0x8480] =	vst v63  }
0x447: {  	v19 =	vadd.s32 v3, v19;
	s11 =	simm.s32 $0x5280  }
0x448: {  	[tilespmem:s11], [sflag:$0x3] =	stream.indirect_vreg.gather [hbm4b:s8+s28], $0x80, v49, vm0, $0xb8;
	[tilespmem:$0x8480] =	vst v63  }
0x449: {  	s31 =	simm.s32 $0x5300  }
0x44a: {  	[tilespmem:s31], [sflag:$0x3] =	stream.indirect_vreg.gather [hbm4b:s8+s28], $0x80, v51, vm0, $0xb8;
	[tilespmem:$0x8480] =	vst v63  }
0x44b: {  	s1 =	simm.s32 $0x5380  }
0x44c: {  	[tilespmem:s1], [sflag:$0x3] =	stream.indirect_vreg.gather [hbm4b:s8+s28], $0x80, v19, vm0, $0xb8;
	[tilespmem:$0x8480] =	vst v63  }
0x44d: {  	v19 =	vld [tilespmem:$0x1A0];
	_ =	sdelay $0x4  }
0x44e: {  	v20 =	vshll.u32 v19, $0x7  }
0x44f: {  	v19 =	vand.u32 $0x7, v19;
	v20 =	vand.u32 $0xFFFFFC00, v20  }
0x450: {  	v19 =	vor.u32 v19, v20  }
0x451: {  	v20 =	vperm.xlane v19, v2;
	_ =	sdelay $0x1  }
0x452: {  	v52 =	vperm.xlane v19, v4;
	v20 =	vadd.s32 v3, v20;
	_ =	sdelay $0x1  }
0x453: {  	v53 =	vperm.xlane v19, v5;
	v21 =	vadd.s32 v3, v52;
	_ =	sdelay $0x1  }
0x454: {  	s11 =	simm.s32 $0x5400;
	v54 =	vperm.xlane v19, v6;
	v22 =	vadd.s32 v3, v53  }
0x455: {  	[tilespmem:s11], [sflag:$0x3] =	stream.indirect_vreg.gather [hbm4b:s8+s28], $0x80, v20, vm0, $0xb8;
	[tilespmem:$0x8480] =	vst v63  }
0x456: {  	s31 =	simm.s32 $0x5480;
	v55 =	vperm.xlane v19, v7;
	v20 =	vadd.s32 v3, v54  }
0x457: {  	[tilespmem:s31], [sflag:$0x3] =	stream.indirect_vreg.gather [hbm4b:s8+s28], $0x80, v21, vm0, $0xb8;
	[tilespmem:$0x8480] =	vst v63  }
0x458: {  	s1 =	simm.s32 $0x5500;
	v57 =	vperm.xlane v19, v8;
	v56 =	vadd.s32 v3, v55  }
0x459: {  	[tilespmem:s1], [sflag:$0x3] =	stream.indirect_vreg.gather [hbm4b:s8+s28], $0x80, v22, vm0, $0xb8;
	[tilespmem:$0x8480] =	vst v63  }
0x45a: {  	v59 =	vperm.xlane v19, v9;
	v58 =	vadd.s32 v3, v57;
	s11 =	simm.s32 $0x5580  }
0x45b: {  	[tilespmem:s11], [sflag:$0x3] =	stream.indirect_vreg.gather [hbm4b:s8+s28], $0x80, v20, vm0, $0xb8;
	[tilespmem:$0x8480] =	vst v63  }
0x45c: {  	v60 =	vperm.xlane v19, v1;
	s31 =	simm.s32 $0x5600;
	v20 =	vadd.s32 v3, v59  }
0x45d: {  	[tilespmem:s31], [sflag:$0x3] =	stream.indirect_vreg.gather [hbm4b:s8+s28], $0x80, v56, vm0, $0xb8;
	[tilespmem:$0x8480] =	vst v63  }
0x45e: {  	v62 =	vperm.xlane v19, v10;
	v61 =	vadd.s32 v3, v60;
	s1 =	simm.s32 $0x5680  }
0x45f: {  	[tilespmem:s1], [sflag:$0x3] =	stream.indirect_vreg.gather [hbm4b:s8+s28], $0x80, v58, vm0, $0xb8;
	[tilespmem:$0x8480] =	vst v63  }
0x460: {  	v24 =	vperm.xlane v19, v11;
	v63 =	vadd.s32 v3, v62;
	s11 =	simm.s32 $0x5700  }
0x461: {  	[tilespmem:s11], [sflag:$0x3] =	stream.indirect_vreg.gather [hbm4b:s8+s28], $0x80, v20, vm0, $0xb8;
	[tilespmem:$0x8480] =	vst v63  }
0x462: {  	v25 =	vperm.xlane v19, v12;
	s31 =	simm.s32 $0x5780;
	v20 =	vadd.s32 v3, v24  }
0x463: {  	[tilespmem:s31], [sflag:$0x3] =	stream.indirect_vreg.gather [hbm4b:s8+s28], $0x80, v61, vm0, $0xb8;
	[tilespmem:$0x8480] =	vst v63  }
0x464: {  	v27 =	vperm.xlane v19, v13;
	v26 =	vadd.s32 v3, v25;
	s1 =	simm.s32 $0x5800  }
0x465: {  	[tilespmem:s1], [sflag:$0x3] =	stream.indirect_vreg.gather [hbm4b:s8+s28], $0x80, v63, vm0, $0xb8;
	[tilespmem:$0x8480] =	vst v63  }
0x466: {  	v29 =	vperm.xlane v19, v14;
	v28 =	vadd.s32 v3, v27;
	s11 =	simm.s32 $0x5880  }
0x467: {  	[tilespmem:s11], [sflag:$0x3] =	stream.indirect_vreg.gather [hbm4b:s8+s28], $0x80, v20, vm0, $0xb8;
	[tilespmem:$0x8480] =	vst v63  }
0x468: {  	v30 =	vperm.xlane v19, v15;
	s31 =	simm.s32 $0x5900;
	v20 =	vadd.s32 v3, v29  }
0x469: {  	[tilespmem:s31], [sflag:$0x3] =	stream.indirect_vreg.gather [hbm4b:s8+s28], $0x80, v26, vm0, $0xb8;
	[tilespmem:$0x8480] =	vst v63  }
0x46a: {  	v32 =	vperm.xlane v19, v16;
	v31 =	vadd.s32 v3, v30;
	s1 =	simm.s32 $0x5980  }
0x46b: {  	[tilespmem:s1], [sflag:$0x3] =	stream.indirect_vreg.gather [hbm4b:s8+s28], $0x80, v28, vm0, $0xb8;
	[tilespmem:$0x8480] =	vst v63  }
0x46c: {  	v19 =	vperm.xlane v19, v17;
	v33 =	vadd.s32 v3, v32;
	s11 =	simm.s32 $0x5A00  }
0x46d: {  	[tilespmem:s11], [sflag:$0x3] =	stream.indirect_vreg.gather [hbm4b:s8+s28], $0x80, v20, vm0, $0xb8;
	[tilespmem:$0x8480] =	vst v63  }
0x46e: {  	v19 =	vadd.s32 v3, v19;
	s31 =	simm.s32 $0x5A80  }
0x46f: {  	[tilespmem:s31], [sflag:$0x3] =	stream.indirect_vreg.gather [hbm4b:s8+s28], $0x80, v31, vm0, $0xb8;
	[tilespmem:$0x8480] =	vst v63  }
0x470: {  	s1 =	simm.s32 $0x5B00  }
0x471: {  	[tilespmem:s1], [sflag:$0x3] =	stream.indirect_vreg.gather [hbm4b:s8+s28], $0x80, v33, vm0, $0xb8;
	[tilespmem:$0x8480] =	vst v63  }
0x472: {  	s11 =	simm.s32 $0x5B80  }
0x473: {  	[tilespmem:s11], [sflag:$0x3] =	stream.indirect_vreg.gather [hbm4b:s8+s28], $0x80, v19, vm0, $0xb8;
	[tilespmem:$0x8480] =	vst v63  }
0x474: {  	v19 =	vld [tilespmem:$0x1B0];
	_ =	sdelay $0x4  }
0x475: {  	v20 =	vshll.u32 v19, $0x7  }
0x476: {  	v19 =	vand.u32 $0x7, v19;
	v20 =	vand.u32 $0xFFFFFC00, v20  }
0x477: {  	v19 =	vor.u32 v19, v20  }
0x478: {  	v20 =	vperm.xlane v19, v2;
	_ =	sdelay $0x1  }
0x479: {  	v34 =	vperm.xlane v19, v4;
	v20 =	vadd.s32 v3, v20;
	_ =	sdelay $0x1  }
0x47a: {  	v35 =	vperm.xlane v19, v5;
	v21 =	vadd.s32 v3, v34;
	_ =	sdelay $0x1  }
0x47b: {  	s31 =	simm.s32 $0x5C00;
	v36 =	vperm.xlane v19, v6;
	v22 =	vadd.s32 v3, v35  }
0x47c: {  	[tilespmem:s31], [sflag:$0x3] =	stream.indirect_vreg.gather [hbm4b:s8+s28], $0x80, v20, vm0, $0xb8;
	[tilespmem:$0x8480] =	vst v63  }
0x47d: {  	s1 =	simm.s32 $0x5C80;
	v37 =	vperm.xlane v19, v7;
	v20 =	vadd.s32 v3, v36  }
0x47e: {  	[tilespmem:s1], [sflag:$0x3] =	stream.indirect_vreg.gather [hbm4b:s8+s28], $0x80, v21, vm0, $0xb8;
	[tilespmem:$0x8480] =	vst v63  }
0x47f: {  	s11 =	simm.s32 $0x5D00;
	v39 =	vperm.xlane v19, v8;
	v38 =	vadd.s32 v3, v37  }
0x480: {  	[tilespmem:s11], [sflag:$0x3] =	stream.indirect_vreg.gather [hbm4b:s8+s28], $0x80, v22, vm0, $0xb8;
	[tilespmem:$0x8480] =	vst v63  }
0x481: {  	v41 =	vperm.xlane v19, v9;
	v40 =	vadd.s32 v3, v39;
	s31 =	simm.s32 $0x5D80  }
0x482: {  	[tilespmem:s31], [sflag:$0x3] =	stream.indirect_vreg.gather [hbm4b:s8+s28], $0x80, v20, vm0, $0xb8;
	[tilespmem:$0x8480] =	vst v63  }
0x483: {  	v42 =	vperm.xlane v19, v1;
	s1 =	simm.s32 $0x5E00;
	v20 =	vadd.s32 v3, v41  }
0x484: {  	[tilespmem:s1], [sflag:$0x3] =	stream.indirect_vreg.gather [hbm4b:s8+s28], $0x80, v38, vm0, $0xb8;
	[tilespmem:$0x8480] =	vst v63  }
0x485: {  	v44 =	vperm.xlane v19, v10;
	v43 =	vadd.s32 v3, v42;
	s11 =	simm.s32 $0x5E80  }
0x486: {  	[tilespmem:s11], [sflag:$0x3] =	stream.indirect_vreg.gather [hbm4b:s8+s28], $0x80, v40, vm0, $0xb8;
	[tilespmem:$0x8480] =	vst v63  }
0x487: {  	v46 =	vperm.xlane v19, v11;
	v45 =	vadd.s32 v3, v44;
	s31 =	simm.s32 $0x5F00  }
0x488: {  	[tilespmem:s31], [sflag:$0x3] =	stream.indirect_vreg.gather [hbm4b:s8+s28], $0x80, v20, vm0, $0xb8;
	[tilespmem:$0x8480] =	vst v63  }
0x489: {  	v47 =	vperm.xlane v19, v12;
	s1 =	simm.s32 $0x5F80;
	v20 =	vadd.s32 v3, v46  }
0x48a: {  	[tilespmem:s1], [sflag:$0x3] =	stream.indirect_vreg.gather [hbm4b:s8+s28], $0x80, v43, vm0, $0xb8;
	[tilespmem:$0x8480] =	vst v63  }
0x48b: {  	v49 =	vperm.xlane v19, v13;
	v48 =	vadd.s32 v3, v47;
	s11 =	simm.s32 $0x6000  }
0x48c: {  	[tilespmem:s11], [sflag:$0x3] =	stream.indirect_vreg.gather [hbm4b:s8+s28], $0x80, v45, vm0, $0xb8;
	[tilespmem:$0x8480] =	vst v63  }
0x48d: {  	v51 =	vperm.xlane v19, v14;
	v50 =	vadd.s32 v3, v49;
	s31 =	simm.s32 $0x6080  }
0x48e: {  	[tilespmem:s31], [sflag:$0x3] =	stream.indirect_vreg.gather [hbm4b:s8+s28], $0x80, v20, vm0, $0xb8;
	[tilespmem:$0x8480] =	vst v63  }
0x48f: {  	v52 =	vperm.xlane v19, v15;
	s1 =	simm.s32 $0x6100;
	v20 =	vadd.s32 v3, v51  }
0x490: {  	[tilespmem:s1], [sflag:$0x3] =	stream.indirect_vreg.gather [hbm4b:s8+s28], $0x80, v48, vm0, $0xb8;
	[tilespmem:$0x8480] =	vst v63  }
0x491: {  	v54 =	vperm.xlane v19, v16;
	v53 =	vadd.s32 v3, v52;
	s11 =	simm.s32 $0x6180  }
0x492: {  	[tilespmem:s11], [sflag:$0x3] =	stream.indirect_vreg.gather [hbm4b:s8+s28], $0x80, v50, vm0, $0xb8;
	[tilespmem:$0x8480] =	vst v63  }
0x493: {  	v19 =	vperm.xlane v19, v17;
	v55 =	vadd.s32 v3, v54;
	s31 =	simm.s32 $0x6200  }
0x494: {  	[tilespmem:s31], [sflag:$0x3] =	stream.indirect_vreg.gather [hbm4b:s8+s28], $0x80, v20, vm0, $0xb8;
	[tilespmem:$0x8480] =	vst v63  }
0x495: {  	v19 =	vadd.s32 v3, v19;
	s1 =	simm.s32 $0x6280  }
0x496: {  	[tilespmem:s1], [sflag:$0x3] =	stream.indirect_vreg.gather [hbm4b:s8+s28], $0x80, v53, vm0, $0xb8;
	[tilespmem:$0x8480] =	vst v63  }
0x497: {  	s11 =	simm.s32 $0x6300  }
0x498: {  	[tilespmem:s11], [sflag:$0x3] =	stream.indirect_vreg.gather [hbm4b:s8+s28], $0x80, v55, vm0, $0xb8;
	[tilespmem:$0x8480] =	vst v63  }
0x499: {  	s31 =	simm.s32 $0x6380  }
0x49a: {  	[tilespmem:s31], [sflag:$0x3] =	stream.indirect_vreg.gather [hbm4b:s8+s28], $0x80, v19, vm0, $0xb8;
	[tilespmem:$0x8480] =	vst v63  }
0x49b: {  	v19 =	vld [tilespmem:$0x1C0];
	_ =	sdelay $0x4  }
0x49c: {  	v20 =	vshll.u32 v19, $0x7  }
0x49d: {  	v19 =	vand.u32 $0x7, v19;
	v20 =	vand.u32 $0xFFFFFC00, v20  }
0x49e: {  	v19 =	vor.u32 v19, v20  }
0x49f: {  	v20 =	vperm.xlane v19, v2;
	_ =	sdelay $0x1  }
0x4a0: {  	v56 =	vperm.xlane v19, v4;
	v20 =	vadd.s32 v3, v20;
	_ =	sdelay $0x1  }
0x4a1: {  	v57 =	vperm.xlane v19, v5;
	v21 =	vadd.s32 v3, v56;
	_ =	sdelay $0x1  }
0x4a2: {  	s1 =	simm.s32 $0x6400;
	v58 =	vperm.xlane v19, v6;
	v22 =	vadd.s32 v3, v57  }
0x4a3: {  	[tilespmem:s1], [sflag:$0x3] =	stream.indirect_vreg.gather [hbm4b:s8+s28], $0x80, v20, vm0, $0xb8;
	[tilespmem:$0x8480] =	vst v63  }
0x4a4: {  	s11 =	simm.s32 $0x6480;
	v59 =	vperm.xlane v19, v7;
	v20 =	vadd.s32 v3, v58  }
0x4a5: {  	[tilespmem:s11], [sflag:$0x3] =	stream.indirect_vreg.gather [hbm4b:s8+s28], $0x80, v21, vm0, $0xb8;
	[tilespmem:$0x8480] =	vst v63  }
0x4a6: {  	s31 =	simm.s32 $0x6500;
	v61 =	vperm.xlane v19, v8;
	v60 =	vadd.s32 v3, v59  }
0x4a7: {  	[tilespmem:s31], [sflag:$0x3] =	stream.indirect_vreg.gather [hbm4b:s8+s28], $0x80, v22, vm0, $0xb8;
	[tilespmem:$0x8480] =	vst v63  }
0x4a8: {  	v63 =	vperm.xlane v19, v9;
	v62 =	vadd.s32 v3, v61;
	s1 =	simm.s32 $0x6580  }
0x4a9: {  	[tilespmem:s1], [sflag:$0x3] =	stream.indirect_vreg.gather [hbm4b:s8+s28], $0x80, v20, vm0, $0xb8;
	[tilespmem:$0x8480] =	vst v63  }
0x4aa: {  	v24 =	vperm.xlane v19, v1;
	s11 =	simm.s32 $0x6600;
	v20 =	vadd.s32 v3, v63  }
0x4ab: {  	[tilespmem:s11], [sflag:$0x3] =	stream.indirect_vreg.gather [hbm4b:s8+s28], $0x80, v60, vm0, $0xb8;
	[tilespmem:$0x8480] =	vst v63  }
0x4ac: {  	v26 =	vperm.xlane v19, v10;
	v25 =	vadd.s32 v3, v24;
	s31 =	simm.s32 $0x6680  }
0x4ad: {  	[tilespmem:s31], [sflag:$0x3] =	stream.indirect_vreg.gather [hbm4b:s8+s28], $0x80, v62, vm0, $0xb8;
	[tilespmem:$0x8480] =	vst v63  }
0x4ae: {  	v28 =	vperm.xlane v19, v11;
	v27 =	vadd.s32 v3, v26;
	s1 =	simm.s32 $0x6700  }
0x4af: {  	[tilespmem:s1], [sflag:$0x3] =	stream.indirect_vreg.gather [hbm4b:s8+s28], $0x80, v20, vm0, $0xb8;
	[tilespmem:$0x8480] =	vst v63  }
0x4b0: {  	v29 =	vperm.xlane v19, v12;
	s11 =	simm.s32 $0x6780;
	v20 =	vadd.s32 v3, v28  }
0x4b1: {  	[tilespmem:s11], [sflag:$0x3] =	stream.indirect_vreg.gather [hbm4b:s8+s28], $0x80, v25, vm0, $0xb8;
	[tilespmem:$0x8480] =	vst v63  }
0x4b2: {  	v31 =	vperm.xlane v19, v13;
	v30 =	vadd.s32 v3, v29;
	s31 =	simm.s32 $0x6800  }
0x4b3: {  	[tilespmem:s31], [sflag:$0x3] =	stream.indirect_vreg.gather [hbm4b:s8+s28], $0x80, v27, vm0, $0xb8;
	[tilespmem:$0x8480] =	vst v63  }
0x4b4: {  	v33 =	vperm.xlane v19, v14;
	v32 =	vadd.s32 v3, v31;
	s1 =	simm.s32 $0x6880  }
0x4b5: {  	[tilespmem:s1], [sflag:$0x3] =	stream.indirect_vreg.gather [hbm4b:s8+s28], $0x80, v20, vm0, $0xb8;
	[tilespmem:$0x8480] =	vst v63  }
0x4b6: {  	v34 =	vperm.xlane v19, v15;
	s11 =	simm.s32 $0x6900;
	v20 =	vadd.s32 v3, v33  }
0x4b7: {  	[tilespmem:s11], [sflag:$0x3] =	stream.indirect_vreg.gather [hbm4b:s8+s28], $0x80, v30, vm0, $0xb8;
	[tilespmem:$0x8480] =	vst v63  }
0x4b8: {  	v36 =	vperm.xlane v19, v16;
	v35 =	vadd.s32 v3, v34;
	s31 =	simm.s32 $0x6980  }
0x4b9: {  	[tilespmem:s31], [sflag:$0x3] =	stream.indirect_vreg.gather [hbm4b:s8+s28], $0x80, v32, vm0, $0xb8;
	[tilespmem:$0x8480] =	vst v63  }
0x4ba: {  	v19 =	vperm.xlane v19, v17;
	v37 =	vadd.s32 v3, v36;
	s1 =	simm.s32 $0x6A00  }
0x4bb: {  	[tilespmem:s1], [sflag:$0x3] =	stream.indirect_vreg.gather [hbm4b:s8+s28], $0x80, v20, vm0, $0xb8;
	[tilespmem:$0x8480] =	vst v63  }
0x4bc: {  	v19 =	vadd.s32 v3, v19;
	s11 =	simm.s32 $0x6A80  }
0x4bd: {  	[tilespmem:s11], [sflag:$0x3] =	stream.indirect_vreg.gather [hbm4b:s8+s28], $0x80, v35, vm0, $0xb8;
	[tilespmem:$0x8480] =	vst v63  }
0x4be: {  	s31 =	simm.s32 $0x6B00  }
0x4bf: {  	[tilespmem:s31], [sflag:$0x3] =	stream.indirect_vreg.gather [hbm4b:s8+s28], $0x80, v37, vm0, $0xb8;
	[tilespmem:$0x8480] =	vst v63  }
0x4c0: {  	s1 =	simm.s32 $0x6B80  }
0x4c1: {  	[tilespmem:s1], [sflag:$0x3] =	stream.indirect_vreg.gather [hbm4b:s8+s28], $0x80, v19, vm0, $0xb8;
	[tilespmem:$0x8480] =	vst v63  }
0x4c2: {  	v19 =	vld [tilespmem:$0x1D0];
	_ =	sdelay $0x4  }
0x4c3: {  	v20 =	vshll.u32 v19, $0x7  }
0x4c4: {  	v19 =	vand.u32 $0x7, v19;
	v20 =	vand.u32 $0xFFFFFC00, v20  }
0x4c5: {  	v19 =	vor.u32 v19, v20  }
0x4c6: {  	v20 =	vperm.xlane v19, v2;
	_ =	sdelay $0x1  }
0x4c7: {  	v38 =	vperm.xlane v19, v4;
	v20 =	vadd.s32 v3, v20;
	_ =	sdelay $0x1  }
0x4c8: {  	v39 =	vperm.xlane v19, v5;
	v21 =	vadd.s32 v3, v38;
	_ =	sdelay $0x1  }
0x4c9: {  	s11 =	simm.s32 $0x6C00;
	v40 =	vperm.xlane v19, v6;
	v22 =	vadd.s32 v3, v39  }
0x4ca: {  	[tilespmem:s11], [sflag:$0x3] =	stream.indirect_vreg.gather [hbm4b:s8+s28], $0x80, v20, vm0, $0xb8;
	[tilespmem:$0x8480] =	vst v63  }
0x4cb: {  	s31 =	simm.s32 $0x6C80;
	v41 =	vperm.xlane v19, v7;
	v20 =	vadd.s32 v3, v40  }
0x4cc: {  	[tilespmem:s31], [sflag:$0x3] =	stream.indirect_vreg.gather [hbm4b:s8+s28], $0x80, v21, vm0, $0xb8;
	[tilespmem:$0x8480] =	vst v63  }
0x4cd: {  	s1 =	simm.s32 $0x6D00;
	v43 =	vperm.xlane v19, v8;
	v42 =	vadd.s32 v3, v41  }
0x4ce: {  	[tilespmem:s1], [sflag:$0x3] =	stream.indirect_vreg.gather [hbm4b:s8+s28], $0x80, v22, vm0, $0xb8;
	[tilespmem:$0x8480] =	vst v63  }
0x4cf: {  	v45 =	vperm.xlane v19, v9;
	v44 =	vadd.s32 v3, v43;
	s11 =	simm.s32 $0x6D80  }
0x4d0: {  	[tilespmem:s11], [sflag:$0x3] =	stream.indirect_vreg.gather [hbm4b:s8+s28], $0x80, v20, vm0, $0xb8;
	[tilespmem:$0x8480] =	vst v63  }
0x4d1: {  	v46 =	vperm.xlane v19, v1;
	s31 =	simm.s32 $0x6E00;
	v20 =	vadd.s32 v3, v45  }
0x4d2: {  	[tilespmem:s31], [sflag:$0x3] =	stream.indirect_vreg.gather [hbm4b:s8+s28], $0x80, v42, vm0, $0xb8;
	[tilespmem:$0x8480] =	vst v63  }
0x4d3: {  	v48 =	vperm.xlane v19, v10;
	v47 =	vadd.s32 v3, v46;
	s1 =	simm.s32 $0x6E80  }
0x4d4: {  	[tilespmem:s1], [sflag:$0x3] =	stream.indirect_vreg.gather [hbm4b:s8+s28], $0x80, v44, vm0, $0xb8;
	[tilespmem:$0x8480] =	vst v63  }
0x4d5: {  	v50 =	vperm.xlane v19, v11;
	v49 =	vadd.s32 v3, v48;
	s11 =	simm.s32 $0x6F00  }
0x4d6: {  	[tilespmem:s11], [sflag:$0x3] =	stream.indirect_vreg.gather [hbm4b:s8+s28], $0x80, v20, vm0, $0xb8;
	[tilespmem:$0x8480] =	vst v63  }
0x4d7: {  	v51 =	vperm.xlane v19, v12;
	s31 =	simm.s32 $0x6F80;
	v20 =	vadd.s32 v3, v50  }
0x4d8: {  	[tilespmem:s31], [sflag:$0x3] =	stream.indirect_vreg.gather [hbm4b:s8+s28], $0x80, v47, vm0, $0xb8;
	[tilespmem:$0x8480] =	vst v63  }
0x4d9: {  	v53 =	vperm.xlane v19, v13;
	v52 =	vadd.s32 v3, v51;
	s1 =	simm.s32 $0x7000  }
0x4da: {  	[tilespmem:s1], [sflag:$0x3] =	stream.indirect_vreg.gather [hbm4b:s8+s28], $0x80, v49, vm0, $0xb8;
	[tilespmem:$0x8480] =	vst v63  }
0x4db: {  	v55 =	vperm.xlane v19, v14;
	v54 =	vadd.s32 v3, v53;
	s11 =	simm.s32 $0x7080  }
0x4dc: {  	[tilespmem:s11], [sflag:$0x3] =	stream.indirect_vreg.gather [hbm4b:s8+s28], $0x80, v20, vm0, $0xb8;
	[tilespmem:$0x8480] =	vst v63  }
0x4dd: {  	v56 =	vperm.xlane v19, v15;
	s31 =	simm.s32 $0x7100;
	v20 =	vadd.s32 v3, v55  }
0x4de: {  	[tilespmem:s31], [sflag:$0x3] =	stream.indirect_vreg.gather [hbm4b:s8+s28], $0x80, v52, vm0, $0xb8;
	[tilespmem:$0x8480] =	vst v63  }
0x4df: {  	v58 =	vperm.xlane v19, v16;
	v57 =	vadd.s32 v3, v56;
	s1 =	simm.s32 $0x7180  }
0x4e0: {  	[tilespmem:s1], [sflag:$0x3] =	stream.indirect_vreg.gather [hbm4b:s8+s28], $0x80, v54, vm0, $0xb8;
	[tilespmem:$0x8480] =	vst v63  }
0x4e1: {  	v19 =	vperm.xlane v19, v17;
	v59 =	vadd.s32 v3, v58;
	s11 =	simm.s32 $0x7200  }
0x4e2: {  	[tilespmem:s11], [sflag:$0x3] =	stream.indirect_vreg.gather [hbm4b:s8+s28], $0x80, v20, vm0, $0xb8;
	[tilespmem:$0x8480] =	vst v63  }
0x4e3: {  	v19 =	vadd.s32 v3, v19;
	s31 =	simm.s32 $0x7280  }
0x4e4: {  	[tilespmem:s31], [sflag:$0x3] =	stream.indirect_vreg.gather [hbm4b:s8+s28], $0x80, v57, vm0, $0xb8;
	[tilespmem:$0x8480] =	vst v63  }
0x4e5: {  	s1 =	simm.s32 $0x7300  }
0x4e6: {  	[tilespmem:s1], [sflag:$0x3] =	stream.indirect_vreg.gather [hbm4b:s8+s28], $0x80, v59, vm0, $0xb8;
	[tilespmem:$0x8480] =	vst v63  }
0x4e7: {  	s11 =	simm.s32 $0x7380  }
0x4e8: {  	[tilespmem:s11], [sflag:$0x3] =	stream.indirect_vreg.gather [hbm4b:s8+s28], $0x80, v19, vm0, $0xb8;
	[tilespmem:$0x8480] =	vst v63  }
0x4e9: {  	v19 =	vld [tilespmem:$0x1E0];
	_ =	sdelay $0x4  }
0x4ea: {  	v20 =	vshll.u32 v19, $0x7  }
0x4eb: {  	v19 =	vand.u32 $0x7, v19;
	v20 =	vand.u32 $0xFFFFFC00, v20  }
0x4ec: {  	v19 =	vor.u32 v19, v20  }
0x4ed: {  	v20 =	vperm.xlane v19, v2;
	_ =	sdelay $0x1  }
0x4ee: {  	v60 =	vperm.xlane v19, v4;
	v20 =	vadd.s32 v3, v20;
	_ =	sdelay $0x1  }
0x4ef: {  	v61 =	vperm.xlane v19, v5;
	v21 =	vadd.s32 v3, v60;
	_ =	sdelay $0x1  }
0x4f0: {  	s31 =	simm.s32 $0x7400;
	v62 =	vperm.xlane v19, v6;
	v22 =	vadd.s32 v3, v61  }
0x4f1: {  	[tilespmem:s31], [sflag:$0x3] =	stream.indirect_vreg.gather [hbm4b:s8+s28], $0x80, v20, vm0, $0xb8;
	[tilespmem:$0x8480] =	vst v63  }
0x4f2: {  	s1 =	simm.s32 $0x7480;
	v63 =	vperm.xlane v19, v7;
	v20 =	vadd.s32 v3, v62  }
0x4f3: {  	[tilespmem:s1], [sflag:$0x3] =	stream.indirect_vreg.gather [hbm4b:s8+s28], $0x80, v21, vm0, $0xb8;
	[tilespmem:$0x8480] =	vst v63  }
0x4f4: {  	s11 =	simm.s32 $0x7500;
	v25 =	vperm.xlane v19, v8;
	v24 =	vadd.s32 v3, v63  }
0x4f5: {  	[tilespmem:s11], [sflag:$0x3] =	stream.indirect_vreg.gather [hbm4b:s8+s28], $0x80, v22, vm0, $0xb8;
	[tilespmem:$0x8480] =	vst v63  }
0x4f6: {  	v27 =	vperm.xlane v19, v9;
	v26 =	vadd.s32 v3, v25;
	s31 =	simm.s32 $0x7580  }
0x4f7: {  	[tilespmem:s31], [sflag:$0x3] =	stream.indirect_vreg.gather [hbm4b:s8+s28], $0x80, v20, vm0, $0xb8;
	[tilespmem:$0x8480] =	vst v63  }
0x4f8: {  	v28 =	vperm.xlane v19, v1;
	s1 =	simm.s32 $0x7600;
	v20 =	vadd.s32 v3, v27  }
0x4f9: {  	[tilespmem:s1], [sflag:$0x3] =	stream.indirect_vreg.gather [hbm4b:s8+s28], $0x80, v24, vm0, $0xb8;
	[tilespmem:$0x8480] =	vst v63  }
0x4fa: {  	v30 =	vperm.xlane v19, v10;
	v29 =	vadd.s32 v3, v28;
	s11 =	simm.s32 $0x7680  }
0x4fb: {  	[tilespmem:s11], [sflag:$0x3] =	stream.indirect_vreg.gather [hbm4b:s8+s28], $0x80, v26, vm0, $0xb8;
	[tilespmem:$0x8480] =	vst v63  }
0x4fc: {  	v32 =	vperm.xlane v19, v11;
	v31 =	vadd.s32 v3, v30;
	s31 =	simm.s32 $0x7700  }
0x4fd: {  	[tilespmem:s31], [sflag:$0x3] =	stream.indirect_vreg.gather [hbm4b:s8+s28], $0x80, v20, vm0, $0xb8;
	[tilespmem:$0x8480] =	vst v63  }
0x4fe: {  	v33 =	vperm.xlane v19, v12;
	s1 =	simm.s32 $0x7780;
	v20 =	vadd.s32 v3, v32  }
0x4ff: {  	[tilespmem:s1], [sflag:$0x3] =	stream.indirect_vreg.gather [hbm4b:s8+s28], $0x80, v29, vm0, $0xb8;
	[tilespmem:$0x8480] =	vst v63  }
0x500: {  	v35 =	vperm.xlane v19, v13;
	v34 =	vadd.s32 v3, v33;
	s11 =	simm.s32 $0x7800  }
0x501: {  	[tilespmem:s11], [sflag:$0x3] =	stream.indirect_vreg.gather [hbm4b:s8+s28], $0x80, v31, vm0, $0xb8;
	[tilespmem:$0x8480] =	vst v63  }
0x502: {  	v37 =	vperm.xlane v19, v14;
	v36 =	vadd.s32 v3, v35;
	s31 =	simm.s32 $0x7880  }
0x503: {  	[tilespmem:s31], [sflag:$0x3] =	stream.indirect_vreg.gather [hbm4b:s8+s28], $0x80, v20, vm0, $0xb8;
	[tilespmem:$0x8480] =	vst v63  }
0x504: {  	v38 =	vperm.xlane v19, v15;
	s1 =	simm.s32 $0x7900;
	v20 =	vadd.s32 v3, v37  }
0x505: {  	[tilespmem:s1], [sflag:$0x3] =	stream.indirect_vreg.gather [hbm4b:s8+s28], $0x80, v34, vm0, $0xb8;
	[tilespmem:$0x8480] =	vst v63  }
0x506: {  	v40 =	vperm.xlane v19, v16;
	v39 =	vadd.s32 v3, v38;
	s11 =	simm.s32 $0x7980  }
0x507: {  	[tilespmem:s11], [sflag:$0x3] =	stream.indirect_vreg.gather [hbm4b:s8+s28], $0x80, v36, vm0, $0xb8;
	[tilespmem:$0x8480] =	vst v63  }
0x508: {  	v19 =	vperm.xlane v19, v17;
	v41 =	vadd.s32 v3, v40;
	s31 =	simm.s32 $0x7A00  }
0x509: {  	[tilespmem:s31], [sflag:$0x3] =	stream.indirect_vreg.gather [hbm4b:s8+s28], $0x80, v20, vm0, $0xb8;
	[tilespmem:$0x8480] =	vst v63  }
0x50a: {  	v19 =	vadd.s32 v3, v19;
	s1 =	simm.s32 $0x7A80  }
0x50b: {  	[tilespmem:s1], [sflag:$0x3] =	stream.indirect_vreg.gather [hbm4b:s8+s28], $0x80, v39, vm0, $0xb8;
	[tilespmem:$0x8480] =	vst v63  }
0x50c: {  	s11 =	simm.s32 $0x7B00  }
0x50d: {  	[tilespmem:s11], [sflag:$0x3] =	stream.indirect_vreg.gather [hbm4b:s8+s28], $0x80, v41, vm0, $0xb8;
	[tilespmem:$0x8480] =	vst v63  }
0x50e: {  	s31 =	simm.s32 $0x7B80  }
0x50f: {  	[tilespmem:s31], [sflag:$0x3] =	stream.indirect_vreg.gather [hbm4b:s8+s28], $0x80, v19, vm0, $0xb8;
	[tilespmem:$0x8480] =	vst v63  }
0x510: {  	v19 =	vld [tilespmem:$0x1F0];
	_ =	sdelay $0x4  }
0x511: {  	v20 =	vshll.u32 v19, $0x7  }
0x512: {  	v19 =	vand.u32 $0x7, v19;
	v20 =	vand.u32 $0xFFFFFC00, v20  }
0x513: {  	v19 =	vor.u32 v19, v20  }
0x514: {  	v20 =	vperm.xlane v19, v2;
	_ =	sdelay $0x1  }
0x515: {  	v42 =	vperm.xlane v19, v4;
	v20 =	vadd.s32 v3, v20;
	_ =	sdelay $0x1  }
0x516: {  	v43 =	vperm.xlane v19, v5;
	v21 =	vadd.s32 v3, v42;
	_ =	sdelay $0x1  }
0x517: {  	s1 =	simm.s32 $0x7C00;
	v44 =	vperm.xlane v19, v6;
	v22 =	vadd.s32 v3, v43  }
0x518: {  	[tilespmem:s1], [sflag:$0x3] =	stream.indirect_vreg.gather [hbm4b:s8+s28], $0x80, v20, vm0, $0xb8;
	[tilespmem:$0x8480] =	vst v63  }
0x519: {  	s11 =	simm.s32 $0x7C80;
	v45 =	vperm.xlane v19, v7;
	v20 =	vadd.s32 v3, v44  }
0x51a: {  	[tilespmem:s11], [sflag:$0x3] =	stream.indirect_vreg.gather [hbm4b:s8+s28], $0x80, v21, vm0, $0xb8;
	[tilespmem:$0x8480] =	vst v63  }
0x51b: {  	s31 =	simm.s32 $0x7D00;
	v47 =	vperm.xlane v19, v8;
	v46 =	vadd.s32 v3, v45  }
0x51c: {  	[tilespmem:s31], [sflag:$0x3] =	stream.indirect_vreg.gather [hbm4b:s8+s28], $0x80, v22, vm0, $0xb8;
	[tilespmem:$0x8480] =	vst v63  }
0x51d: {  	v49 =	vperm.xlane v19, v9;
	v48 =	vadd.s32 v3, v47  }
0x51e: {  	[tilespmem:s13], [sflag:$0x3] =	stream.indirect_vreg.gather [hbm4b:s8+s28], $0x80, v20, vm0, $0xb8;
	[tilespmem:$0x8480] =	vst v63  }
0x51f: {  	v50 =	vperm.xlane v19, v1;
	v20 =	vadd.s32 v3, v49  }
0x520: {  	[tilespmem:s22], [sflag:$0x3] =	stream.indirect_vreg.gather [hbm4b:s8+s28], $0x80, v46, vm0, $0xb8;
	[tilespmem:$0x8480] =	vst v63  }
0x521: {  	v52 =	vperm.xlane v19, v10;
	v51 =	vadd.s32 v3, v50  }
0x522: {  	[tilespmem:s21], [sflag:$0x3] =	stream.indirect_vreg.gather [hbm4b:s8+s28], $0x80, v48, vm0, $0xb8;
	[tilespmem:$0x8480] =	vst v63  }
0x523: {  	v54 =	vperm.xlane v19, v11;
	v53 =	vadd.s32 v3, v52  }
0x524: {  	[tilespmem:s14], [sflag:$0x3] =	stream.indirect_vreg.gather [hbm4b:s8+s28], $0x80, v20, vm0, $0xb8;
	[tilespmem:$0x8480] =	vst v63  }
0x525: {  	v55 =	vperm.xlane v19, v12;
	v20 =	vadd.s32 v3, v54  }
0x526: {  	[tilespmem:s19], [sflag:$0x3] =	stream.indirect_vreg.gather [hbm4b:s8+s28], $0x80, v51, vm0, $0xb8;
	[tilespmem:$0x8480] =	vst v63  }
0x527: {  	v57 =	vperm.xlane v19, v13;
	v56 =	vadd.s32 v3, v55  }
0x528: {  	[tilespmem:s20], [sflag:$0x3] =	stream.indirect_vreg.gather [hbm4b:s8+s28], $0x80, v53, vm0, $0xb8;
	[tilespmem:$0x8480] =	vst v63  }
0x529: {  	v59 =	vperm.xlane v19, v14;
	v58 =	vadd.s32 v3, v57  }
0x52a: {  	[tilespmem:s18], [sflag:$0x3] =	stream.indirect_vreg.gather [hbm4b:s8+s28], $0x80, v20, vm0, $0xb8;
	[tilespmem:$0x8480] =	vst v63  }
0x52b: {  	v60 =	vperm.xlane v19, v15;
	v20 =	vadd.s32 v3, v59  }
0x52c: {  	[tilespmem:s17], [sflag:$0x3] =	stream.indirect_vreg.gather [hbm4b:s8+s28], $0x80, v56, vm0, $0xb8;
	[tilespmem:$0x8480] =	vst v63  }
0x52d: {  	v62 =	vperm.xlane v19, v16;
	v61 =	vadd.s32 v3, v60  }
0x52e: {  	[tilespmem:s5], [sflag:$0x3] =	stream.indirect_vreg.gather [hbm4b:s8+s28], $0x80, v58, vm0, $0xb8;
	[tilespmem:$0x8480] =	vst v63  }
0x52f: {  	v19 =	vperm.xlane v19, v17;
	v63 =	vadd.s32 v3, v62  }
0x530: {  	[tilespmem:s16], [sflag:$0x3] =	stream.indirect_vreg.gather [hbm4b:s8+s28], $0x80, v20, vm0, $0xb8;
	[tilespmem:$0x8480] =	vst v63  }
0x531: {  	v19 =	vadd.s32 v3, v19  }
0x532: {  	[tilespmem:s15], [sflag:$0x3] =	stream.indirect_vreg.gather [hbm4b:s8+s28], $0x80, v61, vm0, $0xb8;
	[tilespmem:$0x8480] =	vst v63  }
0x533: {  	_ = 	snop  }
0x534: {  	[tilespmem:s3], [sflag:$0x3] =	stream.indirect_vreg.gather [hbm4b:s8+s28], $0x80, v63, vm0, $0xb8;
	[tilespmem:$0x8480] =	vst v63  }
0x535: {  	_ = 	snop  }
0x536: {  	[tilespmem:s9], [sflag:$0x3] =	stream.indirect_vreg.gather [hbm4b:s8+s28], $0x80, v19, vm0, $0xb8;
	[tilespmem:$0x8480] =	vst v63  }
0x537: {  	_ =	swait.ge [sflag:s23], $0x4000  }
0x538: {  	[sflag:s23] =	ssyncset.done $0x0  }
0x539: {  	s29 =	simm.s32 $0x480;
	s30 =	simm.s32 $0x0;
	[sflag:s23] =	ssyncadd.s32 $0xFFFFC000  }
.LBB2_10:
0x53a: {  	s0 =	simm.s32 $0x1  }
0x53b: {  	v20 =	vld [tilespmem:s29+$0x0];
	v21 =	vmov s0  }
0x53c: {  	vm2 =	veq.s32 v21, v0;
	v21 =	vld [tilespmem:s29+$0xFFFFFF80];
	_ =	sdelay $0x2  }
0x53d: {  	v19 =	vimm.f32 $0.0e+00;
	v22 =	vmov s28  }
0x53e: {  	s31 =	simm.s32 $0x2;
	vm1 =	veq.s32 v22, v0;
	s0 =	sadd.s32 $0x100, s29;
	v20 =	vsel vm2, v20, v19  }
.LBB2_11:
0x53f: {  	v22 =	vld [tilespmem:s0+$0x0];
	p0 =	sne.s32 s31, $0xE;
	v19 =	vsel vm1, v21, v19;
	s1 =	smov.u32 s31;
	s31 =	sadd.s32 $0x2, s31  }
.Ltmp4:
0x540: {  	v21 =	vld [tilespmem:s0+$0xFFFFFF80];
	(pc) =	sbr.rel @p0 .LBB2_11-.Ltmp4, $4  }
0x541: {  	s11 =	sadd.s32 $0x1, s1  }
0x542: {  	v23 =	vmov s11  }
0x543: {  	v24 =	vmov s1;
	vm2 =	veq.s32 v23, v0  }
0x544: {  	s0 =	sadd.s32 $0x100, s0;
	vm1 =	veq.s32 v24, v0;
	v20 =	vsel vm2, v22, v20  }
0x545: {  	v19 =	vsel vm1, v21, v19  }
0x546: {  	v19 =	vadd.f32 v20, v19;
	_ =	sdelay $0x1  }
0x547: {  	v19 =	vmul.f32 $1.442695020e+00, v19;
	_ =	sdelay $0x1  }
0x548: {  	(erf) = vpow2.f32 v19;
	_ =	sdelay $0x2  }
0x549: {  	s0 =	sshll.u32 s30, $0x4  }
0x54a: {  	s0 =	sand.u32 $0x3FFFFFF0, s0  }
0x54b: {  	v19 =	vld [tilespmem:s0+$0x300]  }
0x54c: {  	s30 =	sadd.s32 $0x1, s30  }
0x54d: {  	p0 =	sne.s32 s30, $0x8  }
.Ltmp5:
0x54e: {  	_ = 	snop;
	(pc) =	sbr.rel @p0 .LBB2_10-.Ltmp5, $3  }
0x54f: {  	v20 =	vpop (erf)  }
0x550: {  	v19 =	vmul.f32 v19, v20;
	_ =	sdelay $0x1  }
0x551: {  	s29 =	sadd.s32 $0x810, s29;
	v18 =	vadd.f32 v19, v18  }
0x552: {  	_ =	swait.ge [sflag:s24], $0x4000  }
0x553: {  	s28 =	simm.s32 $0x0;
	[sflag:s24] =	ssyncset.done $0x0  }
0x554: {  	s29 =	simm.s32 $0x4480;
	s30 =	simm.s32 $0x0;
	[sflag:s24] =	ssyncadd.s32 $0xFFFFC000  }
.LBB2_14:
0x555: {  	s0 =	simm.s32 $0x1  }
0x556: {  	v20 =	vld [tilespmem:s29+$0x0];
	v21 =	vmov s0  }
0x557: {  	vm2 =	veq.s32 v21, v0;
	v21 =	vld [tilespmem:s29+$0xFFFFFF80];
	_ =	sdelay $0x2  }
0x558: {  	v19 =	vimm.f32 $0.0e+00;
	v22 =	vmov s28  }
0x559: {  	s31 =	simm.s32 $0x2;
	vm1 =	veq.s32 v22, v0;
	s0 =	sadd.s32 $0x100, s29;
	v20 =	vsel vm2, v20, v19  }
.LBB2_15:
0x55a: {  	v22 =	vld [tilespmem:s0+$0x0];
	p0 =	sne.s32 s31, $0xE;
	v19 =	vsel vm1, v21, v19;
	s1 =	smov.u32 s31;
	s31 =	sadd.s32 $0x2, s31  }
.Ltmp6:
0x55b: {  	v21 =	vld [tilespmem:s0+$0xFFFFFF80];
	(pc) =	sbr.rel @p0 .LBB2_15-.Ltmp6, $4  }
0x55c: {  	s11 =	sadd.s32 $0x1, s1  }
0x55d: {  	v23 =	vmov s11  }
0x55e: {  	v24 =	vmov s1;
	vm2 =	veq.s32 v23, v0  }
0x55f: {  	s0 =	sadd.s32 $0x100, s0;
	vm1 =	veq.s32 v24, v0;
	v20 =	vsel vm2, v22, v20  }
0x560: {  	v19 =	vsel vm1, v21, v19  }
0x561: {  	v19 =	vadd.f32 v20, v19;
	_ =	sdelay $0x1  }
0x562: {  	v19 =	vmul.f32 $1.442695020e+00, v19;
	_ =	sdelay $0x1  }
0x563: {  	(erf) = vpow2.f32 v19;
	_ =	sdelay $0x2  }
0x564: {  	s0 =	sshll.u32 s30, $0x4  }
0x565: {  	s0 =	sand.u32 $0x3FFFFFF0, s0  }
0x566: {  	v19 =	vld [tilespmem:s0+$0x380]  }
0x567: {  	s30 =	sadd.s32 $0x1, s30  }
0x568: {  	p0 =	sne.s32 s30, $0x8  }
.Ltmp7:
0x569: {  	_ = 	snop;
	(pc) =	sbr.rel @p0 .LBB2_14-.Ltmp7, $3  }
0x56a: {  	v20 =	vpop (erf)  }
0x56b: {  	v19 =	vmul.f32 v19, v20;
	_ =	sdelay $0x1  }
0x56c: {  	s29 =	sadd.s32 $0x810, s29;
	v18 =	vadd.f32 v19, v18  }
0x56d: {  	_ = 	snop  }
0x56e: {  	s0 =	rddreg [dreg:$0x7];
	s1 =	simm.s32 $0x8400;
	[tilespmem:$0x8400] =	vst v18  }
0x56f: {  	[hbm4b:s0+s2] =	stream.linear.scatter [tilespmem:s1], [sflag:$0x4], $0x80, $0x38;
	[tilespmem:$0x8480] =	vst v63  }
0x570: {  	_ =	swait.ge [sflag:s25], $0x80  }
0x571: {  	s26 =	sadd.s32 $0x1, s26;
	s31 =	rddreg [dreg:$0x8]  }
0x572: {  	p0 =	sne.s32 s26, s31  }
.Ltmp8:
0x573: {  	_ = 	snop;
	(pc) =	sbr.rel @p0 .LBB2_1-.Ltmp8, $3  }
0x574: {  	_ =	sdelay $0x1  }
0x575: {  	[sflag:s25] =	ssyncset.done $0x0  }
0x576: {  	s11 =	simm.s32 $0x400;
	[sflag:s25] =	ssyncadd.s32 $0xFFFFFF80  }
0x577: {  	_ =	sfence.sel $0x180000  }
0x578: {  	[bflag:$0x0] =	sbarrier.arrive $0xFFFF  }
0x579: {  	_ =	strace $0x90000047  }
0x57a: {  	s0 =	stileid.u32;
	[bflag:$0x2] =	sbarrier.arrive $0xFFFF  }
0x57b: {  	p0 =	sne.s32 s0, $0x0;
	s0 =	rddreg [dreg:$0x4]  }
0x57c: {  	s0 =	sadd.s32 @!p0 $0x100000, s0  }
0x57d: {  	[sflag:s0] =	ssyncadd.tile.s32 @!p0 $0x1;
	_ =	shalt  }
.Lfunc_end2:
_tile_overlayer_lowered:
.L_overlay_start_2:
0x57e: {  	(tag) =	ssettag $0x2  }
0x57f: {  	s0 =	rddreg [dreg:$0x0];
	s2 =	stileid.u32  }
0x580: {  	s1 =	rddreg [dreg:$0x1];
	p0 =	sne.s32 s2, $0x0  }
0x581: {  	s3 =	rddreg [dreg:$0x2];
	[bflag:$0x3] =	sbarrier.arrive $0xFFFF;
	s2 =	simm.s32 @!p0 $0x1C04  }
0x582: {  	[timem:s3], [sflag:s2] =	dma.local @!p0 [hbm:s0], s1  }
0x583: {  	s0 =	simm.s32 @!p0 $0x4  }
0x584: {  	_ =	swait.ge @!p0 [sflag:s0], s1  }
0x585: {  	s1 =	ssub.s32 @!p0 $0x0, s1;
	[sflag:s0] =	ssyncset.done @!p0 $0x0  }
0x586: {  	[sflag:s0] =	ssyncadd.s32 @!p0 s1  }
0x587: {  	[bflag:$0x3] =	sbarrier.arrive $0xFFFF  }
0x588: {  	_ =	shalt  }

</sc_bundles>
